<compile_context>
chip_gen: v7x
topology: tpu7x:2x2x1
jax: 0.10.2.dev20260603
libtpu: 0.0.44.dev20260713+nightly
codegen_flags: <defaults>
</compile_context>

<pallas_src>
import jax
import jax.numpy as jnp
from jax import lax
from jax.experimental import pallas as pl
from jax.experimental.pallas import tpu as pltpu
from jax.experimental.pallas import tpu_sc as plsc

_NC = 2
_NS = 16
_NW = _NC * _NS
_L = 16
_CHUNK = 256


def _sc_body(gum_hbm, gim_hbm, out_hbm, a_v, b_v, o_v):
    rows = o_v.shape[0]
    chunk = a_v.shape[0]
    n_cols = a_v.shape[1]
    wid = lax.axis_index("s") * _NC + lax.axis_index("c")
    base = wid * rows

    lanes = lax.iota(jnp.int32, _L)

    for h in range(rows // chunk):
        pltpu.sync_copy(gum_hbm.at[pl.ds(base + h * chunk, chunk), :], a_v)
        pltpu.sync_copy(gim_hbm.at[pl.ds(base + h * chunk, chunk), :], b_v)

        def group(g, carry):
            row_idx = g * _L + lanes
            acc = jnp.zeros((_L,), jnp.float32)
            for c in range(n_cols):
                col_idx = jnp.bitwise_and(c + lanes, n_cols - 1)
                ga = plsc.load_gather(a_v, [row_idx, col_idx])
                gb = plsc.load_gather(b_v, [row_idx, col_idx])
                acc = acc + ga * gb
            o_v[pl.ds(h * chunk + g * _L, _L)] = acc
            return carry

        lax.fori_loop(0, chunk // _L, group, 0)

    pltpu.sync_copy(o_v, out_hbm.at[pl.ds(base, rows)])


def kernel(gum, gim):
    n_rows, n_cols = gum.shape
    rows_per_w = n_rows // _NW
    mesh = plsc.VectorSubcoreMesh(core_axis_name="c", subcore_axis_name="s")
    xui = pl.kernel(
        _sc_body,
        out_type=jax.ShapeDtypeStruct((n_rows,), jnp.float32),
        mesh=mesh,
        compiler_params=pltpu.CompilerParams(
            needs_layout_passes=False, use_tc_tiling_on_sc=True
        ),
        scratch_types=[
            pltpu.VMEM((_CHUNK, n_cols), jnp.float32),
            pltpu.VMEM((_CHUNK, n_cols), jnp.float32),
            pltpu.VMEM((rows_per_w,), jnp.float32),
        ],
    )(gum, gim)
    return (xui, gum, gim)

# --- scband reference (transcript-rebuilt; emitter-appended) ---
"""Pipeline reference for scband-freedommodel-26465588478613 (READ-ONLY COPY).

The authoritative reference and input builder live on the scoring server;
editing this copy changes nothing except your own understanding.
"""

import jax, jax.numpy as jnp
import numpy as np


def setup_inputs(seed: int = 0) -> dict:
    key = jax.random.key(seed)
    k1, k2 = jax.random.split(key)
    gum = jax.random.normal(k1, (16384, 64), dtype=jnp.float32)
    gim = jax.random.normal(k2, (16384, 64), dtype=jnp.float32)
    return {"gum": gum, "gim": gim}


def reference(gum, gim):
    # Faithful translation of FREEDOMModel.forward:
    #   gamma_u_m = torch.squeeze(gum); gamma_i_m = torch.squeeze(gim)
    #   xui = torch.sum(gamma_u_m * gamma_i_m, 1)
    #   return (xui, gamma_u_m, gamma_i_m)
    gamma_u_m = jnp.squeeze(gum)
    gamma_i_m = jnp.squeeze(gim)
    xui = jnp.sum(gamma_u_m * gamma_i_m, axis=1)
    return (xui, gamma_u_m, gamma_i_m)

if __name__ == "__main__":
    import jax
    _d = setup_inputs()
    print(jax.jit(kernel)(*tuple(_d.values())))

</pallas_src>

<mosaic_0001>
#map = affine_map<(d0, d1) -> (0, 0)>
#map1 = affine_map<(d0, d1) -> (0)>
module attributes {stable_mosaic.version = 14 : i64} {
  func.func @_sc_body(%arg0: i32, %arg1: i32, %arg2: memref<16384x64xf32, #tpu.memory_space<hbm>>, %arg3: memref<16384x64xf32, #tpu.memory_space<hbm>>, %arg4: memref<16384xf32, #tpu.memory_space<hbm>>, %arg5: memref<256x64xf32, #tpu.memory_space<vmem>>, %arg6: memref<256x64xf32, #tpu.memory_space<vmem>>, %arg7: memref<512xf32, #tpu.memory_space<vmem>>) attributes {dimension_semantics = [#tpu.dimension_semantics<core_parallel>, #tpu.dimension_semantics<subcore_parallel>], iteration_bounds = array<i64: 2, 16>, scalar_prefetch = 0 : i64, scratch_operands = 3 : i64, tpu.core_type = #tpu.core_type<sc_vector_subcore>, window_params = [{transform_indices = #map}, {transform_indices = #map}, {transform_indices = #map1}]} {
    %mul3A = arith.constant 2 : i32
    %mul3A_0 = arith.muli %arg1, %mul3A : i32
    %add3A = arith.addi %mul3A_0, %arg0 : i32
    %mul3A_1 = arith.constant 512 : i32
    %mul3A_2 = arith.muli %add3A, %mul3A_1 : i32
    %iota3A = tpu.iota {dimensions = array<i32: 0>} : vector<16xi32>
    %add3A_3 = arith.constant 0 : i32
    %add3A_4 = arith.addi %mul3A_2, %add3A_3 : i32
    "tpu.region"() ({
      %run_scoped3A = tpu.sem_alloc : memref<!tpu.dma_semaphore, #tpu.memory_space<semaphore_mem>>
      %dma_start3A = arith.constant 0 : i32
      %dma_start3A_22 = tpu.memref_slice %arg2[%add3A_4, %dma_start3A] : memref<16384x64xf32, #tpu.memory_space<hbm>> -> memref<256x64xf32, #tpu.memory_space<hbm>>
      %dma_start3A_23 = arith.constant 0 : i32
      %dma_start3A_24 = tpu.memref_slice %arg2[%add3A_4, %dma_start3A_23] : memref<16384x64xf32, #tpu.memory_space<hbm>> -> memref<256x64xf32, #tpu.memory_space<hbm>>
      tpu.enqueue_dma source(%dma_start3A_24 : memref<256x64xf32, #tpu.memory_space<hbm>>) target(%arg5 : memref<256x64xf32, #tpu.memory_space<vmem>>) target_semaphore(%run_scoped3A : memref<!tpu.dma_semaphore, #tpu.memory_space<semaphore_mem>>)
      %dma_wait3A = arith.constant 0 : i32
      %dma_wait3A_25 = tpu.memref_slice %arg2[%add3A_4, %dma_wait3A] : memref<16384x64xf32, #tpu.memory_space<hbm>> -> memref<256x64xf32, #tpu.memory_space<hbm>>
      %dma_wait3A_26 = arith.constant 0 : i32
      %dma_wait3A_27 = tpu.memref_slice %arg2[%add3A_4, %dma_wait3A_26] : memref<16384x64xf32, #tpu.memory_space<hbm>> -> memref<256x64xf32, #tpu.memory_space<hbm>>
      tpu.wait_dma2 semaphore(%run_scoped3A : memref<!tpu.dma_semaphore, #tpu.memory_space<semaphore_mem>>) src(%dma_wait3A_27 : memref<256x64xf32, #tpu.memory_space<hbm>>) dst(%arg5 : memref<256x64xf32, #tpu.memory_space<vmem>>)
      tpu.yield
    }) : () -> ()
    %add3A_5 = arith.constant 0 : i32
    %add3A_6 = arith.addi %mul3A_2, %add3A_5 : i32
    "tpu.region"() ({
      %run_scoped3A = tpu.sem_alloc : memref<!tpu.dma_semaphore, #tpu.memory_space<semaphore_mem>>
      %dma_start3A = arith.constant 0 : i32
      %dma_start3A_22 = tpu.memref_slice %arg3[%add3A_6, %dma_start3A] : memref<16384x64xf32, #tpu.memory_space<hbm>> -> memref<256x64xf32, #tpu.memory_space<hbm>>
      %dma_start3A_23 = arith.constant 0 : i32
      %dma_start3A_24 = tpu.memref_slice %arg3[%add3A_6, %dma_start3A_23] : memref<16384x64xf32, #tpu.memory_space<hbm>> -> memref<256x64xf32, #tpu.memory_space<hbm>>
      tpu.enqueue_dma source(%dma_start3A_24 : memref<256x64xf32, #tpu.memory_space<hbm>>) target(%arg6 : memref<256x64xf32, #tpu.memory_space<vmem>>) target_semaphore(%run_scoped3A : memref<!tpu.dma_semaphore, #tpu.memory_space<semaphore_mem>>)
      %dma_wait3A = arith.constant 0 : i32
      %dma_wait3A_25 = tpu.memref_slice %arg3[%add3A_6, %dma_wait3A] : memref<16384x64xf32, #tpu.memory_space<hbm>> -> memref<256x64xf32, #tpu.memory_space<hbm>>
      %dma_wait3A_26 = arith.constant 0 : i32
      %dma_wait3A_27 = tpu.memref_slice %arg3[%add3A_6, %dma_wait3A_26] : memref<16384x64xf32, #tpu.memory_space<hbm>> -> memref<256x64xf32, #tpu.memory_space<hbm>>
      tpu.wait_dma2 semaphore(%run_scoped3A : memref<!tpu.dma_semaphore, #tpu.memory_space<semaphore_mem>>) src(%dma_wait3A_27 : memref<256x64xf32, #tpu.memory_space<hbm>>) dst(%arg6 : memref<256x64xf32, #tpu.memory_space<vmem>>)
      tpu.yield
    }) : () -> ()
    %scan3A = arith.constant 0 : i32
    %scan3A_7 = arith.constant 0 : i32
    %scan3A_8 = arith.constant 16 : i32
    %scan3A_9 = arith.addi %scan3A_7, %scan3A_8 : i32
    %scan3A_10 = arith.constant 1 : i32
    scf.for %scan3A_22 = %scan3A_7 to %scan3A_9 step %scan3A_10  : i32 {
      %mul3A_23 = arith.constant 16 : i32
      %mul3A_24 = arith.muli %scan3A_22, %mul3A_23 : i32
      %add3A_25 = vector.broadcast %mul3A_24 : i32 to vector<16xi32>
      %add3A_26 = arith.addi %add3A_25, %iota3A : vector<16xi32>
      %broadcast_in_dim3A = arith.constant 0.000000e+00 : f32
      %broadcast_in_dim3A_27 = vector.broadcast %broadcast_in_dim3A : f32 to vector<16xf32>
      %add3A_28 = arith.constant 0 : i32
      %add3A_29 = vector.broadcast %add3A_28 : i32 to vector<16xi32>
      %add3A_30 = arith.addi %add3A_29, %iota3A : vector<16xi32>
      %and3A = arith.constant 63 : i32
      %and3A_31 = vector.broadcast %and3A : i32 to vector<16xi32>
      %and3A_32 = arith.andi %add3A_30, %and3A_31 : vector<16xi32>
      %gather3A = tpu.vector_load_idx %arg5[%add3A_26, %and3A_32] : memref<256x64xf32, #tpu.memory_space<vmem>>[vector<16xi32>, vector<16xi32>], vector<16xf32>,
      %gather3A_33 = tpu.vector_load_idx %arg6[%add3A_26, %and3A_32] : memref<256x64xf32, #tpu.memory_space<vmem>>[vector<16xi32>, vector<16xi32>], vector<16xf32>,
      %mul3A_34 = arith.mulf %gather3A, %gather3A_33 : vector<16xf32>
      %add3A_35 = arith.addf %broadcast_in_dim3A_27, %mul3A_34 : vector<16xf32>
      %add3A_36 = arith.constant 1 : i32
      %add3A_37 = vector.broadcast %add3A_36 : i32 to vector<16xi32>
      %add3A_38 = arith.addi %add3A_37, %iota3A : vector<16xi32>
      %and3A_39 = arith.constant 63 : i32
      %and3A_40 = vector.broadcast %and3A_39 : i32 to vector<16xi32>
      %and3A_41 = arith.andi %add3A_38, %and3A_40 : vector<16xi32>
      %gather3A_42 = tpu.vector_load_idx %arg5[%add3A_26, %and3A_41] : memref<256x64xf32, #tpu.memory_space<vmem>>[vector<16xi32>, vector<16xi32>], vector<16xf32>,
      %gather3A_43 = tpu.vector_load_idx %arg6[%add3A_26, %and3A_41] : memref<256x64xf32, #tpu.memory_space<vmem>>[vector<16xi32>, vector<16xi32>], vector<16xf32>,
      %mul3A_44 = arith.mulf %gather3A_42, %gather3A_43 : vector<16xf32>
      %add3A_45 = arith.addf %add3A_35, %mul3A_44 : vector<16xf32>
      %add3A_46 = arith.constant 2 : i32
      %add3A_47 = vector.broadcast %add3A_46 : i32 to vector<16xi32>
      %add3A_48 = arith.addi %add3A_47, %iota3A : vector<16xi32>
      %and3A_49 = arith.constant 63 : i32
      %and3A_50 = vector.broadcast %and3A_49 : i32 to vector<16xi32>
      %and3A_51 = arith.andi %add3A_48, %and3A_50 : vector<16xi32>
      %gather3A_52 = tpu.vector_load_idx %arg5[%add3A_26, %and3A_51] : memref<256x64xf32, #tpu.memory_space<vmem>>[vector<16xi32>, vector<16xi32>], vector<16xf32>,
      %gather3A_53 = tpu.vector_load_idx %arg6[%add3A_26, %and3A_51] : memref<256x64xf32, #tpu.memory_space<vmem>>[vector<16xi32>, vector<16xi32>], vector<16xf32>,
      %mul3A_54 = arith.mulf %gather3A_52, %gather3A_53 : vector<16xf32>
      %add3A_55 = arith.addf %add3A_45, %mul3A_54 : vector<16xf32>
      %add3A_56 = arith.constant 3 : i32
      %add3A_57 = vector.broadcast %add3A_56 : i32 to vector<16xi32>
      %add3A_58 = arith.addi %add3A_57, %iota3A : vector<16xi32>
      %and3A_59 = arith.constant 63 : i32
      %and3A_60 = vector.broadcast %and3A_59 : i32 to vector<16xi32>
      %and3A_61 = arith.andi %add3A_58, %and3A_60 : vector<16xi32>
      %gather3A_62 = tpu.vector_load_idx %arg5[%add3A_26, %and3A_61] : memref<256x64xf32, #tpu.memory_space<vmem>>[vector<16xi32>, vector<16xi32>], vector<16xf32>,
      %gather3A_63 = tpu.vector_load_idx %arg6[%add3A_26, %and3A_61] : memref<256x64xf32, #tpu.memory_space<vmem>>[vector<16xi32>, vector<16xi32>], vector<16xf32>,
      %mul3A_64 = arith.mulf %gather3A_62, %gather3A_63 : vector<16xf32>
      %add3A_65 = arith.addf %add3A_55, %mul3A_64 : vector<16xf32>
      %add3A_66 = arith.constant 4 : i32
      %add3A_67 = vector.broadcast %add3A_66 : i32 to vector<16xi32>
      %add3A_68 = arith.addi %add3A_67, %iota3A : vector<16xi32>
      %and3A_69 = arith.constant 63 : i32
      %and3A_70 = vector.broadcast %and3A_69 : i32 to vector<16xi32>
      %and3A_71 = arith.andi %add3A_68, %and3A_70 : vector<16xi32>
      %gather3A_72 = tpu.vector_load_idx %arg5[%add3A_26, %and3A_71] : memref<256x64xf32, #tpu.memory_space<vmem>>[vector<16xi32>, vector<16xi32>], vector<16xf32>,
      %gather3A_73 = tpu.vector_load_idx %arg6[%add3A_26, %and3A_71] : memref<256x64xf32, #tpu.memory_space<vmem>>[vector<16xi32>, vector<16xi32>], vector<16xf32>,
      %mul3A_74 = arith.mulf %gather3A_72, %gather3A_73 : vector<16xf32>
      %add3A_75 = arith.addf %add3A_65, %mul3A_74 : vector<16xf32>
      %add3A_76 = arith.constant 5 : i32
      %add3A_77 = vector.broadcast %add3A_76 : i32 to vector<16xi32>
      %add3A_78 = arith.addi %add3A_77, %iota3A : vector<16xi32>
      %and3A_79 = arith.constant 63 : i32
      %and3A_80 = vector.broadcast %and3A_79 : i32 to vector<16xi32>
      %and3A_81 = arith.andi %add3A_78, %and3A_80 : vector<16xi32>
      %gather3A_82 = tpu.vector_load_idx %arg5[%add3A_26, %and3A_81] : memref<256x64xf32, #tpu.memory_space<vmem>>[vector<16xi32>, vector<16xi32>], vector<16xf32>,
      %gather3A_83 = tpu.vector_load_idx %arg6[%add3A_26, %and3A_81] : memref<256x64xf32, #tpu.memory_space<vmem>>[vector<16xi32>, vector<16xi32>], vector<16xf32>,
      %mul3A_84 = arith.mulf %gather3A_82, %gather3A_83 : vector<16xf32>
      %add3A_85 = arith.addf %add3A_75, %mul3A_84 : vector<16xf32>
      %add3A_86 = arith.constant 6 : i32
      %add3A_87 = vector.broadcast %add3A_86 : i32 to vector<16xi32>
      %add3A_88 = arith.addi %add3A_87, %iota3A : vector<16xi32>
      %and3A_89 = arith.constant 63 : i32
      %and3A_90 = vector.broadcast %and3A_89 : i32 to vector<16xi32>
      %and3A_91 = arith.andi %add3A_88, %and3A_90 : vector<16xi32>
      %gather3A_92 = tpu.vector_load_idx %arg5[%add3A_26, %and3A_91] : memref<256x64xf32, #tpu.memory_space<vmem>>[vector<16xi32>, vector<16xi32>], vector<16xf32>,
      %gather3A_93 = tpu.vector_load_idx %arg6[%add3A_26, %and3A_91] : memref<256x64xf32, #tpu.memory_space<vmem>>[vector<16xi32>, vector<16xi32>], vector<16xf32>,
      %mul3A_94 = arith.mulf %gather3A_92, %gather3A_93 : vector<16xf32>
      %add3A_95 = arith.addf %add3A_85, %mul3A_94 : vector<16xf32>
      %add3A_96 = arith.constant 7 : i32
      %add3A_97 = vector.broadcast %add3A_96 : i32 to vector<16xi32>
      %add3A_98 = arith.addi %add3A_97, %iota3A : vector<16xi32>
      %and3A_99 = arith.constant 63 : i32
      %and3A_100 = vector.broadcast %and3A_99 : i32 to vector<16xi32>
      %and3A_101 = arith.andi %add3A_98, %and3A_100 : vector<16xi32>
      %gather3A_102 = tpu.vector_load_idx %arg5[%add3A_26, %and3A_101] : memref<256x64xf32, #tpu.memory_space<vmem>>[vector<16xi32>, vector<16xi32>], vector<16xf32>,
      %gather3A_103 = tpu.vector_load_idx %arg6[%add3A_26, %and3A_101] : memref<256x64xf32, #tpu.memory_space<vmem>>[vector<16xi32>, vector<16xi32>], vector<16xf32>,
      %mul3A_104 = arith.mulf %gather3A_102, %gather3A_103 : vector<16xf32>
      %add3A_105 = arith.addf %add3A_95, %mul3A_104 : vector<16xf32>
      %add3A_106 = arith.constant 8 : i32
      %add3A_107 = vector.broadcast %add3A_106 : i32 to vector<16xi32>
      %add3A_108 = arith.addi %add3A_107, %iota3A : vector<16xi32>
      %and3A_109 = arith.constant 63 : i32
      %and3A_110 = vector.broadcast %and3A_109 : i32 to vector<16xi32>
      %and3A_111 = arith.andi %add3A_108, %and3A_110 : vector<16xi32>
      %gather3A_112 = tpu.vector_load_idx %arg5[%add3A_26, %and3A_111] : memref<256x64xf32, #tpu.memory_space<vmem>>[vector<16xi32>, vector<16xi32>], vector<16xf32>,
      %gather3A_113 = tpu.vector_load_idx %arg6[%add3A_26, %and3A_111] : memref<256x64xf32, #tpu.memory_space<vmem>>[vector<16xi32>, vector<16xi32>], vector<16xf32>,
      %mul3A_114 = arith.mulf %gather3A_112, %gather3A_113 : vector<16xf32>
      %add3A_115 = arith.addf %add3A_105, %mul3A_114 : vector<16xf32>
      %add3A_116 = arith.constant 9 : i32
      %add3A_117 = vector.broadcast %add3A_116 : i32 to vector<16xi32>
      %add3A_118 = arith.addi %add3A_117, %iota3A : vector<16xi32>
      %and3A_119 = arith.constant 63 : i32
      %and3A_120 = vector.broadcast %and3A_119 : i32 to vector<16xi32>
      %and3A_121 = arith.andi %add3A_118, %and3A_120 : vector<16xi32>
      %gather3A_122 = tpu.vector_load_idx %arg5[%add3A_26, %and3A_121] : memref<256x64xf32, #tpu.memory_space<vmem>>[vector<16xi32>, vector<16xi32>], vector<16xf32>,
      %gather3A_123 = tpu.vector_load_idx %arg6[%add3A_26, %and3A_121] : memref<256x64xf32, #tpu.memory_space<vmem>>[vector<16xi32>, vector<16xi32>], vector<16xf32>,
      %mul3A_124 = arith.mulf %gather3A_122, %gather3A_123 : vector<16xf32>
      %add3A_125 = arith.addf %add3A_115, %mul3A_124 : vector<16xf32>
      %add3A_126 = arith.constant 10 : i32
      %add3A_127 = vector.broadcast %add3A_126 : i32 to vector<16xi32>
      %add3A_128 = arith.addi %add3A_127, %iota3A : vector<16xi32>
      %and3A_129 = arith.constant 63 : i32
      %and3A_130 = vector.broadcast %and3A_129 : i32 to vector<16xi32>
      %and3A_131 = arith.andi %add3A_128, %and3A_130 : vector<16xi32>
      %gather3A_132 = tpu.vector_load_idx %arg5[%add3A_26, %and3A_131] : memref<256x64xf32, #tpu.memory_space<vmem>>[vector<16xi32>, vector<16xi32>], vector<16xf32>,
      %gather3A_133 = tpu.vector_load_idx %arg6[%add3A_26, %and3A_131] : memref<256x64xf32, #tpu.memory_space<vmem>>[vector<16xi32>, vector<16xi32>], vector<16xf32>,
      %mul3A_134 = arith.mulf %gather3A_132, %gather3A_133 : vector<16xf32>
      %add3A_135 = arith.addf %add3A_125, %mul3A_134 : vector<16xf32>
      %add3A_136 = arith.constant 11 : i32
      %add3A_137 = vector.broadcast %add3A_136 : i32 to vector<16xi32>
      %add3A_138 = arith.addi %add3A_137, %iota3A : vector<16xi32>
      %and3A_139 = arith.constant 63 : i32
      %and3A_140 = vector.broadcast %and3A_139 : i32 to vector<16xi32>
      %and3A_141 = arith.andi %add3A_138, %and3A_140 : vector<16xi32>
      %gather3A_142 = tpu.vector_load_idx %arg5[%add3A_26, %and3A_141] : memref<256x64xf32, #tpu.memory_space<vmem>>[vector<16xi32>, vector<16xi32>], vector<16xf32>,
      %gather3A_143 = tpu.vector_load_idx %arg6[%add3A_26, %and3A_141] : memref<256x64xf32, #tpu.memory_space<vmem>>[vector<16xi32>, vector<16xi32>], vector<16xf32>,
      %mul3A_144 = arith.mulf %gather3A_142, %gather3A_143 : vector<16xf32>
      %add3A_145 = arith.addf %add3A_135, %mul3A_144 : vector<16xf32>
      %add3A_146 = arith.constant 12 : i32
      %add3A_147 = vector.broadcast %add3A_146 : i32 to vector<16xi32>
      %add3A_148 = arith.addi %add3A_147, %iota3A : vector<16xi32>
      %and3A_149 = arith.constant 63 : i32
      %and3A_150 = vector.broadcast %and3A_149 : i32 to vector<16xi32>
      %and3A_151 = arith.andi %add3A_148, %and3A_150 : vector<16xi32>
      %gather3A_152 = tpu.vector_load_idx %arg5[%add3A_26, %and3A_151] : memref<256x64xf32, #tpu.memory_space<vmem>>[vector<16xi32>, vector<16xi32>], vector<16xf32>,
      %gather3A_153 = tpu.vector_load_idx %arg6[%add3A_26, %and3A_151] : memref<256x64xf32, #tpu.memory_space<vmem>>[vector<16xi32>, vector<16xi32>], vector<16xf32>,
      %mul3A_154 = arith.mulf %gather3A_152, %gather3A_153 : vector<16xf32>
      %add3A_155 = arith.addf %add3A_145, %mul3A_154 : vector<16xf32>
      %add3A_156 = arith.constant 13 : i32
      %add3A_157 = vector.broadcast %add3A_156 : i32 to vector<16xi32>
      %add3A_158 = arith.addi %add3A_157, %iota3A : vector<16xi32>
      %and3A_159 = arith.constant 63 : i32
      %and3A_160 = vector.broadcast %and3A_159 : i32 to vector<16xi32>
      %and3A_161 = arith.andi %add3A_158, %and3A_160 : vector<16xi32>
      %gather3A_162 = tpu.vector_load_idx %arg5[%add3A_26, %and3A_161] : memref<256x64xf32, #tpu.memory_space<vmem>>[vector<16xi32>, vector<16xi32>], vector<16xf32>,
      %gather3A_163 = tpu.vector_load_idx %arg6[%add3A_26, %and3A_161] : memref<256x64xf32, #tpu.memory_space<vmem>>[vector<16xi32>, vector<16xi32>], vector<16xf32>,
      %mul3A_164 = arith.mulf %gather3A_162, %gather3A_163 : vector<16xf32>
      %add3A_165 = arith.addf %add3A_155, %mul3A_164 : vector<16xf32>
      %add3A_166 = arith.constant 14 : i32
      %add3A_167 = vector.broadcast %add3A_166 : i32 to vector<16xi32>
      %add3A_168 = arith.addi %add3A_167, %iota3A : vector<16xi32>
      %and3A_169 = arith.constant 63 : i32
      %and3A_170 = vector.broadcast %and3A_169 : i32 to vector<16xi32>
      %and3A_171 = arith.andi %add3A_168, %and3A_170 : vector<16xi32>
      %gather3A_172 = tpu.vector_load_idx %arg5[%add3A_26, %and3A_171] : memref<256x64xf32, #tpu.memory_space<vmem>>[vector<16xi32>, vector<16xi32>], vector<16xf32>,
      %gather3A_173 = tpu.vector_load_idx %arg6[%add3A_26, %and3A_171] : memref<256x64xf32, #tpu.memory_space<vmem>>[vector<16xi32>, vector<16xi32>], vector<16xf32>,
      %mul3A_174 = arith.mulf %gather3A_172, %gather3A_173 : vector<16xf32>
      %add3A_175 = arith.addf %add3A_165, %mul3A_174 : vector<16xf32>
      %add3A_176 = arith.constant 15 : i32
      %add3A_177 = vector.broadcast %add3A_176 : i32 to vector<16xi32>
      %add3A_178 = arith.addi %add3A_177, %iota3A : vector<16xi32>
      %and3A_179 = arith.constant 63 : i32
      %and3A_180 = vector.broadcast %and3A_179 : i32 to vector<16xi32>
      %and3A_181 = arith.andi %add3A_178, %and3A_180 : vector<16xi32>
      %gather3A_182 = tpu.vector_load_idx %arg5[%add3A_26, %and3A_181] : memref<256x64xf32, #tpu.memory_space<vmem>>[vector<16xi32>, vector<16xi32>], vector<16xf32>,
      %gather3A_183 = tpu.vector_load_idx %arg6[%add3A_26, %and3A_181] : memref<256x64xf32, #tpu.memory_space<vmem>>[vector<16xi32>, vector<16xi32>], vector<16xf32>,
      %mul3A_184 = arith.mulf %gather3A_182, %gather3A_183 : vector<16xf32>
      %add3A_185 = arith.addf %add3A_175, %mul3A_184 : vector<16xf32>
      %add3A_186 = arith.constant 16 : i32
      %add3A_187 = vector.broadcast %add3A_186 : i32 to vector<16xi32>
      %add3A_188 = arith.addi %add3A_187, %iota3A : vector<16xi32>
      %and3A_189 = arith.constant 63 : i32
      %and3A_190 = vector.broadcast %and3A_189 : i32 to vector<16xi32>
      %and3A_191 = arith.andi %add3A_188, %and3A_190 : vector<16xi32>
      %gather3A_192 = tpu.vector_load_idx %arg5[%add3A_26, %and3A_191] : memref<256x64xf32, #tpu.memory_space<vmem>>[vector<16xi32>, vector<16xi32>], vector<16xf32>,
      %gather3A_193 = tpu.vector_load_idx %arg6[%add3A_26, %and3A_191] : memref<256x64xf32, #tpu.memory_space<vmem>>[vector<16xi32>, vector<16xi32>], vector<16xf32>,
      %mul3A_194 = arith.mulf %gather3A_192, %gather3A_193 : vector<16xf32>
      %add3A_195 = arith.addf %add3A_185, %mul3A_194 : vector<16xf32>
      %add3A_196 = arith.constant 17 : i32
      %add3A_197 = vector.broadcast %add3A_196 : i32 to vector<16xi32>
      %add3A_198 = arith.addi %add3A_197, %iota3A : vector<16xi32>
      %and3A_199 = arith.constant 63 : i32
      %and3A_200 = vector.broadcast %and3A_199 : i32 to vector<16xi32>
      %and3A_201 = arith.andi %add3A_198, %and3A_200 : vector<16xi32>
      %gather3A_202 = tpu.vector_load_idx %arg5[%add3A_26, %and3A_201] : memref<256x64xf32, #tpu.memory_space<vmem>>[vector<16xi32>, vector<16xi32>], vector<16xf32>,
      %gather3A_203 = tpu.vector_load_idx %arg6[%add3A_26, %and3A_201] : memref<256x64xf32, #tpu.memory_space<vmem>>[vector<16xi32>, vector<16xi32>], vector<16xf32>,
      %mul3A_204 = arith.mulf %gather3A_202, %gather3A_203 : vector<16xf32>
      %add3A_205 = arith.addf %add3A_195, %mul3A_204 : vector<16xf32>
      %add3A_206 = arith.constant 18 : i32
      %add3A_207 = vector.broadcast %add3A_206 : i32 to vector<16xi32>
      %add3A_208 = arith.addi %add3A_207, %iota3A : vector<16xi32>
      %and3A_209 = arith.constant 63 : i32
      %and3A_210 = vector.broadcast %and3A_209 : i32 to vector<16xi32>
      %and3A_211 = arith.andi %add3A_208, %and3A_210 : vector<16xi32>
      %gather3A_212 = tpu.vector_load_idx %arg5[%add3A_26, %and3A_211] : memref<256x64xf32, #tpu.memory_space<vmem>>[vector<16xi32>, vector<16xi32>], vector<16xf32>,
      %gather3A_213 = tpu.vector_load_idx %arg6[%add3A_26, %and3A_211] : memref<256x64xf32, #tpu.memory_space<vmem>>[vector<16xi32>, vector<16xi32>], vector<16xf32>,
      %mul3A_214 = arith.mulf %gather3A_212, %gather3A_213 : vector<16xf32>
      %add3A_215 = arith.addf %add3A_205, %mul3A_214 : vector<16xf32>
      %add3A_216 = arith.constant 19 : i32
      %add3A_217 = vector.broadcast %add3A_216 : i32 to vector<16xi32>
      %add3A_218 = arith.addi %add3A_217, %iota3A : vector<16xi32>
      %and3A_219 = arith.constant 63 : i32
      %and3A_220 = vector.broadcast %and3A_219 : i32 to vector<16xi32>
      %and3A_221 = arith.andi %add3A_218, %and3A_220 : vector<16xi32>
      %gather3A_222 = tpu.vector_load_idx %arg5[%add3A_26, %and3A_221] : memref<256x64xf32, #tpu.memory_space<vmem>>[vector<16xi32>, vector<16xi32>], vector<16xf32>,
      %gather3A_223 = tpu.vector_load_idx %arg6[%add3A_26, %and3A_221] : memref<256x64xf32, #tpu.memory_space<vmem>>[vector<16xi32>, vector<16xi32>], vector<16xf32>,
      %mul3A_224 = arith.mulf %gather3A_222, %gather3A_223 : vector<16xf32>
      %add3A_225 = arith.addf %add3A_215, %mul3A_224 : vector<16xf32>
      %add3A_226 = arith.constant 20 : i32
      %add3A_227 = vector.broadcast %add3A_226 : i32 to vector<16xi32>
      %add3A_228 = arith.addi %add3A_227, %iota3A : vector<16xi32>
      %and3A_229 = arith.constant 63 : i32
      %and3A_230 = vector.broadcast %and3A_229 : i32 to vector<16xi32>
      %and3A_231 = arith.andi %add3A_228, %and3A_230 : vector<16xi32>
      %gather3A_232 = tpu.vector_load_idx %arg5[%add3A_26, %and3A_231] : memref<256x64xf32, #tpu.memory_space<vmem>>[vector<16xi32>, vector<16xi32>], vector<16xf32>,
      %gather3A_233 = tpu.vector_load_idx %arg6[%add3A_26, %and3A_231] : memref<256x64xf32, #tpu.memory_space<vmem>>[vector<16xi32>, vector<16xi32>], vector<16xf32>,
      %mul3A_234 = arith.mulf %gather3A_232, %gather3A_233 : vector<16xf32>
      %add3A_235 = arith.addf %add3A_225, %mul3A_234 : vector<16xf32>
      %add3A_236 = arith.constant 21 : i32
      %add3A_237 = vector.broadcast %add3A_236 : i32 to vector<16xi32>
      %add3A_238 = arith.addi %add3A_237, %iota3A : vector<16xi32>
      %and3A_239 = arith.constant 63 : i32
      %and3A_240 = vector.broadcast %and3A_239 : i32 to vector<16xi32>
      %and3A_241 = arith.andi %add3A_238, %and3A_240 : vector<16xi32>
      %gather3A_242 = tpu.vector_load_idx %arg5[%add3A_26, %and3A_241] : memref<256x64xf32, #tpu.memory_space<vmem>>[vector<16xi32>, vector<16xi32>], vector<16xf32>,
      %gather3A_243 = tpu.vector_load_idx %arg6[%add3A_26, %and3A_241] : memref<256x64xf32, #tpu.memory_space<vmem>>[vector<16xi32>, vector<16xi32>], vector<16xf32>,
      %mul3A_244 = arith.mulf %gather3A_242, %gather3A_243 : vector<16xf32>
      %add3A_245 = arith.addf %add3A_235, %mul3A_244 : vector<16xf32>
      %add3A_246 = arith.constant 22 : i32
      %add3A_247 = vector.broadcast %add3A_246 : i32 to vector<16xi32>
      %add3A_248 = arith.addi %add3A_247, %iota3A : vector<16xi32>
      %and3A_249 = arith.constant 63 : i32
      %and3A_250 = vector.broadcast %and3A_249 : i32 to vector<16xi32>
      %and3A_251 = arith.andi %add3A_248, %and3A_250 : vector<16xi32>
      %gather3A_252 = tpu.vector_load_idx %arg5[%add3A_26, %and3A_251] : memref<256x64xf32, #tpu.memory_space<vmem>>[vector<16xi32>, vector<16xi32>], vector<16xf32>,
      %gather3A_253 = tpu.vector_load_idx %arg6[%add3A_26, %and3A_251] : memref<256x64xf32, #tpu.memory_space<vmem>>[vector<16xi32>, vector<16xi32>], vector<16xf32>,
      %mul3A_254 = arith.mulf %gather3A_252, %gather3A_253 : vector<16xf32>
      %add3A_255 = arith.addf %add3A_245, %mul3A_254 : vector<16xf32>
      %add3A_256 = arith.constant 23 : i32
      %add3A_257 = vector.broadcast %add3A_256 : i32 to vector<16xi32>
      %add3A_258 = arith.addi %add3A_257, %iota3A : vector<16xi32>
      %and3A_259 = arith.constant 63 : i32
      %and3A_260 = vector.broadcast %and3A_259 : i32 to vector<16xi32>
      %and3A_261 = arith.andi %add3A_258, %and3A_260 : vector<16xi32>
      %gather3A_262 = tpu.vector_load_idx %arg5[%add3A_26, %and3A_261] : memref<256x64xf32, #tpu.memory_space<vmem>>[vector<16xi32>, vector<16xi32>], vector<16xf32>,
      %gather3A_263 = tpu.vector_load_idx %arg6[%add3A_26, %and3A_261] : memref<256x64xf32, #tpu.memory_space<vmem>>[vector<16xi32>, vector<16xi32>], vector<16xf32>,
      %mul3A_264 = arith.mulf %gather3A_262, %gather3A_263 : vector<16xf32>
      %add3A_265 = arith.addf %add3A_255, %mul3A_264 : vector<16xf32>
      %add3A_266 = arith.constant 24 : i32
      %add3A_267 = vector.broadcast %add3A_266 : i32 to vector<16xi32>
      %add3A_268 = arith.addi %add3A_267, %iota3A : vector<16xi32>
      %and3A_269 = arith.constant 63 : i32
      %and3A_270 = vector.broadcast %and3A_269 : i32 to vector<16xi32>
      %and3A_271 = arith.andi %add3A_268, %and3A_270 : vector<16xi32>
      %gather3A_272 = tpu.vector_load_idx %arg5[%add3A_26, %and3A_271] : memref<256x64xf32, #tpu.memory_space<vmem>>[vector<16xi32>, vector<16xi32>], vector<16xf32>,
      %gather3A_273 = tpu.vector_load_idx %arg6[%add3A_26, %and3A_271] : memref<256x64xf32, #tpu.memory_space<vmem>>[vector<16xi32>, vector<16xi32>], vector<16xf32>,
      %mul3A_274 = arith.mulf %gather3A_272, %gather3A_273 : vector<16xf32>
      %add3A_275 = arith.addf %add3A_265, %mul3A_274 : vector<16xf32>
      %add3A_276 = arith.constant 25 : i32
      %add3A_277 = vector.broadcast %add3A_276 : i32 to vector<16xi32>
      %add3A_278 = arith.addi %add3A_277, %iota3A : vector<16xi32>
      %and3A_279 = arith.constant 63 : i32
      %and3A_280 = vector.broadcast %and3A_279 : i32 to vector<16xi32>
      %and3A_281 = arith.andi %add3A_278, %and3A_280 : vector<16xi32>
      %gather3A_282 = tpu.vector_load_idx %arg5[%add3A_26, %and3A_281] : memref<256x64xf32, #tpu.memory_space<vmem>>[vector<16xi32>, vector<16xi32>], vector<16xf32>,
      %gather3A_283 = tpu.vector_load_idx %arg6[%add3A_26, %and3A_281] : memref<256x64xf32, #tpu.memory_space<vmem>>[vector<16xi32>, vector<16xi32>], vector<16xf32>,
      %mul3A_284 = arith.mulf %gather3A_282, %gather3A_283 : vector<16xf32>
      %add3A_285 = arith.addf %add3A_275, %mul3A_284 : vector<16xf32>
      %add3A_286 = arith.constant 26 : i32
      %add3A_287 = vector.broadcast %add3A_286 : i32 to vector<16xi32>
      %add3A_288 = arith.addi %add3A_287, %iota3A : vector<16xi32>
      %and3A_289 = arith.constant 63 : i32
      %and3A_290 = vector.broadcast %and3A_289 : i32 to vector<16xi32>
      %and3A_291 = arith.andi %add3A_288, %and3A_290 : vector<16xi32>
      %gather3A_292 = tpu.vector_load_idx %arg5[%add3A_26, %and3A_291] : memref<256x64xf32, #tpu.memory_space<vmem>>[vector<16xi32>, vector<16xi32>], vector<16xf32>,
      %gather3A_293 = tpu.vector_load_idx %arg6[%add3A_26, %and3A_291] : memref<256x64xf32, #tpu.memory_space<vmem>>[vector<16xi32>, vector<16xi32>], vector<16xf32>,
      %mul3A_294 = arith.mulf %gather3A_292, %gather3A_293 : vector<16xf32>
      %add3A_295 = arith.addf %add3A_285, %mul3A_294 : vector<16xf32>
      %add3A_296 = arith.constant 27 : i32
      %add3A_297 = vector.broadcast %add3A_296 : i32 to vector<16xi32>
      %add3A_298 = arith.addi %add3A_297, %iota3A : vector<16xi32>
      %and3A_299 = arith.constant 63 : i32
      %and3A_300 = vector.broadcast %and3A_299 : i32 to vector<16xi32>
      %and3A_301 = arith.andi %add3A_298, %and3A_300 : vector<16xi32>
      %gather3A_302 = tpu.vector_load_idx %arg5[%add3A_26, %and3A_301] : memref<256x64xf32, #tpu.memory_space<vmem>>[vector<16xi32>, vector<16xi32>], vector<16xf32>,
      %gather3A_303 = tpu.vector_load_idx %arg6[%add3A_26, %and3A_301] : memref<256x64xf32, #tpu.memory_space<vmem>>[vector<16xi32>, vector<16xi32>], vector<16xf32>,
      %mul3A_304 = arith.mulf %gather3A_302, %gather3A_303 : vector<16xf32>
      %add3A_305 = arith.addf %add3A_295, %mul3A_304 : vector<16xf32>
      %add3A_306 = arith.constant 28 : i32
      %add3A_307 = vector.broadcast %add3A_306 : i32 to vector<16xi32>
      %add3A_308 = arith.addi %add3A_307, %iota3A : vector<16xi32>
      %and3A_309 = arith.constant 63 : i32
      %and3A_310 = vector.broadcast %and3A_309 : i32 to vector<16xi32>
      %and3A_311 = arith.andi %add3A_308, %and3A_310 : vector<16xi32>
      %gather3A_312 = tpu.vector_load_idx %arg5[%add3A_26, %and3A_311] : memref<256x64xf32, #tpu.memory_space<vmem>>[vector<16xi32>, vector<16xi32>], vector<16xf32>,
      %gather3A_313 = tpu.vector_load_idx %arg6[%add3A_26, %and3A_311] : memref<256x64xf32, #tpu.memory_space<vmem>>[vector<16xi32>, vector<16xi32>], vector<16xf32>,
      %mul3A_314 = arith.mulf %gather3A_312, %gather3A_313 : vector<16xf32>
      %add3A_315 = arith.addf %add3A_305, %mul3A_314 : vector<16xf32>
      %add3A_316 = arith.constant 29 : i32
      %add3A_317 = vector.broadcast %add3A_316 : i32 to vector<16xi32>
      %add3A_318 = arith.addi %add3A_317, %iota3A : vector<16xi32>
      %and3A_319 = arith.constant 63 : i32
      %and3A_320 = vector.broadcast %and3A_319 : i32 to vector<16xi32>
      %and3A_321 = arith.andi %add3A_318, %and3A_320 : vector<16xi32>
      %gather3A_322 = tpu.vector_load_idx %arg5[%add3A_26, %and3A_321] : memref<256x64xf32, #tpu.memory_space<vmem>>[vector<16xi32>, vector<16xi32>], vector<16xf32>,
      %gather3A_323 = tpu.vector_load_idx %arg6[%add3A_26, %and3A_321] : memref<256x64xf32, #tpu.memory_space<vmem>>[vector<16xi32>, vector<16xi32>], vector<16xf32>,
      %mul3A_324 = arith.mulf %gather3A_322, %gather3A_323 : vector<16xf32>
      %add3A_325 = arith.addf %add3A_315, %mul3A_324 : vector<16xf32>
      %add3A_326 = arith.constant 30 : i32
      %add3A_327 = vector.broadcast %add3A_326 : i32 to vector<16xi32>
      %add3A_328 = arith.addi %add3A_327, %iota3A : vector<16xi32>
      %and3A_329 = arith.constant 63 : i32
      %and3A_330 = vector.broadcast %and3A_329 : i32 to vector<16xi32>
      %and3A_331 = arith.andi %add3A_328, %and3A_330 : vector<16xi32>
      %gather3A_332 = tpu.vector_load_idx %arg5[%add3A_26, %and3A_331] : memref<256x64xf32, #tpu.memory_space<vmem>>[vector<16xi32>, vector<16xi32>], vector<16xf32>,
      %gather3A_333 = tpu.vector_load_idx %arg6[%add3A_26, %and3A_331] : memref<256x64xf32, #tpu.memory_space<vmem>>[vector<16xi32>, vector<16xi32>], vector<16xf32>,
      %mul3A_334 = arith.mulf %gather3A_332, %gather3A_333 : vector<16xf32>
      %add3A_335 = arith.addf %add3A_325, %mul3A_334 : vector<16xf32>
      %add3A_336 = arith.constant 31 : i32
      %add3A_337 = vector.broadcast %add3A_336 : i32 to vector<16xi32>
      %add3A_338 = arith.addi %add3A_337, %iota3A : vector<16xi32>
      %and3A_339 = arith.constant 63 : i32
      %and3A_340 = vector.broadcast %and3A_339 : i32 to vector<16xi32>
      %and3A_341 = arith.andi %add3A_338, %and3A_340 : vector<16xi32>
      %gather3A_342 = tpu.vector_load_idx %arg5[%add3A_26, %and3A_341] : memref<256x64xf32, #tpu.memory_space<vmem>>[vector<16xi32>, vector<16xi32>], vector<16xf32>,
      %gather3A_343 = tpu.vector_load_idx %arg6[%add3A_26, %and3A_341] : memref<256x64xf32, #tpu.memory_space<vmem>>[vector<16xi32>, vector<16xi32>], vector<16xf32>,
      %mul3A_344 = arith.mulf %gather3A_342, %gather3A_343 : vector<16xf32>
      %add3A_345 = arith.addf %add3A_335, %mul3A_344 : vector<16xf32>
      %add3A_346 = arith.constant 32 : i32
      %add3A_347 = vector.broadcast %add3A_346 : i32 to vector<16xi32>
      %add3A_348 = arith.addi %add3A_347, %iota3A : vector<16xi32>
      %and3A_349 = arith.constant 63 : i32
      %and3A_350 = vector.broadcast %and3A_349 : i32 to vector<16xi32>
      %and3A_351 = arith.andi %add3A_348, %and3A_350 : vector<16xi32>
      %gather3A_352 = tpu.vector_load_idx %arg5[%add3A_26, %and3A_351] : memref<256x64xf32, #tpu.memory_space<vmem>>[vector<16xi32>, vector<16xi32>], vector<16xf32>,
      %gather3A_353 = tpu.vector_load_idx %arg6[%add3A_26, %and3A_351] : memref<256x64xf32, #tpu.memory_space<vmem>>[vector<16xi32>, vector<16xi32>], vector<16xf32>,
      %mul3A_354 = arith.mulf %gather3A_352, %gather3A_353 : vector<16xf32>
      %add3A_355 = arith.addf %add3A_345, %mul3A_354 : vector<16xf32>
      %add3A_356 = arith.constant 33 : i32
      %add3A_357 = vector.broadcast %add3A_356 : i32 to vector<16xi32>
      %add3A_358 = arith.addi %add3A_357, %iota3A : vector<16xi32>
      %and3A_359 = arith.constant 63 : i32
      %and3A_360 = vector.broadcast %and3A_359 : i32 to vector<16xi32>
      %and3A_361 = arith.andi %add3A_358, %and3A_360 : vector<16xi32>
      %gather3A_362 = tpu.vector_load_idx %arg5[%add3A_26, %and3A_361] : memref<256x64xf32, #tpu.memory_space<vmem>>[vector<16xi32>, vector<16xi32>], vector<16xf32>,
      %gather3A_363 = tpu.vector_load_idx %arg6[%add3A_26, %and3A_361] : memref<256x64xf32, #tpu.memory_space<vmem>>[vector<16xi32>, vector<16xi32>], vector<16xf32>,
      %mul3A_364 = arith.mulf %gather3A_362, %gather3A_363 : vector<16xf32>
      %add3A_365 = arith.addf %add3A_355, %mul3A_364 : vector<16xf32>
      %add3A_366 = arith.constant 34 : i32
      %add3A_367 = vector.broadcast %add3A_366 : i32 to vector<16xi32>
      %add3A_368 = arith.addi %add3A_367, %iota3A : vector<16xi32>
      %and3A_369 = arith.constant 63 : i32
      %and3A_370 = vector.broadcast %and3A_369 : i32 to vector<16xi32>
      %and3A_371 = arith.andi %add3A_368, %and3A_370 : vector<16xi32>
      %gather3A_372 = tpu.vector_load_idx %arg5[%add3A_26, %and3A_371] : memref<256x64xf32, #tpu.memory_space<vmem>>[vector<16xi32>, vector<16xi32>], vector<16xf32>,
      %gather3A_373 = tpu.vector_load_idx %arg6[%add3A_26, %and3A_371] : memref<256x64xf32, #tpu.memory_space<vmem>>[vector<16xi32>, vector<16xi32>], vector<16xf32>,
      %mul3A_374 = arith.mulf %gather3A_372, %gather3A_373 : vector<16xf32>
      %add3A_375 = arith.addf %add3A_365, %mul3A_374 : vector<16xf32>
      %add3A_376 = arith.constant 35 : i32
      %add3A_377 = vector.broadcast %add3A_376 : i32 to vector<16xi32>
      %add3A_378 = arith.addi %add3A_377, %iota3A : vector<16xi32>
      %and3A_379 = arith.constant 63 : i32
      %and3A_380 = vector.broadcast %and3A_379 : i32 to vector<16xi32>
      %and3A_381 = arith.andi %add3A_378, %and3A_380 : vector<16xi32>
      %gather3A_382 = tpu.vector_load_idx %arg5[%add3A_26, %and3A_381] : memref<256x64xf32, #tpu.memory_space<vmem>>[vector<16xi32>, vector<16xi32>], vector<16xf32>,
      %gather3A_383 = tpu.vector_load_idx %arg6[%add3A_26, %and3A_381] : memref<256x64xf32, #tpu.memory_space<vmem>>[vector<16xi32>, vector<16xi32>], vector<16xf32>,
      %mul3A_384 = arith.mulf %gather3A_382, %gather3A_383 : vector<16xf32>
      %add3A_385 = arith.addf %add3A_375, %mul3A_384 : vector<16xf32>
      %add3A_386 = arith.constant 36 : i32
      %add3A_387 = vector.broadcast %add3A_386 : i32 to vector<16xi32>
      %add3A_388 = arith.addi %add3A_387, %iota3A : vector<16xi32>
      %and3A_389 = arith.constant 63 : i32
      %and3A_390 = vector.broadcast %and3A_389 : i32 to vector<16xi32>
      %and3A_391 = arith.andi %add3A_388, %and3A_390 : vector<16xi32>
      %gather3A_392 = tpu.vector_load_idx %arg5[%add3A_26, %and3A_391] : memref<256x64xf32, #tpu.memory_space<vmem>>[vector<16xi32>, vector<16xi32>], vector<16xf32>,
      %gather3A_393 = tpu.vector_load_idx %arg6[%add3A_26, %and3A_391] : memref<256x64xf32, #tpu.memory_space<vmem>>[vector<16xi32>, vector<16xi32>], vector<16xf32>,
      %mul3A_394 = arith.mulf %gather3A_392, %gather3A_393 : vector<16xf32>
      %add3A_395 = arith.addf %add3A_385, %mul3A_394 : vector<16xf32>
      %add3A_396 = arith.constant 37 : i32
      %add3A_397 = vector.broadcast %add3A_396 : i32 to vector<16xi32>
      %add3A_398 = arith.addi %add3A_397, %iota3A : vector<16xi32>
      %and3A_399 = arith.constant 63 : i32
      %and3A_400 = vector.broadcast %and3A_399 : i32 to vector<16xi32>
      %and3A_401 = arith.andi %add3A_398, %and3A_400 : vector<16xi32>
      %gather3A_402 = tpu.vector_load_idx %arg5[%add3A_26, %and3A_401] : memref<256x64xf32, #tpu.memory_space<vmem>>[vector<16xi32>, vector<16xi32>], vector<16xf32>,
      %gather3A_403 = tpu.vector_load_idx %arg6[%add3A_26, %and3A_401] : memref<256x64xf32, #tpu.memory_space<vmem>>[vector<16xi32>, vector<16xi32>], vector<16xf32>,
      %mul3A_404 = arith.mulf %gather3A_402, %gather3A_403 : vector<16xf32>
      %add3A_405 = arith.addf %add3A_395, %mul3A_404 : vector<16xf32>
      %add3A_406 = arith.constant 38 : i32
      %add3A_407 = vector.broadcast %add3A_406 : i32 to vector<16xi32>
      %add3A_408 = arith.addi %add3A_407, %iota3A : vector<16xi32>
      %and3A_409 = arith.constant 63 : i32
      %and3A_410 = vector.broadcast %and3A_409 : i32 to vector<16xi32>
      %and3A_411 = arith.andi %add3A_408, %and3A_410 : vector<16xi32>
      %gather3A_412 = tpu.vector_load_idx %arg5[%add3A_26, %and3A_411] : memref<256x64xf32, #tpu.memory_space<vmem>>[vector<16xi32>, vector<16xi32>], vector<16xf32>,
      %gather3A_413 = tpu.vector_load_idx %arg6[%add3A_26, %and3A_411] : memref<256x64xf32, #tpu.memory_space<vmem>>[vector<16xi32>, vector<16xi32>], vector<16xf32>,
      %mul3A_414 = arith.mulf %gather3A_412, %gather3A_413 : vector<16xf32>
      %add3A_415 = arith.addf %add3A_405, %mul3A_414 : vector<16xf32>
      %add3A_416 = arith.constant 39 : i32
      %add3A_417 = vector.broadcast %add3A_416 : i32 to vector<16xi32>
      %add3A_418 = arith.addi %add3A_417, %iota3A : vector<16xi32>
      %and3A_419 = arith.constant 63 : i32
      %and3A_420 = vector.broadcast %and3A_419 : i32 to vector<16xi32>
      %and3A_421 = arith.andi %add3A_418, %and3A_420 : vector<16xi32>
      %gather3A_422 = tpu.vector_load_idx %arg5[%add3A_26, %and3A_421] : memref<256x64xf32, #tpu.memory_space<vmem>>[vector<16xi32>, vector<16xi32>], vector<16xf32>,
      %gather3A_423 = tpu.vector_load_idx %arg6[%add3A_26, %and3A_421] : memref<256x64xf32, #tpu.memory_space<vmem>>[vector<16xi32>, vector<16xi32>], vector<16xf32>,
      %mul3A_424 = arith.mulf %gather3A_422, %gather3A_423 : vector<16xf32>
      %add3A_425 = arith.addf %add3A_415, %mul3A_424 : vector<16xf32>
      %add3A_426 = arith.constant 40 : i32
      %add3A_427 = vector.broadcast %add3A_426 : i32 to vector<16xi32>
      %add3A_428 = arith.addi %add3A_427, %iota3A : vector<16xi32>
      %and3A_429 = arith.constant 63 : i32
      %and3A_430 = vector.broadcast %and3A_429 : i32 to vector<16xi32>
      %and3A_431 = arith.andi %add3A_428, %and3A_430 : vector<16xi32>
      %gather3A_432 = tpu.vector_load_idx %arg5[%add3A_26, %and3A_431] : memref<256x64xf32, #tpu.memory_space<vmem>>[vector<16xi32>, vector<16xi32>], vector<16xf32>,
      %gather3A_433 = tpu.vector_load_idx %arg6[%add3A_26, %and3A_431] : memref<256x64xf32, #tpu.memory_space<vmem>>[vector<16xi32>, vector<16xi32>], vector<16xf32>,
      %mul3A_434 = arith.mulf %gather3A_432, %gather3A_433 : vector<16xf32>
      %add3A_435 = arith.addf %add3A_425, %mul3A_434 : vector<16xf32>
      %add3A_436 = arith.constant 41 : i32
      %add3A_437 = vector.broadcast %add3A_436 : i32 to vector<16xi32>
      %add3A_438 = arith.addi %add3A_437, %iota3A : vector<16xi32>
      %and3A_439 = arith.constant 63 : i32
      %and3A_440 = vector.broadcast %and3A_439 : i32 to vector<16xi32>
      %and3A_441 = arith.andi %add3A_438, %and3A_440 : vector<16xi32>
      %gather3A_442 = tpu.vector_load_idx %arg5[%add3A_26, %and3A_441] : memref<256x64xf32, #tpu.memory_space<vmem>>[vector<16xi32>, vector<16xi32>], vector<16xf32>,
      %gather3A_443 = tpu.vector_load_idx %arg6[%add3A_26, %and3A_441] : memref<256x64xf32, #tpu.memory_space<vmem>>[vector<16xi32>, vector<16xi32>], vector<16xf32>,
      %mul3A_444 = arith.mulf %gather3A_442, %gather3A_443 : vector<16xf32>
      %add3A_445 = arith.addf %add3A_435, %mul3A_444 : vector<16xf32>
      %add3A_446 = arith.constant 42 : i32
      %add3A_447 = vector.broadcast %add3A_446 : i32 to vector<16xi32>
      %add3A_448 = arith.addi %add3A_447, %iota3A : vector<16xi32>
      %and3A_449 = arith.constant 63 : i32
      %and3A_450 = vector.broadcast %and3A_449 : i32 to vector<16xi32>
      %and3A_451 = arith.andi %add3A_448, %and3A_450 : vector<16xi32>
      %gather3A_452 = tpu.vector_load_idx %arg5[%add3A_26, %and3A_451] : memref<256x64xf32, #tpu.memory_space<vmem>>[vector<16xi32>, vector<16xi32>], vector<16xf32>,
      %gather3A_453 = tpu.vector_load_idx %arg6[%add3A_26, %and3A_451] : memref<256x64xf32, #tpu.memory_space<vmem>>[vector<16xi32>, vector<16xi32>], vector<16xf32>,
      %mul3A_454 = arith.mulf %gather3A_452, %gather3A_453 : vector<16xf32>
      %add3A_455 = arith.addf %add3A_445, %mul3A_454 : vector<16xf32>
      %add3A_456 = arith.constant 43 : i32
      %add3A_457 = vector.broadcast %add3A_456 : i32 to vector<16xi32>
      %add3A_458 = arith.addi %add3A_457, %iota3A : vector<16xi32>
      %and3A_459 = arith.constant 63 : i32
      %and3A_460 = vector.broadcast %and3A_459 : i32 to vector<16xi32>
      %and3A_461 = arith.andi %add3A_458, %and3A_460 : vector<16xi32>
      %gather3A_462 = tpu.vector_load_idx %arg5[%add3A_26, %and3A_461] : memref<256x64xf32, #tpu.memory_space<vmem>>[vector<16xi32>, vector<16xi32>], vector<16xf32>,
      %gather3A_463 = tpu.vector_load_idx %arg6[%add3A_26, %and3A_461] : memref<256x64xf32, #tpu.memory_space<vmem>>[vector<16xi32>, vector<16xi32>], vector<16xf32>,
      %mul3A_464 = arith.mulf %gather3A_462, %gather3A_463 : vector<16xf32>
      %add3A_465 = arith.addf %add3A_455, %mul3A_464 : vector<16xf32>
      %add3A_466 = arith.constant 44 : i32
      %add3A_467 = vector.broadcast %add3A_466 : i32 to vector<16xi32>
      %add3A_468 = arith.addi %add3A_467, %iota3A : vector<16xi32>
      %and3A_469 = arith.constant 63 : i32
      %and3A_470 = vector.broadcast %and3A_469 : i32 to vector<16xi32>
      %and3A_471 = arith.andi %add3A_468, %and3A_470 : vector<16xi32>
      %gather3A_472 = tpu.vector_load_idx %arg5[%add3A_26, %and3A_471] : memref<256x64xf32, #tpu.memory_space<vmem>>[vector<16xi32>, vector<16xi32>], vector<16xf32>,
      %gather3A_473 = tpu.vector_load_idx %arg6[%add3A_26, %and3A_471] : memref<256x64xf32, #tpu.memory_space<vmem>>[vector<16xi32>, vector<16xi32>], vector<16xf32>,
      %mul3A_474 = arith.mulf %gather3A_472, %gather3A_473 : vector<16xf32>
      %add3A_475 = arith.addf %add3A_465, %mul3A_474 : vector<16xf32>
      %add3A_476 = arith.constant 45 : i32
      %add3A_477 = vector.broadcast %add3A_476 : i32 to vector<16xi32>
      %add3A_478 = arith.addi %add3A_477, %iota3A : vector<16xi32>
      %and3A_479 = arith.constant 63 : i32
      %and3A_480 = vector.broadcast %and3A_479 : i32 to vector<16xi32>
      %and3A_481 = arith.andi %add3A_478, %and3A_480 : vector<16xi32>
      %gather3A_482 = tpu.vector_load_idx %arg5[%add3A_26, %and3A_481] : memref<256x64xf32, #tpu.memory_space<vmem>>[vector<16xi32>, vector<16xi32>], vector<16xf32>,
      %gather3A_483 = tpu.vector_load_idx %arg6[%add3A_26, %and3A_481] : memref<256x64xf32, #tpu.memory_space<vmem>>[vector<16xi32>, vector<16xi32>], vector<16xf32>,
      %mul3A_484 = arith.mulf %gather3A_482, %gather3A_483 : vector<16xf32>
      %add3A_485 = arith.addf %add3A_475, %mul3A_484 : vector<16xf32>
      %add3A_486 = arith.constant 46 : i32
      %add3A_487 = vector.broadcast %add3A_486 : i32 to vector<16xi32>
      %add3A_488 = arith.addi %add3A_487, %iota3A : vector<16xi32>
      %and3A_489 = arith.constant 63 : i32
      %and3A_490 = vector.broadcast %and3A_489 : i32 to vector<16xi32>
      %and3A_491 = arith.andi %add3A_488, %and3A_490 : vector<16xi32>
      %gather3A_492 = tpu.vector_load_idx %arg5[%add3A_26, %and3A_491] : memref<256x64xf32, #tpu.memory_space<vmem>>[vector<16xi32>, vector<16xi32>], vector<16xf32>,
      %gather3A_493 = tpu.vector_load_idx %arg6[%add3A_26, %and3A_491] : memref<256x64xf32, #tpu.memory_space<vmem>>[vector<16xi32>, vector<16xi32>], vector<16xf32>,
      %mul3A_494 = arith.mulf %gather3A_492, %gather3A_493 : vector<16xf32>
      %add3A_495 = arith.addf %add3A_485, %mul3A_494 : vector<16xf32>
      %add3A_496 = arith.constant 47 : i32
      %add3A_497 = vector.broadcast %add3A_496 : i32 to vector<16xi32>
      %add3A_498 = arith.addi %add3A_497, %iota3A : vector<16xi32>
      %and3A_499 = arith.constant 63 : i32
      %and3A_500 = vector.broadcast %and3A_499 : i32 to vector<16xi32>
      %and3A_501 = arith.andi %add3A_498, %and3A_500 : vector<16xi32>
      %gather3A_502 = tpu.vector_load_idx %arg5[%add3A_26, %and3A_501] : memref<256x64xf32, #tpu.memory_space<vmem>>[vector<16xi32>, vector<16xi32>], vector<16xf32>,
      %gather3A_503 = tpu.vector_load_idx %arg6[%add3A_26, %and3A_501] : memref<256x64xf32, #tpu.memory_space<vmem>>[vector<16xi32>, vector<16xi32>], vector<16xf32>,
      %mul3A_504 = arith.mulf %gather3A_502, %gather3A_503 : vector<16xf32>
      %add3A_505 = arith.addf %add3A_495, %mul3A_504 : vector<16xf32>
      %add3A_506 = arith.constant 48 : i32
      %add3A_507 = vector.broadcast %add3A_506 : i32 to vector<16xi32>
      %add3A_508 = arith.addi %add3A_507, %iota3A : vector<16xi32>
      %and3A_509 = arith.constant 63 : i32
      %and3A_510 = vector.broadcast %and3A_509 : i32 to vector<16xi32>
      %and3A_511 = arith.andi %add3A_508, %and3A_510 : vector<16xi32>
      %gather3A_512 = tpu.vector_load_idx %arg5[%add3A_26, %and3A_511] : memref<256x64xf32, #tpu.memory_space<vmem>>[vector<16xi32>, vector<16xi32>], vector<16xf32>,
      %gather3A_513 = tpu.vector_load_idx %arg6[%add3A_26, %and3A_511] : memref<256x64xf32, #tpu.memory_space<vmem>>[vector<16xi32>, vector<16xi32>], vector<16xf32>,
      %mul3A_514 = arith.mulf %gather3A_512, %gather3A_513 : vector<16xf32>
      %add3A_515 = arith.addf %add3A_505, %mul3A_514 : vector<16xf32>
      %add3A_516 = arith.constant 49 : i32
      %add3A_517 = vector.broadcast %add3A_516 : i32 to vector<16xi32>
      %add3A_518 = arith.addi %add3A_517, %iota3A : vector<16xi32>
      %and3A_519 = arith.constant 63 : i32
      %and3A_520 = vector.broadcast %and3A_519 : i32 to vector<16xi32>
      %and3A_521 = arith.andi %add3A_518, %and3A_520 : vector<16xi32>
      %gather3A_522 = tpu.vector_load_idx %arg5[%add3A_26, %and3A_521] : memref<256x64xf32, #tpu.memory_space<vmem>>[vector<16xi32>, vector<16xi32>], vector<16xf32>,
      %gather3A_523 = tpu.vector_load_idx %arg6[%add3A_26, %and3A_521] : memref<256x64xf32, #tpu.memory_space<vmem>>[vector<16xi32>, vector<16xi32>], vector<16xf32>,
      %mul3A_524 = arith.mulf %gather3A_522, %gather3A_523 : vector<16xf32>
      %add3A_525 = arith.addf %add3A_515, %mul3A_524 : vector<16xf32>
      %add3A_526 = arith.constant 50 : i32
      %add3A_527 = vector.broadcast %add3A_526 : i32 to vector<16xi32>
      %add3A_528 = arith.addi %add3A_527, %iota3A : vector<16xi32>
      %and3A_529 = arith.constant 63 : i32
      %and3A_530 = vector.broadcast %and3A_529 : i32 to vector<16xi32>
      %and3A_531 = arith.andi %add3A_528, %and3A_530 : vector<16xi32>
      %gather3A_532 = tpu.vector_load_idx %arg5[%add3A_26, %and3A_531] : memref<256x64xf32, #tpu.memory_space<vmem>>[vector<16xi32>, vector<16xi32>], vector<16xf32>,
      %gather3A_533 = tpu.vector_load_idx %arg6[%add3A_26, %and3A_531] : memref<256x64xf32, #tpu.memory_space<vmem>>[vector<16xi32>, vector<16xi32>], vector<16xf32>,
      %mul3A_534 = arith.mulf %gather3A_532, %gather3A_533 : vector<16xf32>
      %add3A_535 = arith.addf %add3A_525, %mul3A_534 : vector<16xf32>
      %add3A_536 = arith.constant 51 : i32
      %add3A_537 = vector.broadcast %add3A_536 : i32 to vector<16xi32>
      %add3A_538 = arith.addi %add3A_537, %iota3A : vector<16xi32>
      %and3A_539 = arith.constant 63 : i32
      %and3A_540 = vector.broadcast %and3A_539 : i32 to vector<16xi32>
      %and3A_541 = arith.andi %add3A_538, %and3A_540 : vector<16xi32>
      %gather3A_542 = tpu.vector_load_idx %arg5[%add3A_26, %and3A_541] : memref<256x64xf32, #tpu.memory_space<vmem>>[vector<16xi32>, vector<16xi32>], vector<16xf32>,
      %gather3A_543 = tpu.vector_load_idx %arg6[%add3A_26, %and3A_541] : memref<256x64xf32, #tpu.memory_space<vmem>>[vector<16xi32>, vector<16xi32>], vector<16xf32>,
      %mul3A_544 = arith.mulf %gather3A_542, %gather3A_543 : vector<16xf32>
      %add3A_545 = arith.addf %add3A_535, %mul3A_544 : vector<16xf32>
      %add3A_546 = arith.constant 52 : i32
      %add3A_547 = vector.broadcast %add3A_546 : i32 to vector<16xi32>
      %add3A_548 = arith.addi %add3A_547, %iota3A : vector<16xi32>
      %and3A_549 = arith.constant 63 : i32
      %and3A_550 = vector.broadcast %and3A_549 : i32 to vector<16xi32>
      %and3A_551 = arith.andi %add3A_548, %and3A_550 : vector<16xi32>
      %gather3A_552 = tpu.vector_load_idx %arg5[%add3A_26, %and3A_551] : memref<256x64xf32, #tpu.memory_space<vmem>>[vector<16xi32>, vector<16xi32>], vector<16xf32>,
      %gather3A_553 = tpu.vector_load_idx %arg6[%add3A_26, %and3A_551] : memref<256x64xf32, #tpu.memory_space<vmem>>[vector<16xi32>, vector<16xi32>], vector<16xf32>,
      %mul3A_554 = arith.mulf %gather3A_552, %gather3A_553 : vector<16xf32>
      %add3A_555 = arith.addf %add3A_545, %mul3A_554 : vector<16xf32>
      %add3A_556 = arith.constant 53 : i32
      %add3A_557 = vector.broadcast %add3A_556 : i32 to vector<16xi32>
      %add3A_558 = arith.addi %add3A_557, %iota3A : vector<16xi32>
      %and3A_559 = arith.constant 63 : i32
      %and3A_560 = vector.broadcast %and3A_559 : i32 to vector<16xi32>
      %and3A_561 = arith.andi %add3A_558, %and3A_560 : vector<16xi32>
      %gather3A_562 = tpu.vector_load_idx %arg5[%add3A_26, %and3A_561] : memref<256x64xf32, #tpu.memory_space<vmem>>[vector<16xi32>, vector<16xi32>], vector<16xf32>,
      %gather3A_563 = tpu.vector_load_idx %arg6[%add3A_26, %and3A_561] : memref<256x64xf32, #tpu.memory_space<vmem>>[vector<16xi32>, vector<16xi32>], vector<16xf32>,
      %mul3A_564 = arith.mulf %gather3A_562, %gather3A_563 : vector<16xf32>
      %add3A_565 = arith.addf %add3A_555, %mul3A_564 : vector<16xf32>
      %add3A_566 = arith.constant 54 : i32
      %add3A_567 = vector.broadcast %add3A_566 : i32 to vector<16xi32>
      %add3A_568 = arith.addi %add3A_567, %iota3A : vector<16xi32>
      %and3A_569 = arith.constant 63 : i32
      %and3A_570 = vector.broadcast %and3A_569 : i32 to vector<16xi32>
      %and3A_571 = arith.andi %add3A_568, %and3A_570 : vector<16xi32>
      %gather3A_572 = tpu.vector_load_idx %arg5[%add3A_26, %and3A_571] : memref<256x64xf32, #tpu.memory_space<vmem>>[vector<16xi32>, vector<16xi32>], vector<16xf32>,
      %gather3A_573 = tpu.vector_load_idx %arg6[%add3A_26, %and3A_571] : memref<256x64xf32, #tpu.memory_space<vmem>>[vector<16xi32>, vector<16xi32>], vector<16xf32>,
      %mul3A_574 = arith.mulf %gather3A_572, %gather3A_573 : vector<16xf32>
      %add3A_575 = arith.addf %add3A_565, %mul3A_574 : vector<16xf32>
      %add3A_576 = arith.constant 55 : i32
      %add3A_577 = vector.broadcast %add3A_576 : i32 to vector<16xi32>
      %add3A_578 = arith.addi %add3A_577, %iota3A : vector<16xi32>
      %and3A_579 = arith.constant 63 : i32
      %and3A_580 = vector.broadcast %and3A_579 : i32 to vector<16xi32>
      %and3A_581 = arith.andi %add3A_578, %and3A_580 : vector<16xi32>
      %gather3A_582 = tpu.vector_load_idx %arg5[%add3A_26, %and3A_581] : memref<256x64xf32, #tpu.memory_space<vmem>>[vector<16xi32>, vector<16xi32>], vector<16xf32>,
      %gather3A_583 = tpu.vector_load_idx %arg6[%add3A_26, %and3A_581] : memref<256x64xf32, #tpu.memory_space<vmem>>[vector<16xi32>, vector<16xi32>], vector<16xf32>,
      %mul3A_584 = arith.mulf %gather3A_582, %gather3A_583 : vector<16xf32>
      %add3A_585 = arith.addf %add3A_575, %mul3A_584 : vector<16xf32>
      %add3A_586 = arith.constant 56 : i32
      %add3A_587 = vector.broadcast %add3A_586 : i32 to vector<16xi32>
      %add3A_588 = arith.addi %add3A_587, %iota3A : vector<16xi32>
      %and3A_589 = arith.constant 63 : i32
      %and3A_590 = vector.broadcast %and3A_589 : i32 to vector<16xi32>
      %and3A_591 = arith.andi %add3A_588, %and3A_590 : vector<16xi32>
      %gather3A_592 = tpu.vector_load_idx %arg5[%add3A_26, %and3A_591] : memref<256x64xf32, #tpu.memory_space<vmem>>[vector<16xi32>, vector<16xi32>], vector<16xf32>,
      %gather3A_593 = tpu.vector_load_idx %arg6[%add3A_26, %and3A_591] : memref<256x64xf32, #tpu.memory_space<vmem>>[vector<16xi32>, vector<16xi32>], vector<16xf32>,
      %mul3A_594 = arith.mulf %gather3A_592, %gather3A_593 : vector<16xf32>
      %add3A_595 = arith.addf %add3A_585, %mul3A_594 : vector<16xf32>
      %add3A_596 = arith.constant 57 : i32
      %add3A_597 = vector.broadcast %add3A_596 : i32 to vector<16xi32>
      %add3A_598 = arith.addi %add3A_597, %iota3A : vector<16xi32>
      %and3A_599 = arith.constant 63 : i32
      %and3A_600 = vector.broadcast %and3A_599 : i32 to vector<16xi32>
      %and3A_601 = arith.andi %add3A_598, %and3A_600 : vector<16xi32>
      %gather3A_602 = tpu.vector_load_idx %arg5[%add3A_26, %and3A_601] : memref<256x64xf32, #tpu.memory_space<vmem>>[vector<16xi32>, vector<16xi32>], vector<16xf32>,
      %gather3A_603 = tpu.vector_load_idx %arg6[%add3A_26, %and3A_601] : memref<256x64xf32, #tpu.memory_space<vmem>>[vector<16xi32>, vector<16xi32>], vector<16xf32>,
      %mul3A_604 = arith.mulf %gather3A_602, %gather3A_603 : vector<16xf32>
      %add3A_605 = arith.addf %add3A_595, %mul3A_604 : vector<16xf32>
      %add3A_606 = arith.constant 58 : i32
      %add3A_607 = vector.broadcast %add3A_606 : i32 to vector<16xi32>
      %add3A_608 = arith.addi %add3A_607, %iota3A : vector<16xi32>
      %and3A_609 = arith.constant 63 : i32
      %and3A_610 = vector.broadcast %and3A_609 : i32 to vector<16xi32>
      %and3A_611 = arith.andi %add3A_608, %and3A_610 : vector<16xi32>
      %gather3A_612 = tpu.vector_load_idx %arg5[%add3A_26, %and3A_611] : memref<256x64xf32, #tpu.memory_space<vmem>>[vector<16xi32>, vector<16xi32>], vector<16xf32>,
      %gather3A_613 = tpu.vector_load_idx %arg6[%add3A_26, %and3A_611] : memref<256x64xf32, #tpu.memory_space<vmem>>[vector<16xi32>, vector<16xi32>], vector<16xf32>,
      %mul3A_614 = arith.mulf %gather3A_612, %gather3A_613 : vector<16xf32>
      %add3A_615 = arith.addf %add3A_605, %mul3A_614 : vector<16xf32>
      %add3A_616 = arith.constant 59 : i32
      %add3A_617 = vector.broadcast %add3A_616 : i32 to vector<16xi32>
      %add3A_618 = arith.addi %add3A_617, %iota3A : vector<16xi32>
      %and3A_619 = arith.constant 63 : i32
      %and3A_620 = vector.broadcast %and3A_619 : i32 to vector<16xi32>
      %and3A_621 = arith.andi %add3A_618, %and3A_620 : vector<16xi32>
      %gather3A_622 = tpu.vector_load_idx %arg5[%add3A_26, %and3A_621] : memref<256x64xf32, #tpu.memory_space<vmem>>[vector<16xi32>, vector<16xi32>], vector<16xf32>,
      %gather3A_623 = tpu.vector_load_idx %arg6[%add3A_26, %and3A_621] : memref<256x64xf32, #tpu.memory_space<vmem>>[vector<16xi32>, vector<16xi32>], vector<16xf32>,
      %mul3A_624 = arith.mulf %gather3A_622, %gather3A_623 : vector<16xf32>
      %add3A_625 = arith.addf %add3A_615, %mul3A_624 : vector<16xf32>
      %add3A_626 = arith.constant 60 : i32
      %add3A_627 = vector.broadcast %add3A_626 : i32 to vector<16xi32>
      %add3A_628 = arith.addi %add3A_627, %iota3A : vector<16xi32>
      %and3A_629 = arith.constant 63 : i32
      %and3A_630 = vector.broadcast %and3A_629 : i32 to vector<16xi32>
      %and3A_631 = arith.andi %add3A_628, %and3A_630 : vector<16xi32>
      %gather3A_632 = tpu.vector_load_idx %arg5[%add3A_26, %and3A_631] : memref<256x64xf32, #tpu.memory_space<vmem>>[vector<16xi32>, vector<16xi32>], vector<16xf32>,
      %gather3A_633 = tpu.vector_load_idx %arg6[%add3A_26, %and3A_631] : memref<256x64xf32, #tpu.memory_space<vmem>>[vector<16xi32>, vector<16xi32>], vector<16xf32>,
      %mul3A_634 = arith.mulf %gather3A_632, %gather3A_633 : vector<16xf32>
      %add3A_635 = arith.addf %add3A_625, %mul3A_634 : vector<16xf32>
      %add3A_636 = arith.constant 61 : i32
      %add3A_637 = vector.broadcast %add3A_636 : i32 to vector<16xi32>
      %add3A_638 = arith.addi %add3A_637, %iota3A : vector<16xi32>
      %and3A_639 = arith.constant 63 : i32
      %and3A_640 = vector.broadcast %and3A_639 : i32 to vector<16xi32>
      %and3A_641 = arith.andi %add3A_638, %and3A_640 : vector<16xi32>
      %gather3A_642 = tpu.vector_load_idx %arg5[%add3A_26, %and3A_641] : memref<256x64xf32, #tpu.memory_space<vmem>>[vector<16xi32>, vector<16xi32>], vector<16xf32>,
      %gather3A_643 = tpu.vector_load_idx %arg6[%add3A_26, %and3A_641] : memref<256x64xf32, #tpu.memory_space<vmem>>[vector<16xi32>, vector<16xi32>], vector<16xf32>,
      %mul3A_644 = arith.mulf %gather3A_642, %gather3A_643 : vector<16xf32>
      %add3A_645 = arith.addf %add3A_635, %mul3A_644 : vector<16xf32>
      %add3A_646 = arith.constant 62 : i32
      %add3A_647 = vector.broadcast %add3A_646 : i32 to vector<16xi32>
      %add3A_648 = arith.addi %add3A_647, %iota3A : vector<16xi32>
      %and3A_649 = arith.constant 63 : i32
      %and3A_650 = vector.broadcast %and3A_649 : i32 to vector<16xi32>
      %and3A_651 = arith.andi %add3A_648, %and3A_650 : vector<16xi32>
      %gather3A_652 = tpu.vector_load_idx %arg5[%add3A_26, %and3A_651] : memref<256x64xf32, #tpu.memory_space<vmem>>[vector<16xi32>, vector<16xi32>], vector<16xf32>,
      %gather3A_653 = tpu.vector_load_idx %arg6[%add3A_26, %and3A_651] : memref<256x64xf32, #tpu.memory_space<vmem>>[vector<16xi32>, vector<16xi32>], vector<16xf32>,
      %mul3A_654 = arith.mulf %gather3A_652, %gather3A_653 : vector<16xf32>
      %add3A_655 = arith.addf %add3A_645, %mul3A_654 : vector<16xf32>
      %add3A_656 = arith.constant 63 : i32
      %add3A_657 = vector.broadcast %add3A_656 : i32 to vector<16xi32>
      %add3A_658 = arith.addi %add3A_657, %iota3A : vector<16xi32>
      %and3A_659 = arith.constant 63 : i32
      %and3A_660 = vector.broadcast %and3A_659 : i32 to vector<16xi32>
      %and3A_661 = arith.andi %add3A_658, %and3A_660 : vector<16xi32>
      %gather3A_662 = tpu.vector_load_idx %arg5[%add3A_26, %and3A_661] : memref<256x64xf32, #tpu.memory_space<vmem>>[vector<16xi32>, vector<16xi32>], vector<16xf32>,
      %gather3A_663 = tpu.vector_load_idx %arg6[%add3A_26, %and3A_661] : memref<256x64xf32, #tpu.memory_space<vmem>>[vector<16xi32>, vector<16xi32>], vector<16xf32>,
      %mul3A_664 = arith.mulf %gather3A_662, %gather3A_663 : vector<16xf32>
      %add3A_665 = arith.addf %add3A_655, %mul3A_664 : vector<16xf32>
      %mul3A_666 = arith.constant 16 : i32
      %mul3A_667 = arith.muli %scan3A_22, %mul3A_666 : i32
      %add3A_668 = arith.constant 0 : i32
      %add3A_669 = arith.addi %add3A_668, %mul3A_667 : i32
      %swap3A = arith.index_cast %add3A_669 : i32 to index
      %swap3A_670 = tpu.vector_load %arg7[%swap3A] {strides = array<i32>} : memref<512xf32, #tpu.memory_space<vmem>>, vector<16xf32>,
      tpu.vector_store %arg7[%swap3A], %add3A_665 {strides = array<i32>} : memref<512xf32, #tpu.memory_space<vmem>>, vector<16xf32>,
    }
    %scan3A_11 = arith.constant 16 : i32
    %add3A_12 = arith.constant 256 : i32
    %add3A_13 = arith.addi %mul3A_2, %add3A_12 : i32
    "tpu.region"() ({
      %run_scoped3A = tpu.sem_alloc : memref<!tpu.dma_semaphore, #tpu.memory_space<semaphore_mem>>
      %dma_start3A = arith.constant 0 : i32
      %dma_start3A_22 = tpu.memref_slice %arg2[%add3A_13, %dma_start3A] : memref<16384x64xf32, #tpu.memory_space<hbm>> -> memref<256x64xf32, #tpu.memory_space<hbm>>
      %dma_start3A_23 = arith.constant 0 : i32
      %dma_start3A_24 = tpu.memref_slice %arg2[%add3A_13, %dma_start3A_23] : memref<16384x64xf32, #tpu.memory_space<hbm>> -> memref<256x64xf32, #tpu.memory_space<hbm>>
      tpu.enqueue_dma source(%dma_start3A_24 : memref<256x64xf32, #tpu.memory_space<hbm>>) target(%arg5 : memref<256x64xf32, #tpu.memory_space<vmem>>) target_semaphore(%run_scoped3A : memref<!tpu.dma_semaphore, #tpu.memory_space<semaphore_mem>>)
      %dma_wait3A = arith.constant 0 : i32
      %dma_wait3A_25 = tpu.memref_slice %arg2[%add3A_13, %dma_wait3A] : memref<16384x64xf32, #tpu.memory_space<hbm>> -> memref<256x64xf32, #tpu.memory_space<hbm>>
      %dma_wait3A_26 = arith.constant 0 : i32
      %dma_wait3A_27 = tpu.memref_slice %arg2[%add3A_13, %dma_wait3A_26] : memref<16384x64xf32, #tpu.memory_space<hbm>> -> memref<256x64xf32, #tpu.memory_space<hbm>>
      tpu.wait_dma2 semaphore(%run_scoped3A : memref<!tpu.dma_semaphore, #tpu.memory_space<semaphore_mem>>) src(%dma_wait3A_27 : memref<256x64xf32, #tpu.memory_space<hbm>>) dst(%arg5 : memref<256x64xf32, #tpu.memory_space<vmem>>)
      tpu.yield
    }) : () -> ()
    %add3A_14 = arith.constant 256 : i32
    %add3A_15 = arith.addi %mul3A_2, %add3A_14 : i32
    "tpu.region"() ({
      %run_scoped3A = tpu.sem_alloc : memref<!tpu.dma_semaphore, #tpu.memory_space<semaphore_mem>>
      %dma_start3A = arith.constant 0 : i32
      %dma_start3A_22 = tpu.memref_slice %arg3[%add3A_15, %dma_start3A] : memref<16384x64xf32, #tpu.memory_space<hbm>> -> memref<256x64xf32, #tpu.memory_space<hbm>>
      %dma_start3A_23 = arith.constant 0 : i32
      %dma_start3A_24 = tpu.memref_slice %arg3[%add3A_15, %dma_start3A_23] : memref<16384x64xf32, #tpu.memory_space<hbm>> -> memref<256x64xf32, #tpu.memory_space<hbm>>
      tpu.enqueue_dma source(%dma_start3A_24 : memref<256x64xf32, #tpu.memory_space<hbm>>) target(%arg6 : memref<256x64xf32, #tpu.memory_space<vmem>>) target_semaphore(%run_scoped3A : memref<!tpu.dma_semaphore, #tpu.memory_space<semaphore_mem>>)
      %dma_wait3A = arith.constant 0 : i32
      %dma_wait3A_25 = tpu.memref_slice %arg3[%add3A_15, %dma_wait3A] : memref<16384x64xf32, #tpu.memory_space<hbm>> -> memref<256x64xf32, #tpu.memory_space<hbm>>
      %dma_wait3A_26 = arith.constant 0 : i32
      %dma_wait3A_27 = tpu.memref_slice %arg3[%add3A_15, %dma_wait3A_26] : memref<16384x64xf32, #tpu.memory_space<hbm>> -> memref<256x64xf32, #tpu.memory_space<hbm>>
      tpu.wait_dma2 semaphore(%run_scoped3A : memref<!tpu.dma_semaphore, #tpu.memory_space<semaphore_mem>>) src(%dma_wait3A_27 : memref<256x64xf32, #tpu.memory_space<hbm>>) dst(%arg6 : memref<256x64xf32, #tpu.memory_space<vmem>>)
      tpu.yield
    }) : () -> ()
    %scan3A_16 = arith.constant 0 : i32
    %scan3A_17 = arith.constant 0 : i32
    %scan3A_18 = arith.constant 16 : i32
    %scan3A_19 = arith.addi %scan3A_17, %scan3A_18 : i32
    %scan3A_20 = arith.constant 1 : i32
    scf.for %scan3A_22 = %scan3A_17 to %scan3A_19 step %scan3A_20  : i32 {
      %mul3A_23 = arith.constant 16 : i32
      %mul3A_24 = arith.muli %scan3A_22, %mul3A_23 : i32
      %add3A_25 = vector.broadcast %mul3A_24 : i32 to vector<16xi32>
      %add3A_26 = arith.addi %add3A_25, %iota3A : vector<16xi32>
      %broadcast_in_dim3A = arith.constant 0.000000e+00 : f32
      %broadcast_in_dim3A_27 = vector.broadcast %broadcast_in_dim3A : f32 to vector<16xf32>
      %add3A_28 = arith.constant 0 : i32
      %add3A_29 = vector.broadcast %add3A_28 : i32 to vector<16xi32>
      %add3A_30 = arith.addi %add3A_29, %iota3A : vector<16xi32>
      %and3A = arith.constant 63 : i32
      %and3A_31 = vector.broadcast %and3A : i32 to vector<16xi32>
      %and3A_32 = arith.andi %add3A_30, %and3A_31 : vector<16xi32>
      %gather3A = tpu.vector_load_idx %arg5[%add3A_26, %and3A_32] : memref<256x64xf32, #tpu.memory_space<vmem>>[vector<16xi32>, vector<16xi32>], vector<16xf32>,
      %gather3A_33 = tpu.vector_load_idx %arg6[%add3A_26, %and3A_32] : memref<256x64xf32, #tpu.memory_space<vmem>>[vector<16xi32>, vector<16xi32>], vector<16xf32>,
      %mul3A_34 = arith.mulf %gather3A, %gather3A_33 : vector<16xf32>
      %add3A_35 = arith.addf %broadcast_in_dim3A_27, %mul3A_34 : vector<16xf32>
      %add3A_36 = arith.constant 1 : i32
      %add3A_37 = vector.broadcast %add3A_36 : i32 to vector<16xi32>
      %add3A_38 = arith.addi %add3A_37, %iota3A : vector<16xi32>
      %and3A_39 = arith.constant 63 : i32
      %and3A_40 = vector.broadcast %and3A_39 : i32 to vector<16xi32>
      %and3A_41 = arith.andi %add3A_38, %and3A_40 : vector<16xi32>
      %gather3A_42 = tpu.vector_load_idx %arg5[%add3A_26, %and3A_41] : memref<256x64xf32, #tpu.memory_space<vmem>>[vector<16xi32>, vector<16xi32>], vector<16xf32>,
      %gather3A_43 = tpu.vector_load_idx %arg6[%add3A_26, %and3A_41] : memref<256x64xf32, #tpu.memory_space<vmem>>[vector<16xi32>, vector<16xi32>], vector<16xf32>,
      %mul3A_44 = arith.mulf %gather3A_42, %gather3A_43 : vector<16xf32>
      %add3A_45 = arith.addf %add3A_35, %mul3A_44 : vector<16xf32>
      %add3A_46 = arith.constant 2 : i32
      %add3A_47 = vector.broadcast %add3A_46 : i32 to vector<16xi32>
      %add3A_48 = arith.addi %add3A_47, %iota3A : vector<16xi32>
      %and3A_49 = arith.constant 63 : i32
      %and3A_50 = vector.broadcast %and3A_49 : i32 to vector<16xi32>
      %and3A_51 = arith.andi %add3A_48, %and3A_50 : vector<16xi32>
      %gather3A_52 = tpu.vector_load_idx %arg5[%add3A_26, %and3A_51] : memref<256x64xf32, #tpu.memory_space<vmem>>[vector<16xi32>, vector<16xi32>], vector<16xf32>,
      %gather3A_53 = tpu.vector_load_idx %arg6[%add3A_26, %and3A_51] : memref<256x64xf32, #tpu.memory_space<vmem>>[vector<16xi32>, vector<16xi32>], vector<16xf32>,
      %mul3A_54 = arith.mulf %gather3A_52, %gather3A_53 : vector<16xf32>
      %add3A_55 = arith.addf %add3A_45, %mul3A_54 : vector<16xf32>
      %add3A_56 = arith.constant 3 : i32
      %add3A_57 = vector.broadcast %add3A_56 : i32 to vector<16xi32>
      %add3A_58 = arith.addi %add3A_57, %iota3A : vector<16xi32>
      %and3A_59 = arith.constant 63 : i32
      %and3A_60 = vector.broadcast %and3A_59 : i32 to vector<16xi32>
      %and3A_61 = arith.andi %add3A_58, %and3A_60 : vector<16xi32>
      %gather3A_62 = tpu.vector_load_idx %arg5[%add3A_26, %and3A_61] : memref<256x64xf32, #tpu.memory_space<vmem>>[vector<16xi32>, vector<16xi32>], vector<16xf32>,
      %gather3A_63 = tpu.vector_load_idx %arg6[%add3A_26, %and3A_61] : memref<256x64xf32, #tpu.memory_space<vmem>>[vector<16xi32>, vector<16xi32>], vector<16xf32>,
      %mul3A_64 = arith.mulf %gather3A_62, %gather3A_63 : vector<16xf32>
      %add3A_65 = arith.addf %add3A_55, %mul3A_64 : vector<16xf32>
      %add3A_66 = arith.constant 4 : i32
      %add3A_67 = vector.broadcast %add3A_66 : i32 to vector<16xi32>
      %add3A_68 = arith.addi %add3A_67, %iota3A : vector<16xi32>
      %and3A_69 = arith.constant 63 : i32
      %and3A_70 = vector.broadcast %and3A_69 : i32 to vector<16xi32>
      %and3A_71 = arith.andi %add3A_68, %and3A_70 : vector<16xi32>
      %gather3A_72 = tpu.vector_load_idx %arg5[%add3A_26, %and3A_71] : memref<256x64xf32, #tpu.memory_space<vmem>>[vector<16xi32>, vector<16xi32>], vector<16xf32>,
      %gather3A_73 = tpu.vector_load_idx %arg6[%add3A_26, %and3A_71] : memref<256x64xf32, #tpu.memory_space<vmem>>[vector<16xi32>, vector<16xi32>], vector<16xf32>,
      %mul3A_74 = arith.mulf %gather3A_72, %gather3A_73 : vector<16xf32>
      %add3A_75 = arith.addf %add3A_65, %mul3A_74 : vector<16xf32>
      %add3A_76 = arith.constant 5 : i32
      %add3A_77 = vector.broadcast %add3A_76 : i32 to vector<16xi32>
      %add3A_78 = arith.addi %add3A_77, %iota3A : vector<16xi32>
      %and3A_79 = arith.constant 63 : i32
      %and3A_80 = vector.broadcast %and3A_79 : i32 to vector<16xi32>
      %and3A_81 = arith.andi %add3A_78, %and3A_80 : vector<16xi32>
      %gather3A_82 = tpu.vector_load_idx %arg5[%add3A_26, %and3A_81] : memref<256x64xf32, #tpu.memory_space<vmem>>[vector<16xi32>, vector<16xi32>], vector<16xf32>,
      %gather3A_83 = tpu.vector_load_idx %arg6[%add3A_26, %and3A_81] : memref<256x64xf32, #tpu.memory_space<vmem>>[vector<16xi32>, vector<16xi32>], vector<16xf32>,
      %mul3A_84 = arith.mulf %gather3A_82, %gather3A_83 : vector<16xf32>
      %add3A_85 = arith.addf %add3A_75, %mul3A_84 : vector<16xf32>
      %add3A_86 = arith.constant 6 : i32
      %add3A_87 = vector.broadcast %add3A_86 : i32 to vector<16xi32>
      %add3A_88 = arith.addi %add3A_87, %iota3A : vector<16xi32>
      %and3A_89 = arith.constant 63 : i32
      %and3A_90 = vector.broadcast %and3A_89 : i32 to vector<16xi32>
      %and3A_91 = arith.andi %add3A_88, %and3A_90 : vector<16xi32>
      %gather3A_92 = tpu.vector_load_idx %arg5[%add3A_26, %and3A_91] : memref<256x64xf32, #tpu.memory_space<vmem>>[vector<16xi32>, vector<16xi32>], vector<16xf32>,
      %gather3A_93 = tpu.vector_load_idx %arg6[%add3A_26, %and3A_91] : memref<256x64xf32, #tpu.memory_space<vmem>>[vector<16xi32>, vector<16xi32>], vector<16xf32>,
      %mul3A_94 = arith.mulf %gather3A_92, %gather3A_93 : vector<16xf32>
      %add3A_95 = arith.addf %add3A_85, %mul3A_94 : vector<16xf32>
      %add3A_96 = arith.constant 7 : i32
      %add3A_97 = vector.broadcast %add3A_96 : i32 to vector<16xi32>
      %add3A_98 = arith.addi %add3A_97, %iota3A : vector<16xi32>
      %and3A_99 = arith.constant 63 : i32
      %and3A_100 = vector.broadcast %and3A_99 : i32 to vector<16xi32>
      %and3A_101 = arith.andi %add3A_98, %and3A_100 : vector<16xi32>
      %gather3A_102 = tpu.vector_load_idx %arg5[%add3A_26, %and3A_101] : memref<256x64xf32, #tpu.memory_space<vmem>>[vector<16xi32>, vector<16xi32>], vector<16xf32>,
      %gather3A_103 = tpu.vector_load_idx %arg6[%add3A_26, %and3A_101] : memref<256x64xf32, #tpu.memory_space<vmem>>[vector<16xi32>, vector<16xi32>], vector<16xf32>,
      %mul3A_104 = arith.mulf %gather3A_102, %gather3A_103 : vector<16xf32>
      %add3A_105 = arith.addf %add3A_95, %mul3A_104 : vector<16xf32>
      %add3A_106 = arith.constant 8 : i32
      %add3A_107 = vector.broadcast %add3A_106 : i32 to vector<16xi32>
      %add3A_108 = arith.addi %add3A_107, %iota3A : vector<16xi32>
      %and3A_109 = arith.constant 63 : i32
      %and3A_110 = vector.broadcast %and3A_109 : i32 to vector<16xi32>
      %and3A_111 = arith.andi %add3A_108, %and3A_110 : vector<16xi32>
      %gather3A_112 = tpu.vector_load_idx %arg5[%add3A_26, %and3A_111] : memref<256x64xf32, #tpu.memory_space<vmem>>[vector<16xi32>, vector<16xi32>], vector<16xf32>,
      %gather3A_113 = tpu.vector_load_idx %arg6[%add3A_26, %and3A_111] : memref<256x64xf32, #tpu.memory_space<vmem>>[vector<16xi32>, vector<16xi32>], vector<16xf32>,
      %mul3A_114 = arith.mulf %gather3A_112, %gather3A_113 : vector<16xf32>
      %add3A_115 = arith.addf %add3A_105, %mul3A_114 : vector<16xf32>
      %add3A_116 = arith.constant 9 : i32
      %add3A_117 = vector.broadcast %add3A_116 : i32 to vector<16xi32>
      %add3A_118 = arith.addi %add3A_117, %iota3A : vector<16xi32>
      %and3A_119 = arith.constant 63 : i32
      %and3A_120 = vector.broadcast %and3A_119 : i32 to vector<16xi32>
      %and3A_121 = arith.andi %add3A_118, %and3A_120 : vector<16xi32>
      %gather3A_122 = tpu.vector_load_idx %arg5[%add3A_26, %and3A_121] : memref<256x64xf32, #tpu.memory_space<vmem>>[vector<16xi32>, vector<16xi32>], vector<16xf32>,
      %gather3A_123 = tpu.vector_load_idx %arg6[%add3A_26, %and3A_121] : memref<256x64xf32, #tpu.memory_space<vmem>>[vector<16xi32>, vector<16xi32>], vector<16xf32>,
      %mul3A_124 = arith.mulf %gather3A_122, %gather3A_123 : vector<16xf32>
      %add3A_125 = arith.addf %add3A_115, %mul3A_124 : vector<16xf32>
      %add3A_126 = arith.constant 10 : i32
      %add3A_127 = vector.broadcast %add3A_126 : i32 to vector<16xi32>
      %add3A_128 = arith.addi %add3A_127, %iota3A : vector<16xi32>
      %and3A_129 = arith.constant 63 : i32
      %and3A_130 = vector.broadcast %and3A_129 : i32 to vector<16xi32>
      %and3A_131 = arith.andi %add3A_128, %and3A_130 : vector<16xi32>
      %gather3A_132 = tpu.vector_load_idx %arg5[%add3A_26, %and3A_131] : memref<256x64xf32, #tpu.memory_space<vmem>>[vector<16xi32>, vector<16xi32>], vector<16xf32>,
      %gather3A_133 = tpu.vector_load_idx %arg6[%add3A_26, %and3A_131] : memref<256x64xf32, #tpu.memory_space<vmem>>[vector<16xi32>, vector<16xi32>], vector<16xf32>,
      %mul3A_134 = arith.mulf %gather3A_132, %gather3A_133 : vector<16xf32>
      %add3A_135 = arith.addf %add3A_125, %mul3A_134 : vector<16xf32>
      %add3A_136 = arith.constant 11 : i32
      %add3A_137 = vector.broadcast %add3A_136 : i32 to vector<16xi32>
      %add3A_138 = arith.addi %add3A_137, %iota3A : vector<16xi32>
      %and3A_139 = arith.constant 63 : i32
      %and3A_140 = vector.broadcast %and3A_139 : i32 to vector<16xi32>
      %and3A_141 = arith.andi %add3A_138, %and3A_140 : vector<16xi32>
      %gather3A_142 = tpu.vector_load_idx %arg5[%add3A_26, %and3A_141] : memref<256x64xf32, #tpu.memory_space<vmem>>[vector<16xi32>, vector<16xi32>], vector<16xf32>,
      %gather3A_143 = tpu.vector_load_idx %arg6[%add3A_26, %and3A_141] : memref<256x64xf32, #tpu.memory_space<vmem>>[vector<16xi32>, vector<16xi32>], vector<16xf32>,
      %mul3A_144 = arith.mulf %gather3A_142, %gather3A_143 : vector<16xf32>
      %add3A_145 = arith.addf %add3A_135, %mul3A_144 : vector<16xf32>
      %add3A_146 = arith.constant 12 : i32
      %add3A_147 = vector.broadcast %add3A_146 : i32 to vector<16xi32>
      %add3A_148 = arith.addi %add3A_147, %iota3A : vector<16xi32>
      %and3A_149 = arith.constant 63 : i32
      %and3A_150 = vector.broadcast %and3A_149 : i32 to vector<16xi32>
      %and3A_151 = arith.andi %add3A_148, %and3A_150 : vector<16xi32>
      %gather3A_152 = tpu.vector_load_idx %arg5[%add3A_26, %and3A_151] : memref<256x64xf32, #tpu.memory_space<vmem>>[vector<16xi32>, vector<16xi32>], vector<16xf32>,
      %gather3A_153 = tpu.vector_load_idx %arg6[%add3A_26, %and3A_151] : memref<256x64xf32, #tpu.memory_space<vmem>>[vector<16xi32>, vector<16xi32>], vector<16xf32>,
      %mul3A_154 = arith.mulf %gather3A_152, %gather3A_153 : vector<16xf32>
      %add3A_155 = arith.addf %add3A_145, %mul3A_154 : vector<16xf32>
      %add3A_156 = arith.constant 13 : i32
      %add3A_157 = vector.broadcast %add3A_156 : i32 to vector<16xi32>
      %add3A_158 = arith.addi %add3A_157, %iota3A : vector<16xi32>
      %and3A_159 = arith.constant 63 : i32
      %and3A_160 = vector.broadcast %and3A_159 : i32 to vector<16xi32>
      %and3A_161 = arith.andi %add3A_158, %and3A_160 : vector<16xi32>
      %gather3A_162 = tpu.vector_load_idx %arg5[%add3A_26, %and3A_161] : memref<256x64xf32, #tpu.memory_space<vmem>>[vector<16xi32>, vector<16xi32>], vector<16xf32>,
      %gather3A_163 = tpu.vector_load_idx %arg6[%add3A_26, %and3A_161] : memref<256x64xf32, #tpu.memory_space<vmem>>[vector<16xi32>, vector<16xi32>], vector<16xf32>,
      %mul3A_164 = arith.mulf %gather3A_162, %gather3A_163 : vector<16xf32>
      %add3A_165 = arith.addf %add3A_155, %mul3A_164 : vector<16xf32>
      %add3A_166 = arith.constant 14 : i32
      %add3A_167 = vector.broadcast %add3A_166 : i32 to vector<16xi32>
      %add3A_168 = arith.addi %add3A_167, %iota3A : vector<16xi32>
      %and3A_169 = arith.constant 63 : i32
      %and3A_170 = vector.broadcast %and3A_169 : i32 to vector<16xi32>
      %and3A_171 = arith.andi %add3A_168, %and3A_170 : vector<16xi32>
      %gather3A_172 = tpu.vector_load_idx %arg5[%add3A_26, %and3A_171] : memref<256x64xf32, #tpu.memory_space<vmem>>[vector<16xi32>, vector<16xi32>], vector<16xf32>,
      %gather3A_173 = tpu.vector_load_idx %arg6[%add3A_26, %and3A_171] : memref<256x64xf32, #tpu.memory_space<vmem>>[vector<16xi32>, vector<16xi32>], vector<16xf32>,
      %mul3A_174 = arith.mulf %gather3A_172, %gather3A_173 : vector<16xf32>
      %add3A_175 = arith.addf %add3A_165, %mul3A_174 : vector<16xf32>
      %add3A_176 = arith.constant 15 : i32
      %add3A_177 = vector.broadcast %add3A_176 : i32 to vector<16xi32>
      %add3A_178 = arith.addi %add3A_177, %iota3A : vector<16xi32>
      %and3A_179 = arith.constant 63 : i32
      %and3A_180 = vector.broadcast %and3A_179 : i32 to vector<16xi32>
      %and3A_181 = arith.andi %add3A_178, %and3A_180 : vector<16xi32>
      %gather3A_182 = tpu.vector_load_idx %arg5[%add3A_26, %and3A_181] : memref<256x64xf32, #tpu.memory_space<vmem>>[vector<16xi32>, vector<16xi32>], vector<16xf32>,
      %gather3A_183 = tpu.vector_load_idx %arg6[%add3A_26, %and3A_181] : memref<256x64xf32, #tpu.memory_space<vmem>>[vector<16xi32>, vector<16xi32>], vector<16xf32>,
      %mul3A_184 = arith.mulf %gather3A_182, %gather3A_183 : vector<16xf32>
      %add3A_185 = arith.addf %add3A_175, %mul3A_184 : vector<16xf32>
      %add3A_186 = arith.constant 16 : i32
      %add3A_187 = vector.broadcast %add3A_186 : i32 to vector<16xi32>
      %add3A_188 = arith.addi %add3A_187, %iota3A : vector<16xi32>
      %and3A_189 = arith.constant 63 : i32
      %and3A_190 = vector.broadcast %and3A_189 : i32 to vector<16xi32>
      %and3A_191 = arith.andi %add3A_188, %and3A_190 : vector<16xi32>
      %gather3A_192 = tpu.vector_load_idx %arg5[%add3A_26, %and3A_191] : memref<256x64xf32, #tpu.memory_space<vmem>>[vector<16xi32>, vector<16xi32>], vector<16xf32>,
      %gather3A_193 = tpu.vector_load_idx %arg6[%add3A_26, %and3A_191] : memref<256x64xf32, #tpu.memory_space<vmem>>[vector<16xi32>, vector<16xi32>], vector<16xf32>,
      %mul3A_194 = arith.mulf %gather3A_192, %gather3A_193 : vector<16xf32>
      %add3A_195 = arith.addf %add3A_185, %mul3A_194 : vector<16xf32>
      %add3A_196 = arith.constant 17 : i32
      %add3A_197 = vector.broadcast %add3A_196 : i32 to vector<16xi32>
      %add3A_198 = arith.addi %add3A_197, %iota3A : vector<16xi32>
      %and3A_199 = arith.constant 63 : i32
      %and3A_200 = vector.broadcast %and3A_199 : i32 to vector<16xi32>
      %and3A_201 = arith.andi %add3A_198, %and3A_200 : vector<16xi32>
      %gather3A_202 = tpu.vector_load_idx %arg5[%add3A_26, %and3A_201] : memref<256x64xf32, #tpu.memory_space<vmem>>[vector<16xi32>, vector<16xi32>], vector<16xf32>,
      %gather3A_203 = tpu.vector_load_idx %arg6[%add3A_26, %and3A_201] : memref<256x64xf32, #tpu.memory_space<vmem>>[vector<16xi32>, vector<16xi32>], vector<16xf32>,
      %mul3A_204 = arith.mulf %gather3A_202, %gather3A_203 : vector<16xf32>
      %add3A_205 = arith.addf %add3A_195, %mul3A_204 : vector<16xf32>
      %add3A_206 = arith.constant 18 : i32
      %add3A_207 = vector.broadcast %add3A_206 : i32 to vector<16xi32>
      %add3A_208 = arith.addi %add3A_207, %iota3A : vector<16xi32>
      %and3A_209 = arith.constant 63 : i32
      %and3A_210 = vector.broadcast %and3A_209 : i32 to vector<16xi32>
      %and3A_211 = arith.andi %add3A_208, %and3A_210 : vector<16xi32>
      %gather3A_212 = tpu.vector_load_idx %arg5[%add3A_26, %and3A_211] : memref<256x64xf32, #tpu.memory_space<vmem>>[vector<16xi32>, vector<16xi32>], vector<16xf32>,
      %gather3A_213 = tpu.vector_load_idx %arg6[%add3A_26, %and3A_211] : memref<256x64xf32, #tpu.memory_space<vmem>>[vector<16xi32>, vector<16xi32>], vector<16xf32>,
      %mul3A_214 = arith.mulf %gather3A_212, %gather3A_213 : vector<16xf32>
      %add3A_215 = arith.addf %add3A_205, %mul3A_214 : vector<16xf32>
      %add3A_216 = arith.constant 19 : i32
      %add3A_217 = vector.broadcast %add3A_216 : i32 to vector<16xi32>
      %add3A_218 = arith.addi %add3A_217, %iota3A : vector<16xi32>
      %and3A_219 = arith.constant 63 : i32
      %and3A_220 = vector.broadcast %and3A_219 : i32 to vector<16xi32>
      %and3A_221 = arith.andi %add3A_218, %and3A_220 : vector<16xi32>
      %gather3A_222 = tpu.vector_load_idx %arg5[%add3A_26, %and3A_221] : memref<256x64xf32, #tpu.memory_space<vmem>>[vector<16xi32>, vector<16xi32>], vector<16xf32>,
      %gather3A_223 = tpu.vector_load_idx %arg6[%add3A_26, %and3A_221] : memref<256x64xf32, #tpu.memory_space<vmem>>[vector<16xi32>, vector<16xi32>], vector<16xf32>,
      %mul3A_224 = arith.mulf %gather3A_222, %gather3A_223 : vector<16xf32>
      %add3A_225 = arith.addf %add3A_215, %mul3A_224 : vector<16xf32>
      %add3A_226 = arith.constant 20 : i32
      %add3A_227 = vector.broadcast %add3A_226 : i32 to vector<16xi32>
      %add3A_228 = arith.addi %add3A_227, %iota3A : vector<16xi32>
      %and3A_229 = arith.constant 63 : i32
      %and3A_230 = vector.broadcast %and3A_229 : i32 to vector<16xi32>
      %and3A_231 = arith.andi %add3A_228, %and3A_230 : vector<16xi32>
      %gather3A_232 = tpu.vector_load_idx %arg5[%add3A_26, %and3A_231] : memref<256x64xf32, #tpu.memory_space<vmem>>[vector<16xi32>, vector<16xi32>], vector<16xf32>,
      %gather3A_233 = tpu.vector_load_idx %arg6[%add3A_26, %and3A_231] : memref<256x64xf32, #tpu.memory_space<vmem>>[vector<16xi32>, vector<16xi32>], vector<16xf32>,
      %mul3A_234 = arith.mulf %gather3A_232, %gather3A_233 : vector<16xf32>
      %add3A_235 = arith.addf %add3A_225, %mul3A_234 : vector<16xf32>
      %add3A_236 = arith.constant 21 : i32
      %add3A_237 = vector.broadcast %add3A_236 : i32 to vector<16xi32>
      %add3A_238 = arith.addi %add3A_237, %iota3A : vector<16xi32>
      %and3A_239 = arith.constant 63 : i32
      %and3A_240 = vector.broadcast %and3A_239 : i32 to vector<16xi32>
      %and3A_241 = arith.andi %add3A_238, %and3A_240 : vector<16xi32>
      %gather3A_242 = tpu.vector_load_idx %arg5[%add3A_26, %and3A_241] : memref<256x64xf32, #tpu.memory_space<vmem>>[vector<16xi32>, vector<16xi32>], vector<16xf32>,
      %gather3A_243 = tpu.vector_load_idx %arg6[%add3A_26, %and3A_241] : memref<256x64xf32, #tpu.memory_space<vmem>>[vector<16xi32>, vector<16xi32>], vector<16xf32>,
      %mul3A_244 = arith.mulf %gather3A_242, %gather3A_243 : vector<16xf32>
      %add3A_245 = arith.addf %add3A_235, %mul3A_244 : vector<16xf32>
      %add3A_246 = arith.constant 22 : i32
      %add3A_247 = vector.broadcast %add3A_246 : i32 to vector<16xi32>
      %add3A_248 = arith.addi %add3A_247, %iota3A : vector<16xi32>
      %and3A_249 = arith.constant 63 : i32
      %and3A_250 = vector.broadcast %and3A_249 : i32 to vector<16xi32>
      %and3A_251 = arith.andi %add3A_248, %and3A_250 : vector<16xi32>
      %gather3A_252 = tpu.vector_load_idx %arg5[%add3A_26, %and3A_251] : memref<256x64xf32, #tpu.memory_space<vmem>>[vector<16xi32>, vector<16xi32>], vector<16xf32>,
      %gather3A_253 = tpu.vector_load_idx %arg6[%add3A_26, %and3A_251] : memref<256x64xf32, #tpu.memory_space<vmem>>[vector<16xi32>, vector<16xi32>], vector<16xf32>,
      %mul3A_254 = arith.mulf %gather3A_252, %gather3A_253 : vector<16xf32>
      %add3A_255 = arith.addf %add3A_245, %mul3A_254 : vector<16xf32>
      %add3A_256 = arith.constant 23 : i32
      %add3A_257 = vector.broadcast %add3A_256 : i32 to vector<16xi32>
      %add3A_258 = arith.addi %add3A_257, %iota3A : vector<16xi32>
      %and3A_259 = arith.constant 63 : i32
      %and3A_260 = vector.broadcast %and3A_259 : i32 to vector<16xi32>
      %and3A_261 = arith.andi %add3A_258, %and3A_260 : vector<16xi32>
      %gather3A_262 = tpu.vector_load_idx %arg5[%add3A_26, %and3A_261] : memref<256x64xf32, #tpu.memory_space<vmem>>[vector<16xi32>, vector<16xi32>], vector<16xf32>,
      %gather3A_263 = tpu.vector_load_idx %arg6[%add3A_26, %and3A_261] : memref<256x64xf32, #tpu.memory_space<vmem>>[vector<16xi32>, vector<16xi32>], vector<16xf32>,
      %mul3A_264 = arith.mulf %gather3A_262, %gather3A_263 : vector<16xf32>
      %add3A_265 = arith.addf %add3A_255, %mul3A_264 : vector<16xf32>
      %add3A_266 = arith.constant 24 : i32
      %add3A_267 = vector.broadcast %add3A_266 : i32 to vector<16xi32>
      %add3A_268 = arith.addi %add3A_267, %iota3A : vector<16xi32>
      %and3A_269 = arith.constant 63 : i32
      %and3A_270 = vector.broadcast %and3A_269 : i32 to vector<16xi32>
      %and3A_271 = arith.andi %add3A_268, %and3A_270 : vector<16xi32>
      %gather3A_272 = tpu.vector_load_idx %arg5[%add3A_26, %and3A_271] : memref<256x64xf32, #tpu.memory_space<vmem>>[vector<16xi32>, vector<16xi32>], vector<16xf32>,
      %gather3A_273 = tpu.vector_load_idx %arg6[%add3A_26, %and3A_271] : memref<256x64xf32, #tpu.memory_space<vmem>>[vector<16xi32>, vector<16xi32>], vector<16xf32>,
      %mul3A_274 = arith.mulf %gather3A_272, %gather3A_273 : vector<16xf32>
      %add3A_275 = arith.addf %add3A_265, %mul3A_274 : vector<16xf32>
      %add3A_276 = arith.constant 25 : i32
      %add3A_277 = vector.broadcast %add3A_276 : i32 to vector<16xi32>
      %add3A_278 = arith.addi %add3A_277, %iota3A : vector<16xi32>
      %and3A_279 = arith.constant 63 : i32
      %and3A_280 = vector.broadcast %and3A_279 : i32 to vector<16xi32>
      %and3A_281 = arith.andi %add3A_278, %and3A_280 : vector<16xi32>
      %gather3A_282 = tpu.vector_load_idx %arg5[%add3A_26, %and3A_281] : memref<256x64xf32, #tpu.memory_space<vmem>>[vector<16xi32>, vector<16xi32>], vector<16xf32>,
      %gather3A_283 = tpu.vector_load_idx %arg6[%add3A_26, %and3A_281] : memref<256x64xf32, #tpu.memory_space<vmem>>[vector<16xi32>, vector<16xi32>], vector<16xf32>,
      %mul3A_284 = arith.mulf %gather3A_282, %gather3A_283 : vector<16xf32>
      %add3A_285 = arith.addf %add3A_275, %mul3A_284 : vector<16xf32>
      %add3A_286 = arith.constant 26 : i32
      %add3A_287 = vector.broadcast %add3A_286 : i32 to vector<16xi32>
      %add3A_288 = arith.addi %add3A_287, %iota3A : vector<16xi32>
      %and3A_289 = arith.constant 63 : i32
      %and3A_290 = vector.broadcast %and3A_289 : i32 to vector<16xi32>
      %and3A_291 = arith.andi %add3A_288, %and3A_290 : vector<16xi32>
      %gather3A_292 = tpu.vector_load_idx %arg5[%add3A_26, %and3A_291] : memref<256x64xf32, #tpu.memory_space<vmem>>[vector<16xi32>, vector<16xi32>], vector<16xf32>,
      %gather3A_293 = tpu.vector_load_idx %arg6[%add3A_26, %and3A_291] : memref<256x64xf32, #tpu.memory_space<vmem>>[vector<16xi32>, vector<16xi32>], vector<16xf32>,
      %mul3A_294 = arith.mulf %gather3A_292, %gather3A_293 : vector<16xf32>
      %add3A_295 = arith.addf %add3A_285, %mul3A_294 : vector<16xf32>
      %add3A_296 = arith.constant 27 : i32
      %add3A_297 = vector.broadcast %add3A_296 : i32 to vector<16xi32>
      %add3A_298 = arith.addi %add3A_297, %iota3A : vector<16xi32>
      %and3A_299 = arith.constant 63 : i32
      %and3A_300 = vector.broadcast %and3A_299 : i32 to vector<16xi32>
      %and3A_301 = arith.andi %add3A_298, %and3A_300 : vector<16xi32>
      %gather3A_302 = tpu.vector_load_idx %arg5[%add3A_26, %and3A_301] : memref<256x64xf32, #tpu.memory_space<vmem>>[vector<16xi32>, vector<16xi32>], vector<16xf32>,
      %gather3A_303 = tpu.vector_load_idx %arg6[%add3A_26, %and3A_301] : memref<256x64xf32, #tpu.memory_space<vmem>>[vector<16xi32>, vector<16xi32>], vector<16xf32>,
      %mul3A_304 = arith.mulf %gather3A_302, %gather3A_303 : vector<16xf32>
      %add3A_305 = arith.addf %add3A_295, %mul3A_304 : vector<16xf32>
      %add3A_306 = arith.constant 28 : i32
      %add3A_307 = vector.broadcast %add3A_306 : i32 to vector<16xi32>
      %add3A_308 = arith.addi %add3A_307, %iota3A : vector<16xi32>
      %and3A_309 = arith.constant 63 : i32
      %and3A_310 = vector.broadcast %and3A_309 : i32 to vector<16xi32>
      %and3A_311 = arith.andi %add3A_308, %and3A_310 : vector<16xi32>
      %gather3A_312 = tpu.vector_load_idx %arg5[%add3A_26, %and3A_311] : memref<256x64xf32, #tpu.memory_space<vmem>>[vector<16xi32>, vector<16xi32>], vector<16xf32>,
      %gather3A_313 = tpu.vector_load_idx %arg6[%add3A_26, %and3A_311] : memref<256x64xf32, #tpu.memory_space<vmem>>[vector<16xi32>, vector<16xi32>], vector<16xf32>,
      %mul3A_314 = arith.mulf %gather3A_312, %gather3A_313 : vector<16xf32>
      %add3A_315 = arith.addf %add3A_305, %mul3A_314 : vector<16xf32>
      %add3A_316 = arith.constant 29 : i32
      %add3A_317 = vector.broadcast %add3A_316 : i32 to vector<16xi32>
      %add3A_318 = arith.addi %add3A_317, %iota3A : vector<16xi32>
      %and3A_319 = arith.constant 63 : i32
      %and3A_320 = vector.broadcast %and3A_319 : i32 to vector<16xi32>
      %and3A_321 = arith.andi %add3A_318, %and3A_320 : vector<16xi32>
      %gather3A_322 = tpu.vector_load_idx %arg5[%add3A_26, %and3A_321] : memref<256x64xf32, #tpu.memory_space<vmem>>[vector<16xi32>, vector<16xi32>], vector<16xf32>,
      %gather3A_323 = tpu.vector_load_idx %arg6[%add3A_26, %and3A_321] : memref<256x64xf32, #tpu.memory_space<vmem>>[vector<16xi32>, vector<16xi32>], vector<16xf32>,
      %mul3A_324 = arith.mulf %gather3A_322, %gather3A_323 : vector<16xf32>
      %add3A_325 = arith.addf %add3A_315, %mul3A_324 : vector<16xf32>
      %add3A_326 = arith.constant 30 : i32
      %add3A_327 = vector.broadcast %add3A_326 : i32 to vector<16xi32>
      %add3A_328 = arith.addi %add3A_327, %iota3A : vector<16xi32>
      %and3A_329 = arith.constant 63 : i32
      %and3A_330 = vector.broadcast %and3A_329 : i32 to vector<16xi32>
      %and3A_331 = arith.andi %add3A_328, %and3A_330 : vector<16xi32>
      %gather3A_332 = tpu.vector_load_idx %arg5[%add3A_26, %and3A_331] : memref<256x64xf32, #tpu.memory_space<vmem>>[vector<16xi32>, vector<16xi32>], vector<16xf32>,
      %gather3A_333 = tpu.vector_load_idx %arg6[%add3A_26, %and3A_331] : memref<256x64xf32, #tpu.memory_space<vmem>>[vector<16xi32>, vector<16xi32>], vector<16xf32>,
      %mul3A_334 = arith.mulf %gather3A_332, %gather3A_333 : vector<16xf32>
      %add3A_335 = arith.addf %add3A_325, %mul3A_334 : vector<16xf32>
      %add3A_336 = arith.constant 31 : i32
      %add3A_337 = vector.broadcast %add3A_336 : i32 to vector<16xi32>
      %add3A_338 = arith.addi %add3A_337, %iota3A : vector<16xi32>
      %and3A_339 = arith.constant 63 : i32
      %and3A_340 = vector.broadcast %and3A_339 : i32 to vector<16xi32>
      %and3A_341 = arith.andi %add3A_338, %and3A_340 : vector<16xi32>
      %gather3A_342 = tpu.vector_load_idx %arg5[%add3A_26, %and3A_341] : memref<256x64xf32, #tpu.memory_space<vmem>>[vector<16xi32>, vector<16xi32>], vector<16xf32>,
      %gather3A_343 = tpu.vector_load_idx %arg6[%add3A_26, %and3A_341] : memref<256x64xf32, #tpu.memory_space<vmem>>[vector<16xi32>, vector<16xi32>], vector<16xf32>,
      %mul3A_344 = arith.mulf %gather3A_342, %gather3A_343 : vector<16xf32>
      %add3A_345 = arith.addf %add3A_335, %mul3A_344 : vector<16xf32>
      %add3A_346 = arith.constant 32 : i32
      %add3A_347 = vector.broadcast %add3A_346 : i32 to vector<16xi32>
      %add3A_348 = arith.addi %add3A_347, %iota3A : vector<16xi32>
      %and3A_349 = arith.constant 63 : i32
      %and3A_350 = vector.broadcast %and3A_349 : i32 to vector<16xi32>
      %and3A_351 = arith.andi %add3A_348, %and3A_350 : vector<16xi32>
      %gather3A_352 = tpu.vector_load_idx %arg5[%add3A_26, %and3A_351] : memref<256x64xf32, #tpu.memory_space<vmem>>[vector<16xi32>, vector<16xi32>], vector<16xf32>,
      %gather3A_353 = tpu.vector_load_idx %arg6[%add3A_26, %and3A_351] : memref<256x64xf32, #tpu.memory_space<vmem>>[vector<16xi32>, vector<16xi32>], vector<16xf32>,
      %mul3A_354 = arith.mulf %gather3A_352, %gather3A_353 : vector<16xf32>
      %add3A_355 = arith.addf %add3A_345, %mul3A_354 : vector<16xf32>
      %add3A_356 = arith.constant 33 : i32
      %add3A_357 = vector.broadcast %add3A_356 : i32 to vector<16xi32>
      %add3A_358 = arith.addi %add3A_357, %iota3A : vector<16xi32>
      %and3A_359 = arith.constant 63 : i32
      %and3A_360 = vector.broadcast %and3A_359 : i32 to vector<16xi32>
      %and3A_361 = arith.andi %add3A_358, %and3A_360 : vector<16xi32>
      %gather3A_362 = tpu.vector_load_idx %arg5[%add3A_26, %and3A_361] : memref<256x64xf32, #tpu.memory_space<vmem>>[vector<16xi32>, vector<16xi32>], vector<16xf32>,
      %gather3A_363 = tpu.vector_load_idx %arg6[%add3A_26, %and3A_361] : memref<256x64xf32, #tpu.memory_space<vmem>>[vector<16xi32>, vector<16xi32>], vector<16xf32>,
      %mul3A_364 = arith.mulf %gather3A_362, %gather3A_363 : vector<16xf32>
      %add3A_365 = arith.addf %add3A_355, %mul3A_364 : vector<16xf32>
      %add3A_366 = arith.constant 34 : i32
      %add3A_367 = vector.broadcast %add3A_366 : i32 to vector<16xi32>
      %add3A_368 = arith.addi %add3A_367, %iota3A : vector<16xi32>
      %and3A_369 = arith.constant 63 : i32
      %and3A_370 = vector.broadcast %and3A_369 : i32 to vector<16xi32>
      %and3A_371 = arith.andi %add3A_368, %and3A_370 : vector<16xi32>
      %gather3A_372 = tpu.vector_load_idx %arg5[%add3A_26, %and3A_371] : memref<256x64xf32, #tpu.memory_space<vmem>>[vector<16xi32>, vector<16xi32>], vector<16xf32>,
      %gather3A_373 = tpu.vector_load_idx %arg6[%add3A_26, %and3A_371] : memref<256x64xf32, #tpu.memory_space<vmem>>[vector<16xi32>, vector<16xi32>], vector<16xf32>,
      %mul3A_374 = arith.mulf %gather3A_372, %gather3A_373 : vector<16xf32>
      %add3A_375 = arith.addf %add3A_365, %mul3A_374 : vector<16xf32>
      %add3A_376 = arith.constant 35 : i32
      %add3A_377 = vector.broadcast %add3A_376 : i32 to vector<16xi32>
      %add3A_378 = arith.addi %add3A_377, %iota3A : vector<16xi32>
      %and3A_379 = arith.constant 63 : i32
      %and3A_380 = vector.broadcast %and3A_379 : i32 to vector<16xi32>
      %and3A_381 = arith.andi %add3A_378, %and3A_380 : vector<16xi32>
      %gather3A_382 = tpu.vector_load_idx %arg5[%add3A_26, %and3A_381] : memref<256x64xf32, #tpu.memory_space<vmem>>[vector<16xi32>, vector<16xi32>], vector<16xf32>,
      %gather3A_383 = tpu.vector_load_idx %arg6[%add3A_26, %and3A_381] : memref<256x64xf32, #tpu.memory_space<vmem>>[vector<16xi32>, vector<16xi32>], vector<16xf32>,
      %mul3A_384 = arith.mulf %gather3A_382, %gather3A_383 : vector<16xf32>
      %add3A_385 = arith.addf %add3A_375, %mul3A_384 : vector<16xf32>
      %add3A_386 = arith.constant 36 : i32
      %add3A_387 = vector.broadcast %add3A_386 : i32 to vector<16xi32>
      %add3A_388 = arith.addi %add3A_387, %iota3A : vector<16xi32>
      %and3A_389 = arith.constant 63 : i32
      %and3A_390 = vector.broadcast %and3A_389 : i32 to vector<16xi32>
      %and3A_391 = arith.andi %add3A_388, %and3A_390 : vector<16xi32>
      %gather3A_392 = tpu.vector_load_idx %arg5[%add3A_26, %and3A_391] : memref<256x64xf32, #tpu.memory_space<vmem>>[vector<16xi32>, vector<16xi32>], vector<16xf32>,
      %gather3A_393 = tpu.vector_load_idx %arg6[%add3A_26, %and3A_391] : memref<256x64xf32, #tpu.memory_space<vmem>>[vector<16xi32>, vector<16xi32>], vector<16xf32>,
      %mul3A_394 = arith.mulf %gather3A_392, %gather3A_393 : vector<16xf32>
      %add3A_395 = arith.addf %add3A_385, %mul3A_394 : vector<16xf32>
      %add3A_396 = arith.constant 37 : i32
      %add3A_397 = vector.broadcast %add3A_396 : i32 to vector<16xi32>
      %add3A_398 = arith.addi %add3A_397, %iota3A : vector<16xi32>
      %and3A_399 = arith.constant 63 : i32
      %and3A_400 = vector.broadcast %and3A_399 : i32 to vector<16xi32>
      %and3A_401 = arith.andi %add3A_398, %and3A_400 : vector<16xi32>
      %gather3A_402 = tpu.vector_load_idx %arg5[%add3A_26, %and3A_401] : memref<256x64xf32, #tpu.memory_space<vmem>>[vector<16xi32>, vector<16xi32>], vector<16xf32>,
      %gather3A_403 = tpu.vector_load_idx %arg6[%add3A_26, %and3A_401] : memref<256x64xf32, #tpu.memory_space<vmem>>[vector<16xi32>, vector<16xi32>], vector<16xf32>,
      %mul3A_404 = arith.mulf %gather3A_402, %gather3A_403 : vector<16xf32>
      %add3A_405 = arith.addf %add3A_395, %mul3A_404 : vector<16xf32>
      %add3A_406 = arith.constant 38 : i32
      %add3A_407 = vector.broadcast %add3A_406 : i32 to vector<16xi32>
      %add3A_408 = arith.addi %add3A_407, %iota3A : vector<16xi32>
      %and3A_409 = arith.constant 63 : i32
      %and3A_410 = vector.broadcast %and3A_409 : i32 to vector<16xi32>
      %and3A_411 = arith.andi %add3A_408, %and3A_410 : vector<16xi32>
      %gather3A_412 = tpu.vector_load_idx %arg5[%add3A_26, %and3A_411] : memref<256x64xf32, #tpu.memory_space<vmem>>[vector<16xi32>, vector<16xi32>], vector<16xf32>,
      %gather3A_413 = tpu.vector_load_idx %arg6[%add3A_26, %and3A_411] : memref<256x64xf32, #tpu.memory_space<vmem>>[vector<16xi32>, vector<16xi32>], vector<16xf32>,
      %mul3A_414 = arith.mulf %gather3A_412, %gather3A_413 : vector<16xf32>
      %add3A_415 = arith.addf %add3A_405, %mul3A_414 : vector<16xf32>
      %add3A_416 = arith.constant 39 : i32
      %add3A_417 = vector.broadcast %add3A_416 : i32 to vector<16xi32>
      %add3A_418 = arith.addi %add3A_417, %iota3A : vector<16xi32>
      %and3A_419 = arith.constant 63 : i32
      %and3A_420 = vector.broadcast %and3A_419 : i32 to vector<16xi32>
      %and3A_421 = arith.andi %add3A_418, %and3A_420 : vector<16xi32>
      %gather3A_422 = tpu.vector_load_idx %arg5[%add3A_26, %and3A_421] : memref<256x64xf32, #tpu.memory_space<vmem>>[vector<16xi32>, vector<16xi32>], vector<16xf32>,
      %gather3A_423 = tpu.vector_load_idx %arg6[%add3A_26, %and3A_421] : memref<256x64xf32, #tpu.memory_space<vmem>>[vector<16xi32>, vector<16xi32>], vector<16xf32>,
      %mul3A_424 = arith.mulf %gather3A_422, %gather3A_423 : vector<16xf32>
      %add3A_425 = arith.addf %add3A_415, %mul3A_424 : vector<16xf32>
      %add3A_426 = arith.constant 40 : i32
      %add3A_427 = vector.broadcast %add3A_426 : i32 to vector<16xi32>
      %add3A_428 = arith.addi %add3A_427, %iota3A : vector<16xi32>
      %and3A_429 = arith.constant 63 : i32
      %and3A_430 = vector.broadcast %and3A_429 : i32 to vector<16xi32>
      %and3A_431 = arith.andi %add3A_428, %and3A_430 : vector<16xi32>
      %gather3A_432 = tpu.vector_load_idx %arg5[%add3A_26, %and3A_431] : memref<256x64xf32, #tpu.memory_space<vmem>>[vector<16xi32>, vector<16xi32>], vector<16xf32>,
      %gather3A_433 = tpu.vector_load_idx %arg6[%add3A_26, %and3A_431] : memref<256x64xf32, #tpu.memory_space<vmem>>[vector<16xi32>, vector<16xi32>], vector<16xf32>,
      %mul3A_434 = arith.mulf %gather3A_432, %gather3A_433 : vector<16xf32>
      %add3A_435 = arith.addf %add3A_425, %mul3A_434 : vector<16xf32>
      %add3A_436 = arith.constant 41 : i32
      %add3A_437 = vector.broadcast %add3A_436 : i32 to vector<16xi32>
      %add3A_438 = arith.addi %add3A_437, %iota3A : vector<16xi32>
      %and3A_439 = arith.constant 63 : i32
      %and3A_440 = vector.broadcast %and3A_439 : i32 to vector<16xi32>
      %and3A_441 = arith.andi %add3A_438, %and3A_440 : vector<16xi32>
      %gather3A_442 = tpu.vector_load_idx %arg5[%add3A_26, %and3A_441] : memref<256x64xf32, #tpu.memory_space<vmem>>[vector<16xi32>, vector<16xi32>], vector<16xf32>,
      %gather3A_443 = tpu.vector_load_idx %arg6[%add3A_26, %and3A_441] : memref<256x64xf32, #tpu.memory_space<vmem>>[vector<16xi32>, vector<16xi32>], vector<16xf32>,
      %mul3A_444 = arith.mulf %gather3A_442, %gather3A_443 : vector<16xf32>
      %add3A_445 = arith.addf %add3A_435, %mul3A_444 : vector<16xf32>
      %add3A_446 = arith.constant 42 : i32
      %add3A_447 = vector.broadcast %add3A_446 : i32 to vector<16xi32>
      %add3A_448 = arith.addi %add3A_447, %iota3A : vector<16xi32>
      %and3A_449 = arith.constant 63 : i32
      %and3A_450 = vector.broadcast %and3A_449 : i32 to vector<16xi32>
      %and3A_451 = arith.andi %add3A_448, %and3A_450 : vector<16xi32>
      %gather3A_452 = tpu.vector_load_idx %arg5[%add3A_26, %and3A_451] : memref<256x64xf32, #tpu.memory_space<vmem>>[vector<16xi32>, vector<16xi32>], vector<16xf32>,
      %gather3A_453 = tpu.vector_load_idx %arg6[%add3A_26, %and3A_451] : memref<256x64xf32, #tpu.memory_space<vmem>>[vector<16xi32>, vector<16xi32>], vector<16xf32>,
      %mul3A_454 = arith.mulf %gather3A_452, %gather3A_453 : vector<16xf32>
      %add3A_455 = arith.addf %add3A_445, %mul3A_454 : vector<16xf32>
      %add3A_456 = arith.constant 43 : i32
      %add3A_457 = vector.broadcast %add3A_456 : i32 to vector<16xi32>
      %add3A_458 = arith.addi %add3A_457, %iota3A : vector<16xi32>
      %and3A_459 = arith.constant 63 : i32
      %and3A_460 = vector.broadcast %and3A_459 : i32 to vector<16xi32>
      %and3A_461 = arith.andi %add3A_458, %and3A_460 : vector<16xi32>
      %gather3A_462 = tpu.vector_load_idx %arg5[%add3A_26, %and3A_461] : memref<256x64xf32, #tpu.memory_space<vmem>>[vector<16xi32>, vector<16xi32>], vector<16xf32>,
      %gather3A_463 = tpu.vector_load_idx %arg6[%add3A_26, %and3A_461] : memref<256x64xf32, #tpu.memory_space<vmem>>[vector<16xi32>, vector<16xi32>], vector<16xf32>,
      %mul3A_464 = arith.mulf %gather3A_462, %gather3A_463 : vector<16xf32>
      %add3A_465 = arith.addf %add3A_455, %mul3A_464 : vector<16xf32>
      %add3A_466 = arith.constant 44 : i32
      %add3A_467 = vector.broadcast %add3A_466 : i32 to vector<16xi32>
      %add3A_468 = arith.addi %add3A_467, %iota3A : vector<16xi32>
      %and3A_469 = arith.constant 63 : i32
      %and3A_470 = vector.broadcast %and3A_469 : i32 to vector<16xi32>
      %and3A_471 = arith.andi %add3A_468, %and3A_470 : vector<16xi32>
      %gather3A_472 = tpu.vector_load_idx %arg5[%add3A_26, %and3A_471] : memref<256x64xf32, #tpu.memory_space<vmem>>[vector<16xi32>, vector<16xi32>], vector<16xf32>,
      %gather3A_473 = tpu.vector_load_idx %arg6[%add3A_26, %and3A_471] : memref<256x64xf32, #tpu.memory_space<vmem>>[vector<16xi32>, vector<16xi32>], vector<16xf32>,
      %mul3A_474 = arith.mulf %gather3A_472, %gather3A_473 : vector<16xf32>
      %add3A_475 = arith.addf %add3A_465, %mul3A_474 : vector<16xf32>
      %add3A_476 = arith.constant 45 : i32
      %add3A_477 = vector.broadcast %add3A_476 : i32 to vector<16xi32>
      %add3A_478 = arith.addi %add3A_477, %iota3A : vector<16xi32>
      %and3A_479 = arith.constant 63 : i32
      %and3A_480 = vector.broadcast %and3A_479 : i32 to vector<16xi32>
      %and3A_481 = arith.andi %add3A_478, %and3A_480 : vector<16xi32>
      %gather3A_482 = tpu.vector_load_idx %arg5[%add3A_26, %and3A_481] : memref<256x64xf32, #tpu.memory_space<vmem>>[vector<16xi32>, vector<16xi32>], vector<16xf32>,
      %gather3A_483 = tpu.vector_load_idx %arg6[%add3A_26, %and3A_481] : memref<256x64xf32, #tpu.memory_space<vmem>>[vector<16xi32>, vector<16xi32>], vector<16xf32>,
      %mul3A_484 = arith.mulf %gather3A_482, %gather3A_483 : vector<16xf32>
      %add3A_485 = arith.addf %add3A_475, %mul3A_484 : vector<16xf32>
      %add3A_486 = arith.constant 46 : i32
      %add3A_487 = vector.broadcast %add3A_486 : i32 to vector<16xi32>
      %add3A_488 = arith.addi %add3A_487, %iota3A : vector<16xi32>
      %and3A_489 = arith.constant 63 : i32
      %and3A_490 = vector.broadcast %and3A_489 : i32 to vector<16xi32>
      %and3A_491 = arith.andi %add3A_488, %and3A_490 : vector<16xi32>
      %gather3A_492 = tpu.vector_load_idx %arg5[%add3A_26, %and3A_491] : memref<256x64xf32, #tpu.memory_space<vmem>>[vector<16xi32>, vector<16xi32>], vector<16xf32>,
      %gather3A_493 = tpu.vector_load_idx %arg6[%add3A_26, %and3A_491] : memref<256x64xf32, #tpu.memory_space<vmem>>[vector<16xi32>, vector<16xi32>], vector<16xf32>,
      %mul3A_494 = arith.mulf %gather3A_492, %gather3A_493 : vector<16xf32>
      %add3A_495 = arith.addf %add3A_485, %mul3A_494 : vector<16xf32>
      %add3A_496 = arith.constant 47 : i32
      %add3A_497 = vector.broadcast %add3A_496 : i32 to vector<16xi32>
      %add3A_498 = arith.addi %add3A_497, %iota3A : vector<16xi32>
      %and3A_499 = arith.constant 63 : i32
      %and3A_500 = vector.broadcast %and3A_499 : i32 to vector<16xi32>
      %and3A_501 = arith.andi %add3A_498, %and3A_500 : vector<16xi32>
      %gather3A_502 = tpu.vector_load_idx %arg5[%add3A_26, %and3A_501] : memref<256x64xf32, #tpu.memory_space<vmem>>[vector<16xi32>, vector<16xi32>], vector<16xf32>,
      %gather3A_503 = tpu.vector_load_idx %arg6[%add3A_26, %and3A_501] : memref<256x64xf32, #tpu.memory_space<vmem>>[vector<16xi32>, vector<16xi32>], vector<16xf32>,
      %mul3A_504 = arith.mulf %gather3A_502, %gather3A_503 : vector<16xf32>
      %add3A_505 = arith.addf %add3A_495, %mul3A_504 : vector<16xf32>
      %add3A_506 = arith.constant 48 : i32
      %add3A_507 = vector.broadcast %add3A_506 : i32 to vector<16xi32>
      %add3A_508 = arith.addi %add3A_507, %iota3A : vector<16xi32>
      %and3A_509 = arith.constant 63 : i32
      %and3A_510 = vector.broadcast %and3A_509 : i32 to vector<16xi32>
      %and3A_511 = arith.andi %add3A_508, %and3A_510 : vector<16xi32>
      %gather3A_512 = tpu.vector_load_idx %arg5[%add3A_26, %and3A_511] : memref<256x64xf32, #tpu.memory_space<vmem>>[vector<16xi32>, vector<16xi32>], vector<16xf32>,
      %gather3A_513 = tpu.vector_load_idx %arg6[%add3A_26, %and3A_511] : memref<256x64xf32, #tpu.memory_space<vmem>>[vector<16xi32>, vector<16xi32>], vector<16xf32>,
      %mul3A_514 = arith.mulf %gather3A_512, %gather3A_513 : vector<16xf32>
      %add3A_515 = arith.addf %add3A_505, %mul3A_514 : vector<16xf32>
      %add3A_516 = arith.constant 49 : i32
      %add3A_517 = vector.broadcast %add3A_516 : i32 to vector<16xi32>
      %add3A_518 = arith.addi %add3A_517, %iota3A : vector<16xi32>
      %and3A_519 = arith.constant 63 : i32
      %and3A_520 = vector.broadcast %and3A_519 : i32 to vector<16xi32>
      %and3A_521 = arith.andi %add3A_518, %and3A_520 : vector<16xi32>
      %gather3A_522 = tpu.vector_load_idx %arg5[%add3A_26, %and3A_521] : memref<256x64xf32, #tpu.memory_space<vmem>>[vector<16xi32>, vector<16xi32>], vector<16xf32>,
      %gather3A_523 = tpu.vector_load_idx %arg6[%add3A_26, %and3A_521] : memref<256x64xf32, #tpu.memory_space<vmem>>[vector<16xi32>, vector<16xi32>], vector<16xf32>,
      %mul3A_524 = arith.mulf %gather3A_522, %gather3A_523 : vector<16xf32>
      %add3A_525 = arith.addf %add3A_515, %mul3A_524 : vector<16xf32>
      %add3A_526 = arith.constant 50 : i32
      %add3A_527 = vector.broadcast %add3A_526 : i32 to vector<16xi32>
      %add3A_528 = arith.addi %add3A_527, %iota3A : vector<16xi32>
      %and3A_529 = arith.constant 63 : i32
      %and3A_530 = vector.broadcast %and3A_529 : i32 to vector<16xi32>
      %and3A_531 = arith.andi %add3A_528, %and3A_530 : vector<16xi32>
      %gather3A_532 = tpu.vector_load_idx %arg5[%add3A_26, %and3A_531] : memref<256x64xf32, #tpu.memory_space<vmem>>[vector<16xi32>, vector<16xi32>], vector<16xf32>,
      %gather3A_533 = tpu.vector_load_idx %arg6[%add3A_26, %and3A_531] : memref<256x64xf32, #tpu.memory_space<vmem>>[vector<16xi32>, vector<16xi32>], vector<16xf32>,
      %mul3A_534 = arith.mulf %gather3A_532, %gather3A_533 : vector<16xf32>
      %add3A_535 = arith.addf %add3A_525, %mul3A_534 : vector<16xf32>
      %add3A_536 = arith.constant 51 : i32
      %add3A_537 = vector.broadcast %add3A_536 : i32 to vector<16xi32>
      %add3A_538 = arith.addi %add3A_537, %iota3A : vector<16xi32>
      %and3A_539 = arith.constant 63 : i32
      %and3A_540 = vector.broadcast %and3A_539 : i32 to vector<16xi32>
      %and3A_541 = arith.andi %add3A_538, %and3A_540 : vector<16xi32>
      %gather3A_542 = tpu.vector_load_idx %arg5[%add3A_26, %and3A_541] : memref<256x64xf32, #tpu.memory_space<vmem>>[vector<16xi32>, vector<16xi32>], vector<16xf32>,
      %gather3A_543 = tpu.vector_load_idx %arg6[%add3A_26, %and3A_541] : memref<256x64xf32, #tpu.memory_space<vmem>>[vector<16xi32>, vector<16xi32>], vector<16xf32>,
      %mul3A_544 = arith.mulf %gather3A_542, %gather3A_543 : vector<16xf32>
      %add3A_545 = arith.addf %add3A_535, %mul3A_544 : vector<16xf32>
      %add3A_546 = arith.constant 52 : i32
      %add3A_547 = vector.broadcast %add3A_546 : i32 to vector<16xi32>
      %add3A_548 = arith.addi %add3A_547, %iota3A : vector<16xi32>
      %and3A_549 = arith.constant 63 : i32
      %and3A_550 = vector.broadcast %and3A_549 : i32 to vector<16xi32>
      %and3A_551 = arith.andi %add3A_548, %and3A_550 : vector<16xi32>
      %gather3A_552 = tpu.vector_load_idx %arg5[%add3A_26, %and3A_551] : memref<256x64xf32, #tpu.memory_space<vmem>>[vector<16xi32>, vector<16xi32>], vector<16xf32>,
      %gather3A_553 = tpu.vector_load_idx %arg6[%add3A_26, %and3A_551] : memref<256x64xf32, #tpu.memory_space<vmem>>[vector<16xi32>, vector<16xi32>], vector<16xf32>,
      %mul3A_554 = arith.mulf %gather3A_552, %gather3A_553 : vector<16xf32>
      %add3A_555 = arith.addf %add3A_545, %mul3A_554 : vector<16xf32>
      %add3A_556 = arith.constant 53 : i32
      %add3A_557 = vector.broadcast %add3A_556 : i32 to vector<16xi32>
      %add3A_558 = arith.addi %add3A_557, %iota3A : vector<16xi32>
      %and3A_559 = arith.constant 63 : i32
      %and3A_560 = vector.broadcast %and3A_559 : i32 to vector<16xi32>
      %and3A_561 = arith.andi %add3A_558, %and3A_560 : vector<16xi32>
      %gather3A_562 = tpu.vector_load_idx %arg5[%add3A_26, %and3A_561] : memref<256x64xf32, #tpu.memory_space<vmem>>[vector<16xi32>, vector<16xi32>], vector<16xf32>,
      %gather3A_563 = tpu.vector_load_idx %arg6[%add3A_26, %and3A_561] : memref<256x64xf32, #tpu.memory_space<vmem>>[vector<16xi32>, vector<16xi32>], vector<16xf32>,
      %mul3A_564 = arith.mulf %gather3A_562, %gather3A_563 : vector<16xf32>
      %add3A_565 = arith.addf %add3A_555, %mul3A_564 : vector<16xf32>
      %add3A_566 = arith.constant 54 : i32
      %add3A_567 = vector.broadcast %add3A_566 : i32 to vector<16xi32>
      %add3A_568 = arith.addi %add3A_567, %iota3A : vector<16xi32>
      %and3A_569 = arith.constant 63 : i32
      %and3A_570 = vector.broadcast %and3A_569 : i32 to vector<16xi32>
      %and3A_571 = arith.andi %add3A_568, %and3A_570 : vector<16xi32>
      %gather3A_572 = tpu.vector_load_idx %arg5[%add3A_26, %and3A_571] : memref<256x64xf32, #tpu.memory_space<vmem>>[vector<16xi32>, vector<16xi32>], vector<16xf32>,
      %gather3A_573 = tpu.vector_load_idx %arg6[%add3A_26, %and3A_571] : memref<256x64xf32, #tpu.memory_space<vmem>>[vector<16xi32>, vector<16xi32>], vector<16xf32>,
      %mul3A_574 = arith.mulf %gather3A_572, %gather3A_573 : vector<16xf32>
      %add3A_575 = arith.addf %add3A_565, %mul3A_574 : vector<16xf32>
      %add3A_576 = arith.constant 55 : i32
      %add3A_577 = vector.broadcast %add3A_576 : i32 to vector<16xi32>
      %add3A_578 = arith.addi %add3A_577, %iota3A : vector<16xi32>
      %and3A_579 = arith.constant 63 : i32
      %and3A_580 = vector.broadcast %and3A_579 : i32 to vector<16xi32>
      %and3A_581 = arith.andi %add3A_578, %and3A_580 : vector<16xi32>
      %gather3A_582 = tpu.vector_load_idx %arg5[%add3A_26, %and3A_581] : memref<256x64xf32, #tpu.memory_space<vmem>>[vector<16xi32>, vector<16xi32>], vector<16xf32>,
      %gather3A_583 = tpu.vector_load_idx %arg6[%add3A_26, %and3A_581] : memref<256x64xf32, #tpu.memory_space<vmem>>[vector<16xi32>, vector<16xi32>], vector<16xf32>,
      %mul3A_584 = arith.mulf %gather3A_582, %gather3A_583 : vector<16xf32>
      %add3A_585 = arith.addf %add3A_575, %mul3A_584 : vector<16xf32>
      %add3A_586 = arith.constant 56 : i32
      %add3A_587 = vector.broadcast %add3A_586 : i32 to vector<16xi32>
      %add3A_588 = arith.addi %add3A_587, %iota3A : vector<16xi32>
      %and3A_589 = arith.constant 63 : i32
      %and3A_590 = vector.broadcast %and3A_589 : i32 to vector<16xi32>
      %and3A_591 = arith.andi %add3A_588, %and3A_590 : vector<16xi32>
      %gather3A_592 = tpu.vector_load_idx %arg5[%add3A_26, %and3A_591] : memref<256x64xf32, #tpu.memory_space<vmem>>[vector<16xi32>, vector<16xi32>], vector<16xf32>,
      %gather3A_593 = tpu.vector_load_idx %arg6[%add3A_26, %and3A_591] : memref<256x64xf32, #tpu.memory_space<vmem>>[vector<16xi32>, vector<16xi32>], vector<16xf32>,
      %mul3A_594 = arith.mulf %gather3A_592, %gather3A_593 : vector<16xf32>
      %add3A_595 = arith.addf %add3A_585, %mul3A_594 : vector<16xf32>
      %add3A_596 = arith.constant 57 : i32
      %add3A_597 = vector.broadcast %add3A_596 : i32 to vector<16xi32>
      %add3A_598 = arith.addi %add3A_597, %iota3A : vector<16xi32>
      %and3A_599 = arith.constant 63 : i32
      %and3A_600 = vector.broadcast %and3A_599 : i32 to vector<16xi32>
      %and3A_601 = arith.andi %add3A_598, %and3A_600 : vector<16xi32>
      %gather3A_602 = tpu.vector_load_idx %arg5[%add3A_26, %and3A_601] : memref<256x64xf32, #tpu.memory_space<vmem>>[vector<16xi32>, vector<16xi32>], vector<16xf32>,
      %gather3A_603 = tpu.vector_load_idx %arg6[%add3A_26, %and3A_601] : memref<256x64xf32, #tpu.memory_space<vmem>>[vector<16xi32>, vector<16xi32>], vector<16xf32>,
      %mul3A_604 = arith.mulf %gather3A_602, %gather3A_603 : vector<16xf32>
      %add3A_605 = arith.addf %add3A_595, %mul3A_604 : vector<16xf32>
      %add3A_606 = arith.constant 58 : i32
      %add3A_607 = vector.broadcast %add3A_606 : i32 to vector<16xi32>
      %add3A_608 = arith.addi %add3A_607, %iota3A : vector<16xi32>
      %and3A_609 = arith.constant 63 : i32
      %and3A_610 = vector.broadcast %and3A_609 : i32 to vector<16xi32>
      %and3A_611 = arith.andi %add3A_608, %and3A_610 : vector<16xi32>
      %gather3A_612 = tpu.vector_load_idx %arg5[%add3A_26, %and3A_611] : memref<256x64xf32, #tpu.memory_space<vmem>>[vector<16xi32>, vector<16xi32>], vector<16xf32>,
      %gather3A_613 = tpu.vector_load_idx %arg6[%add3A_26, %and3A_611] : memref<256x64xf32, #tpu.memory_space<vmem>>[vector<16xi32>, vector<16xi32>], vector<16xf32>,
      %mul3A_614 = arith.mulf %gather3A_612, %gather3A_613 : vector<16xf32>
      %add3A_615 = arith.addf %add3A_605, %mul3A_614 : vector<16xf32>
      %add3A_616 = arith.constant 59 : i32
      %add3A_617 = vector.broadcast %add3A_616 : i32 to vector<16xi32>
      %add3A_618 = arith.addi %add3A_617, %iota3A : vector<16xi32>
      %and3A_619 = arith.constant 63 : i32
      %and3A_620 = vector.broadcast %and3A_619 : i32 to vector<16xi32>
      %and3A_621 = arith.andi %add3A_618, %and3A_620 : vector<16xi32>
      %gather3A_622 = tpu.vector_load_idx %arg5[%add3A_26, %and3A_621] : memref<256x64xf32, #tpu.memory_space<vmem>>[vector<16xi32>, vector<16xi32>], vector<16xf32>,
      %gather3A_623 = tpu.vector_load_idx %arg6[%add3A_26, %and3A_621] : memref<256x64xf32, #tpu.memory_space<vmem>>[vector<16xi32>, vector<16xi32>], vector<16xf32>,
      %mul3A_624 = arith.mulf %gather3A_622, %gather3A_623 : vector<16xf32>
      %add3A_625 = arith.addf %add3A_615, %mul3A_624 : vector<16xf32>
      %add3A_626 = arith.constant 60 : i32
      %add3A_627 = vector.broadcast %add3A_626 : i32 to vector<16xi32>
      %add3A_628 = arith.addi %add3A_627, %iota3A : vector<16xi32>
      %and3A_629 = arith.constant 63 : i32
      %and3A_630 = vector.broadcast %and3A_629 : i32 to vector<16xi32>
      %and3A_631 = arith.andi %add3A_628, %and3A_630 : vector<16xi32>
      %gather3A_632 = tpu.vector_load_idx %arg5[%add3A_26, %and3A_631] : memref<256x64xf32, #tpu.memory_space<vmem>>[vector<16xi32>, vector<16xi32>], vector<16xf32>,
      %gather3A_633 = tpu.vector_load_idx %arg6[%add3A_26, %and3A_631] : memref<256x64xf32, #tpu.memory_space<vmem>>[vector<16xi32>, vector<16xi32>], vector<16xf32>,
      %mul3A_634 = arith.mulf %gather3A_632, %gather3A_633 : vector<16xf32>
      %add3A_635 = arith.addf %add3A_625, %mul3A_634 : vector<16xf32>
      %add3A_636 = arith.constant 61 : i32
      %add3A_637 = vector.broadcast %add3A_636 : i32 to vector<16xi32>
      %add3A_638 = arith.addi %add3A_637, %iota3A : vector<16xi32>
      %and3A_639 = arith.constant 63 : i32
      %and3A_640 = vector.broadcast %and3A_639 : i32 to vector<16xi32>
      %and3A_641 = arith.andi %add3A_638, %and3A_640 : vector<16xi32>
      %gather3A_642 = tpu.vector_load_idx %arg5[%add3A_26, %and3A_641] : memref<256x64xf32, #tpu.memory_space<vmem>>[vector<16xi32>, vector<16xi32>], vector<16xf32>,
      %gather3A_643 = tpu.vector_load_idx %arg6[%add3A_26, %and3A_641] : memref<256x64xf32, #tpu.memory_space<vmem>>[vector<16xi32>, vector<16xi32>], vector<16xf32>,
      %mul3A_644 = arith.mulf %gather3A_642, %gather3A_643 : vector<16xf32>
      %add3A_645 = arith.addf %add3A_635, %mul3A_644 : vector<16xf32>
      %add3A_646 = arith.constant 62 : i32
      %add3A_647 = vector.broadcast %add3A_646 : i32 to vector<16xi32>
      %add3A_648 = arith.addi %add3A_647, %iota3A : vector<16xi32>
      %and3A_649 = arith.constant 63 : i32
      %and3A_650 = vector.broadcast %and3A_649 : i32 to vector<16xi32>
      %and3A_651 = arith.andi %add3A_648, %and3A_650 : vector<16xi32>
      %gather3A_652 = tpu.vector_load_idx %arg5[%add3A_26, %and3A_651] : memref<256x64xf32, #tpu.memory_space<vmem>>[vector<16xi32>, vector<16xi32>], vector<16xf32>,
      %gather3A_653 = tpu.vector_load_idx %arg6[%add3A_26, %and3A_651] : memref<256x64xf32, #tpu.memory_space<vmem>>[vector<16xi32>, vector<16xi32>], vector<16xf32>,
      %mul3A_654 = arith.mulf %gather3A_652, %gather3A_653 : vector<16xf32>
      %add3A_655 = arith.addf %add3A_645, %mul3A_654 : vector<16xf32>
      %add3A_656 = arith.constant 63 : i32
      %add3A_657 = vector.broadcast %add3A_656 : i32 to vector<16xi32>
      %add3A_658 = arith.addi %add3A_657, %iota3A : vector<16xi32>
      %and3A_659 = arith.constant 63 : i32
      %and3A_660 = vector.broadcast %and3A_659 : i32 to vector<16xi32>
      %and3A_661 = arith.andi %add3A_658, %and3A_660 : vector<16xi32>
      %gather3A_662 = tpu.vector_load_idx %arg5[%add3A_26, %and3A_661] : memref<256x64xf32, #tpu.memory_space<vmem>>[vector<16xi32>, vector<16xi32>], vector<16xf32>,
      %gather3A_663 = tpu.vector_load_idx %arg6[%add3A_26, %and3A_661] : memref<256x64xf32, #tpu.memory_space<vmem>>[vector<16xi32>, vector<16xi32>], vector<16xf32>,
      %mul3A_664 = arith.mulf %gather3A_662, %gather3A_663 : vector<16xf32>
      %add3A_665 = arith.addf %add3A_655, %mul3A_664 : vector<16xf32>
      %mul3A_666 = arith.constant 16 : i32
      %mul3A_667 = arith.muli %scan3A_22, %mul3A_666 : i32
      %add3A_668 = arith.constant 256 : i32
      %add3A_669 = arith.addi %add3A_668, %mul3A_667 : i32
      %swap3A = arith.index_cast %add3A_669 : i32 to index
      %swap3A_670 = tpu.vector_load %arg7[%swap3A] {strides = array<i32>} : memref<512xf32, #tpu.memory_space<vmem>>, vector<16xf32>,
      tpu.vector_store %arg7[%swap3A], %add3A_665 {strides = array<i32>} : memref<512xf32, #tpu.memory_space<vmem>>, vector<16xf32>,
    }
    %scan3A_21 = arith.constant 16 : i32
    "tpu.region"() ({
      %run_scoped3A = tpu.sem_alloc : memref<!tpu.dma_semaphore, #tpu.memory_space<semaphore_mem>>
      %dma_start3A = tpu.memref_slice %arg4[%mul3A_2] : memref<16384xf32, #tpu.memory_space<hbm>> -> memref<512xf32, #tpu.memory_space<hbm>>
      %dma_start3A_22 = tpu.memref_slice %arg4[%mul3A_2] : memref<16384xf32, #tpu.memory_space<hbm>> -> memref<512xf32, #tpu.memory_space<hbm>>
      tpu.enqueue_dma source(%arg7 : memref<512xf32, #tpu.memory_space<vmem>>) target(%dma_start3A_22 : memref<512xf32, #tpu.memory_space<hbm>>) target_semaphore(%run_scoped3A : memref<!tpu.dma_semaphore, #tpu.memory_space<semaphore_mem>>)
      %dma_wait3A = tpu.memref_slice %arg4[%mul3A_2] : memref<16384xf32, #tpu.memory_space<hbm>> -> memref<512xf32, #tpu.memory_space<hbm>>
      %dma_wait3A_23 = tpu.memref_slice %arg4[%mul3A_2] : memref<16384xf32, #tpu.memory_space<hbm>> -> memref<512xf32, #tpu.memory_space<hbm>>
      tpu.wait_dma2 semaphore(%run_scoped3A : memref<!tpu.dma_semaphore, #tpu.memory_space<semaphore_mem>>) src(%arg7 : memref<512xf32, #tpu.memory_space<vmem>>) dst(%dma_wait3A_23 : memref<512xf32, #tpu.memory_space<hbm>>)
      tpu.yield
    }) : () -> ()
    return
  }
}

</mosaic_0001>

<sc_bundles>
// kernel: kernel.3.cloned.1.call-start
scs
__scs_entry_jumppad:
0x0: {  	(pc) =	sbr.rel $0x88, $3  }
0x1: {  	(tag) =	ssettag $0x0;
	lr =	simm.s32 $0x1  }
0x2: {  	[smem:$0x3F9F] =	sst lr;
	_ =	strace $0xD0000000  }
0x3: {  	_ = 	snop  }
0x4: {  	_ = 	snop  }
0x5: {  	_ = 	snop  }
0x6: {  	_ = 	snop  }
0x7: {  	_ = 	snop  }
__scs_overlays_trampoline_lowered:
0x8: {  	[smem:$0x3FAE] =	sst s0  }
0x9: {  	[smem:$0x3FAF] =	sst s1  }
0xa: {  	[smem:$0x3FB0] =	sst s2  }
0xb: {  	[smem:$0x3FB1] =	sst s3  }
0xc: {  	[smem:$0x3FB2] =	sst s4  }
0xd: {  	[smem:$0x3FB3] =	sst s5  }
0xe: {  	[smem:$0x3FB4] =	sst s6  }
0xf: {  	[smem:$0x3FB5] =	sst s7  }
0x10: {  	[smem:$0x3FB6] =	sst s8  }
0x11: {  	[smem:$0x3FB7] =	sst s9;
	s0 =	simm.s32 @!p0 $0x0  }
0x12: {  	s1 =	sld [smem:$0x3F9D];
	s0 =	simm.s32 @p0 $0x1  }
0x13: {  	[smem:$0x3FB8] =	sst s0;
	s0 =	simm.s32 @!p1 $0x0  }
0x14: {  	s2 =	sld [smem:$0x3F9C];
	s0 =	simm.s32 @p1 $0x1  }
0x15: {  	[smem:$0x3FB9] =	sst s0;
	s0 =	simm.s32 @!p2 $0x0  }
0x16: {  	s3 =	sld [smem:$0x3FDB];
	s0 =	simm.s32 @p2 $0x1  }
0x17: {  	s4 =	simm.s32 $0x1BF5;
	[smem:$0x3FBB] =	sst s0  }
0x18: {  	s0 =	sld [smem:$0x3F9E];
	_ =	swait.ge [sflag:s4], $0x0  }
0x19: {  	s7 =	sld [smem:$0x3F9F]  }
0x1a: {  	s8 =	sadd.s32 $0xFFFFE003, lr  }
0x1b: {  	s9 =	sadd.s32 $0xFFFFFEF7, lr;
	s5 =	simm.s32 $0xFFFFFFFF;
	p2 =	slt.u32 s8, $0xFFFFF086  }
0x1c: {  	p1 =	slt.u32 s9, $0xF7A;
	s5 =	simm.s32 @!p2 $0x0  }
0x1d: {  	s5 =	simm.s32 @p1 $0x1;
	p0 =	seq.s32 s7, s2  }
0x1e: {  	s7 =	smul.u32 @!p0 $0xF7A, s2;
	p2 =	seq.s32 @!p0 s5, $0x0  }
0x1f: {  	s9 =	smul.u32 $0xF7A, s1;
	s8 =	simm.s32 @!p0 $0x1BF5;
	p2 =	por !p2, p0  }
0x20: {  	[sflag:s8] =	ssyncset.s32 @!p0 $0xFFFFF086;
	s6 =	sadd.s32 @!p0 s3, s7;
	s7 =	simm.s32 @!p0 $0x108  }
0x21: {  	s3 =	sadd.s32 s3, s9;
	s6 =	sadd.s32 @!p0 $0x88, s6;
	s7 =	simm.s32 @p2 $0x1082  }
0x22: {  	[simem:s7], [sflag:s8] =	dma.local @!p0 [hbm:s6], $0xF7A  }
0x23: {  	s9 =	sor.u32 $0xD0000000, s2;
	s6 =	simm.s32 $0x108;
	_ =	swait.ge @!p0 [sflag:s8], $0x0  }
0x24: {  	s3 =	sadd.s32 $0x88, s3;
	s6 =	simm.s32 @!p1 $0x1082;
	[sflag:s4] =	ssyncset.s32 $0xFFFFF086  }
0x25: {  	[simem:s6], [sflag:s4] =	dma.local [hbm:s3], $0xF7A  }
0x26: {  	[smem:$0x3F9F] =	sst s1;
	(tag) =	ssettag s2;
	_ =	strace s9  }
0x27: {  	s1 =	sld [smem:$0x3FAF]  }
0x28: {  	s2 =	sld [smem:$0x3FB0]  }
0x29: {  	s4 =	sld [smem:$0x3FB2]  }
0x2a: {  	p0 =	seq.s32 s5, $0x0;
	s5 =	sld [smem:$0x3FB3]  }
0x2b: {  	s6 =	sld [smem:$0x3FB4]  }
0x2c: {  	s7 =	sld [smem:$0x3FB5]  }
0x2d: {  	s3 =	simm.s32 $0x108;
	s8 =	sld [smem:$0x3FB6]  }
0x2e: {  	s3 =	simm.s32 @!p0 $0x1082;
	s9 =	sld [smem:$0x3FB7]  }
0x2f: {  	lr =	sadd.s32 s0, s3;
	s0 =	sld [smem:$0x3FAE]  }
0x30: {  	s3 =	sld [smem:$0x3FB1]  }
0x31: {  	[smem:$0x3FBA] =	sst s10  }
0x32: {  	s10 =	sld [smem:$0x3FB8];
	_ =	sdelay $0x3  }
0x33: {  	p0 =	seq.s32 s10, $0x1;
	s10 =	sld [smem:$0x3FBA];
	_ =	sdelay $0x3  }
0x34: {  	[smem:$0x3FBA] =	sst s10  }
0x35: {  	s10 =	sld [smem:$0x3FB9];
	_ =	sdelay $0x3  }
0x36: {  	p1 =	seq.s32 s10, $0x1;
	s10 =	sld [smem:$0x3FBA];
	_ =	sdelay $0x3  }
0x37: {  	[smem:$0x3FBA] =	sst s10  }
0x38: {  	s10 =	sld [smem:$0x3FBB]  }
0x39: {  	_ = 	snop;
	(pc) =	sbr.ind lr, $3  }
0x3a: {  	_ = 	snop  }
0x3b: {  	_ = 	snop  }
0x3c: {  	p2 =	seq.s32 s10, $0x1;
	s10 =	sld [smem:$0x3FBA]  }
0x3d: {  	_ =	shalt  }
0x3e: {  	_ =	shalt  }
0x3f: {  	_ =	shalt  }
0x40: {  	_ =	shalt  }
0x41: {  	_ =	shalt  }
0x42: {  	_ =	shalt  }
0x43: {  	_ =	shalt  }
0x44: {  	_ =	shalt  }
0x45: {  	_ =	shalt  }
0x46: {  	_ =	shalt  }
0x47: {  	_ =	shalt  }
0x48: {  	_ =	shalt  }
0x49: {  	_ =	shalt  }
0x4a: {  	_ =	shalt  }
0x4b: {  	_ =	shalt  }
0x4c: {  	_ =	shalt  }
0x4d: {  	_ =	shalt  }
0x4e: {  	_ =	shalt  }
0x4f: {  	_ =	shalt  }
0x50: {  	_ =	shalt  }
0x51: {  	_ =	shalt  }
0x52: {  	_ =	shalt  }
0x53: {  	_ =	shalt  }
0x54: {  	_ =	shalt  }
0x55: {  	_ =	shalt  }
0x56: {  	_ =	shalt  }
0x57: {  	_ =	shalt  }
0x58: {  	_ =	shalt  }
0x59: {  	_ =	shalt  }
0x5a: {  	_ =	shalt  }
0x5b: {  	_ =	shalt  }
0x5c: {  	_ =	shalt  }
0x5d: {  	_ =	shalt  }
0x5e: {  	_ =	shalt  }
0x5f: {  	_ =	shalt  }
0x60: {  	_ =	shalt  }
0x61: {  	_ =	shalt  }
0x62: {  	_ =	shalt  }
0x63: {  	_ =	shalt  }
0x64: {  	_ =	shalt  }
0x65: {  	_ =	shalt  }
0x66: {  	_ =	shalt  }
0x67: {  	_ =	shalt  }
0x68: {  	_ =	shalt  }
0x69: {  	_ =	shalt  }
0x6a: {  	_ =	shalt  }
0x6b: {  	_ =	shalt  }
0x6c: {  	_ =	shalt  }
0x6d: {  	_ =	shalt  }
0x6e: {  	_ =	shalt  }
0x6f: {  	_ =	shalt  }
0x70: {  	_ =	shalt  }
0x71: {  	_ =	shalt  }
0x72: {  	_ =	shalt  }
0x73: {  	_ =	shalt  }
0x74: {  	_ =	shalt  }
0x75: {  	_ =	shalt  }
0x76: {  	_ =	shalt  }
0x77: {  	_ =	shalt  }
0x78: {  	_ =	shalt  }
0x79: {  	_ =	shalt  }
0x7a: {  	_ =	shalt  }
0x7b: {  	_ =	shalt  }
0x7c: {  	_ =	shalt  }
0x7d: {  	_ =	shalt  }
0x7e: {  	_ =	shalt  }
0x7f: {  	_ =	shalt  }
0x80: {  	_ =	shalt  }
0x81: {  	_ =	shalt  }
0x82: {  	_ =	shalt  }
0x83: {  	_ =	shalt  }
0x84: {  	_ =	shalt  }
0x85: {  	_ =	shalt  }
0x86: {  	_ =	shalt  }
0x87: {  	_ =	shalt  }
.Lfunc_end0:
.L_simem_size_0:
called_computation_lowered:
.L_overlay_start_0:
0x88: {  	s2 =	sld [smem:$0x3FD9]  }
0x89: {  	s3 =	sld [smem:$0x3FFE];
	_ =	sdelay $0x1  }
0x8a: {  	s1 =	srdreg.scid  }
0x8b: {  	s0 =	sand.u32 $0x1, s1  }
0x8c: {  	s14 =	sshll.u32 s0, $0xA;
	s2 =	sadd.s32 s3, s2  }
0x8d: {  	s2 =	sadd.s32 s2, s14  }
0x8e: {  	[smem:$0x3FC6] =	sst s2  }
0x8f: {  	_ = 	snop  }
0x90: {  	s2 =	sld [smem:$0x3FD0];
	_ =	sdelay $0x2  }
0x91: {  	s15 =	simm.s32 $0xA;
	s4 =	simm.s32 $0x10  }
0x92: {  	[smem:s4], [sflag:s15] =	dma.local [hbm:s2], $0x1  }
0x93: {  	_ =	swait.eq [sflag:s15], $0x1  }
0x94: {  	[sflag:s15] =	ssyncset.done $0x0  }
0x95: {  	[sflag:s15] =	ssyncadd.s32 $0xFFFFFFFF  }
0x96: {  	s16 =	sld [smem:$0x10];
	(tm) =	ssettm $0x1  }
0x97: {  	s17 =	sld [smem:$0x3FFB];
	_ =	sdelay $0x3  }
0x98: {  	_ =	strace s17  }
0x99: {  	s3 =	sld [smem:$0x3FFC];
	_ =	sdelay $0x3  }
0x9a: {  	_ =	strace s3  }
0x9b: {  	s3 =	sld [smem:$0x3FFD];
	_ =	sdelay $0x3  }
0x9c: {  	_ =	strace s3  }
0x9d: {  	_ =	strace $0x8FFFFFFF  }
0x9e: {  	s18 =	sld [smem:$0x3FDB];
	_ =	sdelay $0x1  }
0x9f: {  	s19 =	simm.s32 $_scs_section_size  }
0xa0: {  	s5 =	simm.s32 $_size__tile_overlayer_lowered;
	s6 =	simm.s32 $_tile_overlayer_lowered  }
0xa1: {  	s22 =	simm.s32 $0x1BFF;
	s21 =	sshll.u32 s6, $0x1;
	s3 =	sadd.s32 s19, s18  }
0xa2: {  	s7 =	simm.s32 $0x0;
	s20 =	sshll.u32 s5, $0x1;
	s5 =	sadd.s32 s21, s3  }
0xa3: {  	[timem:s7], [sflag:s22] =	dma.local [hbm:s5], s20  }
0xa4: {  	_ =	swait.ge [sflag:s22], s20  }
0xa5: {  	s4 =	ssub.s32 $0x0, s20;
	[sflag:s22] =	ssyncset.done $0x0  }
0xa6: {  	[sflag:s22] =	ssyncadd.s32 s4;
	_ =	sdelay $0x1  }
0xa7: {  	s23 =	simm.s32 $0x1B8B  }
0xa8: {  	_ =	swait.ge [sflag:s23], $0x1  }
0xa9: {  	[sflag:s23] =	ssyncset.done $0x0  }
0xaa: {  	s25 =	simm.s32 $0x1B8E;
	s24 =	sld [smem:$0x3FFE];
	[sflag:s23] =	ssyncadd.s32 $0xFFFFFFFF  }
0xab: {  	s26 =	simm.s32 $execute0_lowered;
	[smem:$0x3FD2] =	sst s25  }
0xac: {  	s5 =	sshll.u32 s26, $0x1;
	_ =	strace $0x80000046;
	[dreg:$0x1] =	wrdreg $0xFFFFFFFF  }
0xad: {  	s28 =	simm.s32 $_size_execute0_lowered;
	s3 =	sadd.s32 s3, s5;
	[dreg:$0x0] =	wrdreg $0x0  }
0xae: {  	s5 =	sshll.u32 s28, $0x1;
	[dreg:$0x2] =	wrdreg s3  }
0xaf: {  	[dreg:$0x3] =	wrdreg s5  }
0xb0: {  	[dreg:$0x4] =	wrdreg $0xC0  }
0xb1: {  	_ =	task [dreg:s7], $0x5FFFF  }
0xb2: {  	[dreg:$0x1] =	wrdreg $0xFFFFFFFF  }
0xb3: {  	[dreg:$0x0] =	wrdreg $0x60  }
0xb4: {  	[dreg:$0x2] =	wrdreg s24  }
0xb5: {  	[dreg:$0x3] =	wrdreg s16  }
0xb6: {  	[dreg:$0x4] =	wrdreg $0x9  }
0xb7: {  	_ =	task.clear_ibuf [dreg:s7], $0x5FFFF;
	_ =	strace $0x90000046  }
0xb8: {  	s29 =	simm.s32 $0x9;
	_ =	strace $0x80000048  }
0xb9: {  	_ =	swait.ge [sflag:s29], $0x1  }
0xba: {  	[sflag:s29] =	ssyncadd.s32 $0xFFFFFFFF  }
0xbb: {  	_ =	strace $0x90000048  }
0xbc: {  	_ =	sfence  }
0xbd: {  	s30 =	sld [smem:$0x0];
	_ =	sdelay $0x2  }
0xbe: {  	s31 =	sshll.u32 s1, $0xD;
	s1 =	sshrl.u32 s1, $0x2  }
0xbf: {  	s3 =	sand.u32 $0x4000, s31;
	s1 =	sadd.s32 s1, s30  }
0xc0: {  	s0 =	sor.u32 s3, s0;
	s1 =	sshll.u32 s1, $0x11  }
0xc1: {  	s0 =	sor.u32 s1, s0  }
0xc2: {  	s0 =	sadd.s32 $0x8F2B, s0  }
0xc3: {  	[sflag:s0] =	ssyncadd.remote.s32 $0x1  }
0xc4: {  	_ =	sfence.sel $0xFFFF  }
0xc5: {  	[dreg:$0x0] =	wrdreg $0xFFFFFFFF;
	(pc) =	sbr.abs _section_cstart, $3  }
0xc6: {  	[dreg:$0x1] =	wrdreg $0xFFFFFFFF  }
0xc7: {  	_ =	task.clear_ibuf [dreg:s7], $0x2FFFF;
	_ =	strace $0x9FFFFFFF  }
0xc8: {  	(tm) =	ssettm $0x7FFFFFFF  }
0xc9: {  	_ =	shalt  }
tec
execute0_lowered:
.L_overlay_start_1:
0x0: {  	(tag) =	ssettag $0x1  }
0x1: {  	v6 =	vlaneseq.u32;
	v56 =	vimm.s32 $0x34333231  }
0x2: {  	v1 =	vimm.s32 $0x38373635;
	v2 =	vimm.s32 $0x3C3B3A39;
	v3 =	vimm.s32 $0x3F3E3D  }
0x3: {  	vm0 =	vcmask $0x1F10;
	v57 =	vimm.s32 $0x35343332;
	v58 =	vimm.s32 $0x39383736  }
0x4: {  	v59 =	vimm.s32 $0x3D3C3B3A;
	v37 =	vimm.s32 $0x1003F3E;
	v44 =	vadd.s32 $0x1, v6  }
0x5: {  	v61 =	vimm.s32 $0x36353433;
	v62 =	vimm.s32 $0x3020100;
	v45 =	vadd.s32 $0x2, v6;
	[tilespmem:$0x1FCE0] =	vst v44  }
0x6: {  	v63 =	vimm.s32 $0x3A393837;
	v38 =	vimm.s32 $0x201003F;
	v46 =	vadd.s32 $0x3, v6;
	[tilespmem:$0x1FCF0] =	vst v45  }
0x7: {  	v40 =	vimm.s32 $0x3F3E3D3C;
	v41 =	vimm.s32 $0x37363534;
	v47 =	vadd.s32 $0x4, v6;
	[tilespmem:$0x1FD00] =	vst v46  }
0x8: {  	v0 =	vmul.u32 $0x80, v6;
	v48 =	vadd.s32 $0x5, v6;
	v49 =	vadd.s32 $0x6, v6;
	[tilespmem:$0x1FD10] =	vst v47  }
0x9: {  	v50 =	vadd.s32 $0x7, v6;
	v51 =	vadd.s32 $0x8, v6;
	v52 =	vadd.s32 $0x9, v6;
	[tilespmem:$0x1FD20] =	vst v48  }
0xa: {  	v53 =	vadd.s32 $0xA, v6;
	v54 =	vadd.s32 $0xB, v6;
	v55 =	vadd.s32 $0xC, v6;
	[tilespmem:$0x1FD30] =	vst v49  }
0xb: {  	v4 =	vunpack.c.0.s8.s32 v1;
	v5 =	vunpack.c.0.s8.s32 v2;
	v1 =	vunpack.c.0.s8.s32 v3;
	[tilespmem:$0x1FD40] =	vst v50  }
0xc: {  	v2 =	vunpack.c.0.s8.s32 v57;
	v7 =	vunpack.c.0.s8.s32 v58;
	v9 =	vunpack.c.0.s8.s32 v63;
	[tilespmem:$0x1FD60] =	vst v52  }
0xd: {  	v10 =	vunpack.c.0.s8.s32 v38;
	[tilespmem:$0x1FD70] =	vst v53;
	v46 =	vimm.s32 $0x3B3A3938;
	v47 =	vunpack.c.0.s8.s32 v40  }
0xe: {  	[tilespmem:$0x1FD80] =	vst v54;
	v49 =	vunpack.c.0.s8.s32 v41;
	v50 =	vimm.s32 $0x87654321;
	v52 =	vimm.s32 $0x4030201  }
0xf: {  	v53 =	vimm.s32 $0x32107654;
	v54 =	vimm.s32 $0x5040302;
	[tilespmem:$0x1FCD0] =	vst v0;
	v0 =	vunpack.c.0.s8.s32 v56  }
0x10: {  	[tilespmem:$0x1FDB0] =	vst v5;
	v3 =	vsel vm0, v1, v5;
	v5 =	vunpack.c.0.s8.s32 v59;
	v60 =	vsel vm0, v7, v2  }
0x11: {  	[tilespmem:$0x1FDA0] =	vst v4;
	v8 =	vunpack.c.0.s8.s32 v46;
	v0 =	vsel vm0, v4, v0;
	v4 =	vunpack.c.0.s8.s32 v37  }
0x12: {  	[tilespmem:$0x1FD50] =	vst v51;
	v38 =	vunpack.c.l.s4.s8 v53;
	v40 =	vunpack.c.0.s8.s32 v54;
	v59 =	vimm.s32 $0x43218765  }
0x13: {  	[tilespmem:$0x1FDD0] =	vst v5;
	v37 =	vunpack.c.l.s4.s8 v50;
	v2 =	vsel vm0, v4, v5;
	v5 =	vunpack.c.0.s8.s32 v62  }
0x14: {  	[tilespmem:$0x1FD90] =	vst v55;
	v51 =	vsel vm0, v8, v49;
	v38 =	vunpack.c.0.s8.s32 v38;
	v44 =	vcombine.low v0, v3  }
0x15: {  	[tilespmem:$0x1FDC0] =	vst v7;
	v0 =	vunpack.c.0.s8.s32 v61;
	v37 =	vunpack.c.0.s8.s32 v37;
	v5 =	vsel vm0, v5, v47  }
0x16: {  	[tilespmem:$0x1FE10] =	vst v47;
	v56 =	vsel vm0, v40, v4;
	v50 =	vcombine.low v51, v5;
	v5 =	vunpack.c.0.s8.s32 v52  }
0x17: {  	s3 =	rddreg [dreg:$0x0];
	[tilespmem:$0x1FDE0] =	vst v8;
	v58 =	vand.u32 $0xF, v38;
	v40 =	vimm.s32 $0x6050403;
	v45 =	vcombine.low v60, v2  }
0x18: {  	s7 =	rddreg [dreg:$0x1];
	s1 =	simm.s32 $0x0;
	[tilespmem:$0x1FE00] =	vst v56;
	v60 =	vimm.s32 $0xB0A0908;
	v37 =	vand.u32 $0xF, v37;
	v5 =	vsel vm0, v5, v1  }
0x19: {  	[smem:$0x7FF] =	sst s1;
	v53 =	vcombine.low v3, v37;
	v37 =	vunpack.c.l.s4.s8 v59;
	v59 =	vimm.s32 $0x3E3D3C3B;
	[tilespmem:$0x1FDF0] =	vst v5  }
0x1a: {  	s0 =	rddreg [dreg:$0x2];
	v0 =	vsel vm0, v9, v0;
	v38 =	vunpack.c.0.s8.s32 v60;
	v60 =	vunpack.c.0.s8.s32 v59;
	_ =	strace $0x80000047;
	[tilespmem:$0x1FE20] =	vst v9  }
0x1b: {  	v51 =	vunpack.c.0.s8.s32 v40;
	[tilespmem:$0x1FE30] =	vst v0  }
0x1c: {  	v61 =	vimm.s32 $0x54329876;
	[tilespmem:$0x1FE40] =	vst v60  }
0x1d: {  	v62 =	vunpack.c.l.s4.s8 v61;
	v61 =	vsel vm0, v51, v10;
	[tilespmem:$0x1FE50] =	vst v10  }
0x1e: {  	v14 =	vadd.s32 $0xD, v6;
	[tilespmem:$0x1FE60] =	vst v61  }
0x1f: {  	v27 =	vadd.s32 $0xE, v6;
	[tilespmem:$0x1FE90] =	vst v14  }
0x20: {  	v15 =	vadd.s32 $0xF, v6;
	[tilespmem:$0x1FEA0] =	vst v27  }
0x21: {  	vm1 =	vcmask $0x2F10;
	vm2 =	vcmask $0x3F30;
	v28 =	vor.u32 $0x10, v6;
	[tilespmem:$0x1FEB0] =	vst v15  }
0x22: {  	v11 =	vimm.s32 $0x6543A987;
	v16 =	vadd.s32 $0x11, v6;
	v29 =	vadd.s32 $0x12, v6;
	[tilespmem:$0x1FEC0] =	vst v28  }
0x23: {  	v17 =	vadd.s32 $0x13, v6;
	v30 =	vadd.s32 $0x14, v6;
	v18 =	vadd.s32 $0x15, v6;
	[tilespmem:$0x1FED0] =	vst v16  }
0x24: {  	v31 =	vadd.s32 $0x16, v6;
	v19 =	vadd.s32 $0x17, v6;
	v32 =	vadd.s32 $0x18, v6;
	[tilespmem:$0x1FEE0] =	vst v29  }
0x25: {  	v20 =	vadd.s32 $0x19, v6;
	v33 =	vadd.s32 $0x1A, v6;
	v21 =	vadd.s32 $0x1B, v6;
	[tilespmem:$0x1FEF0] =	vst v17  }
0x26: {  	v34 =	vadd.s32 $0x1C, v6;
	v22 =	vadd.s32 $0x1D, v6;
	v23 =	vadd.s32 $0x1E, v6;
	[tilespmem:$0x1FF00] =	vst v30  }
0x27: {  	v24 =	vadd.s32 $0x1F, v6;
	v35 =	vor.u32 $0x20, v6;
	v55 =	vimm.s32 $0x98765432;
	[tilespmem:$0x1FF10] =	vst v18  }
0x28: {  	v25 =	vadd.s32 $0x21, v6;
	v36 =	vadd.s32 $0x22, v6;
	v41 =	vunpack.c.l.s4.s8 v55;
	[tilespmem:$0x1FF20] =	vst v31  }
0x29: {  	v26 =	vadd.s32 $0x23, v6;
	v39 =	vadd.s32 $0x24, v6;
	v42 =	vadd.s32 $0x25, v6;
	[tilespmem:$0x1FF30] =	vst v19  }
0x2a: {  	v48 =	vimm.s32 $0xD0C0B0A;
	v57 =	vunpack.c.0.s8.s32 v41;
	v8 =	vimm.s32 $0xC0B0A09;
	[tilespmem:$0x1FF40] =	vst v32  }
0x2b: {  	v43 =	vadd.s32 $0x26, v6;
	v41 =	vimm.s32 $0xA9876543;
	v49 =	vimm.s32 $0xE0D0C0B;
	[tilespmem:$0x1FF50] =	vst v20  }
0x2c: {  	v3 =	vand.u32 $0xF, v57;
	v52 =	vimm.s32 $0x76543210;
	v40 =	vadd.s32 $0x2B, v6;
	[tilespmem:$0x1FF60] =	vst v33  }
0x2d: {  	v54 =	vcombine.low v2, v3;
	v2 =	vunpack.c.0.s8.s32 v62;
	v37 =	vunpack.c.0.s8.s32 v37;
	[tilespmem:$0x1FF70] =	vst v21  }
0x2e: {  	v3 =	vunpack.c.l.s4.s8 v41;
	v41 =	vadd.s32 $0x2C, v6;
	v5 =	vsel vm1, v58, v47;
	[tilespmem:$0x1FF80] =	vst v34  }
0x2f: {  	s4 =	srdreg.scid;
	v55 =	vsel vm2, v38, v5;
	v63 =	vand.u32 $0xF, v37;
	v5 =	vunpack.c.0.s8.s32 v8;
	[tilespmem:$0x1FF90] =	vst v22  }
0x30: {  	s2 =	stileid.u32;
	s4 =	sand.u32 $0x1, s4;
	v46 =	vand.u32 $0xF, v2;
	v37 =	vunpack.c.l.s4.s8 v11;
	[tilespmem:$0x1FFA0] =	vst v23;
	v1 =	vsel vm1, v63, v1  }
0x31: {  	s12 =	simm.s32 $0x0;
	s6 =	sshll.u32 s2, $0xA;
	s5 =	ssub.s32 $0x2, s4;
	[tilespmem:$0x1FFB0] =	vst v24;
	v56 =	vsel vm2, v5, v1;
	v1 =	vsel vm1, v46, v4;
	v4 =	vunpack.c.0.s8.s32 v48  }
0x32: {  	s8 =	sadd.s32 $0x800, s3;
	s4 =	sshll.u32 s4, $0x9;
	s9 =	sshrl.u32 s5, $0x1;
	v59 =	vadd.s32 $0x2F, v6;
	v51 =	vadd.s32 $0x27, v6;
	v3 =	vunpack.c.0.s8.s32 v3;
	[tilespmem:$0x1FFC0] =	vst v35  }
0x33: {  	s29 =	sadd.s32 $0x40800, s3;
	s10 =	sor.u32 s4, s6;
	s9 =	ssub.s32 s5, s9;
	[tilespmem:$0x1FFD0] =	vst v25;
	v47 =	vunpack.c.0.s8.s32 v37;
	v57 =	vsel vm2, v4, v1;
	v1 =	vunpack.c.l.s4.s8 v52  }
0x34: {  	s30 =	sshll.u32 s10, $0x4;
	s31 =	sshrl.u32 s10, $0x3;
	s10 =	simm.s32 $0x8000;
	v38 =	vadd.s32 $0x2A, v6;
	v61 =	vor.u32 $0x30, v6;
	[tilespmem:$0x1FFE0] =	vst v36;
	v63 =	vand.u32 $0xF, v3  }
0x35: {  	s3 =	sadd.s32 s8, s30;
	s4 =	sadd.s32 s29, s30;
	s11 =	sor.u32 $0x1000, s30;
	[tilespmem:$0x1FFF0] =	vst v26;
	v5 =	vunpack.c.0.s8.s32 v49;
	v2 =	vand.u32 $0xF, v47;
	v62 =	vunpack.c.0.s8.s32 v1  }
0x36: {  	s7 =	sadd.s32 s7, s31;
	s5 =	sadd.s32 s8, s11;
	s6 =	sadd.s32 s29, s11;
	[tilespmem:$0x1FE80] =	vst v63;
	v37 =	vadd.s32 $0x29, v6;
	v48 =	vadd.s32 $0x2E, v6;
	v2 =	vsel vm1, v2, v10  }
0x37: {  	s8 =	smax.u32 s9, $0x1;
	s9 =	simm.s32 $0x1;
	s11 =	simm.s32 $0x10000;
	v52 =	vadd.s32 $0x28, v6;
	v47 =	vadd.s32 $0x2D, v6;
	v58 =	vsel vm2, v5, v2;
	[tilespmem:$0x1FE70] =	vst v62  }
.LBB2_1:
0x38: {  	[tilespmem:s1], [sflag:$0x1] =	stream.linear.gather [hbm4b:s3+s1], $0x8000, $0x38;
	[tilespmem:$0x10200] =	vst v63  }
0x39: {  	_ =	swait.ge [sflag:s9], $0x8000  }
0x3a: {  	[sflag:s9] =	ssyncset.done $0x0  }
0x3b: {  	v1 =	vld [tilespmem:$0x1FCD0];
	[sflag:s9] =	ssyncadd.s32 $0xFFFF8000  }
0x3c: {  	[tilespmem:s10], [sflag:$0x1] =	stream.linear.gather [hbm4b:s4+s1], $0x8000, $0x38;
	[tilespmem:$0x10200] =	vst v63  }
0x3d: {  	_ =	swait.ge [sflag:s9], $0x8000  }
0x3e: {  	v0 =	vmov s1;
	v2 =	vld [tilespmem:$0x1FCE0]  }
0x3f: {  	v0 =	vshll.u32 v0, $0x7;
	v9 =	vld [tilespmem:$0x1FCF0]  }
0x40: {  	v6 =	vld [tilespmem:$0x1FD10];
	v1 =	vor.u32 v1, v0;
	v0 =	vlaneseq.u32  }
0x41: {  	v0 =	vor.u32 v0, v1  }
0x42: {  	v5 =	vld [tilespmem:$0x1FD00]  }
0x43: {  	v12 =	vld [tilespmem:$0x1FD20];
	v2 =	vor.u32 v2, v1  }
0x44: {  	[sflag:s9] =	ssyncset.done $0x0;
	v13 =	vld [tilespmem:$0x1FD30]  }
0x45: {  	[sflag:s9] =	ssyncadd.s32 $0xFFFF8000;
	v3 =	vor.u32 v9, v1;
	v49 =	vor.u32 v6, v1;
	v6 =	vld [tilespmem:$0x1FD40]  }
0x46: {  	v4 =	vld.idx.msk [tilespmem:v0+s10+$0x0], $0xffff  }
0x47: {  	v5 =	vor.u32 v5, v1;
	v0 =	vld.idx.msk [tilespmem:v0+s1+$0x0], $0xffff  }
0x48: {  	v46 =	vld.idx.msk [tilespmem:v2+s1+$0x0], $0xffff  }
0x49: {  	v2 =	vld.idx.msk [tilespmem:v2+s10+$0x0], $0xffff  }
0x4a: {  	v62 =	vor.u32 v12, v1;
	v60 =	vld.idx.msk [tilespmem:v3+s1+$0x0], $0xffff  }
0x4b: {  	v3 =	vld.idx.msk [tilespmem:v3+s10+$0x0], $0xffff  }
0x4c: {  	v63 =	vld.idx.msk [tilespmem:v5+s1+$0x0], $0xffff  }
0x4d: {  	v7 =	vld.idx.msk [tilespmem:v49+s1+$0x0], $0xffff  }
0x4e: {  	v0 =	vmul.f32 v4, v0;
	v4 =	vld.idx.msk [tilespmem:v5+s10+$0x0], $0xffff;
	v5 =	vor.u32 v13, v1  }
0x4f: {  	v8 =	vld.idx.msk [tilespmem:v62+s1+$0x0], $0xffff  }
0x50: {  	v0 =	vadd.f32 $0.0e+00, v0;
	v2 =	vmul.f32 v2, v46;
	v46 =	vld.idx.msk [tilespmem:v49+s10+$0x0], $0xffff  }
0x51: {  	v49 =	vor.u32 v6, v1;
	v6 =	vld [tilespmem:$0x1FD50]  }
0x52: {  	v0 =	vadd.f32 v2, v0;
	v2 =	vmul.f32 v3, v60;
	v3 =	vld.idx.msk [tilespmem:v62+s10+$0x0], $0xffff  }
0x53: {  	v62 =	vld.idx.msk [tilespmem:v5+s1+$0x0], $0xffff  }
0x54: {  	v0 =	vadd.f32 v2, v0;
	v2 =	vmul.f32 v4, v63;
	v4 =	vld.idx.msk [tilespmem:v5+s10+$0x0], $0xffff  }
0x55: {  	v5 =	vld [tilespmem:$0x1FD60];
	_ =	sdelay $0x3  }
0x56: {  	v10 =	vor.u32 v6, v1;
	v6 =	vld [tilespmem:$0x1FD70]  }
0x57: {  	v5 =	vor.u32 v5, v1;
	_ =	sdelay $0x1  }
0x58: {  	v63 =	vld.idx.msk [tilespmem:v49+s1+$0x0], $0xffff;
	v0 =	vadd.f32 v2, v0;
	v2 =	vmul.f32 v46, v7  }
0x59: {  	v46 =	vld.idx.msk [tilespmem:v49+s10+$0x0], $0xffff  }
0x5a: {  	v0 =	vadd.f32 v2, v0;
	v2 =	vmul.f32 v3, v8;
	v49 =	vor.u32 v6, v1;
	v6 =	vld [tilespmem:$0x1FD80]  }
0x5b: {  	v8 =	vld.idx.msk [tilespmem:v5+s1+$0x0], $0xffff  }
0x5c: {  	v0 =	vadd.f32 v2, v0;
	v2 =	vmul.f32 v4, v62;
	v4 =	vld.idx.msk [tilespmem:v5+s10+$0x0], $0xffff  }
0x5d: {  	v5 =	vld [tilespmem:$0x1FD90];
	_ =	sdelay $0x1  }
0x5e: {  	v7 =	vld.idx.msk [tilespmem:v10+s1+$0x0], $0xffff  }
0x5f: {  	v3 =	vld.idx.msk [tilespmem:v10+s10+$0x0], $0xffff;
	v60 =	vor.u32 v6, v1;
	_ =	sdelay $0x1  }
0x60: {  	v5 =	vor.u32 v5, v1  }
0x61: {  	v0 =	vadd.f32 v2, v0;
	v2 =	vmul.f32 v46, v63;
	v62 =	vld.idx.msk [tilespmem:v49+s1+$0x0], $0xffff  }
0x62: {  	v46 =	vld.idx.msk [tilespmem:v49+s10+$0x0], $0xffff;
	v49 =	vor.u32 v14, v1  }
0x63: {  	v0 =	vadd.f32 v2, v0;
	v2 =	vmul.f32 v3, v7;
	v63 =	vld.idx.msk [tilespmem:v60+s1+$0x0], $0xffff  }
0x64: {  	v3 =	vld.idx.msk [tilespmem:v60+s10+$0x0], $0xffff;
	v60 =	vor.u32 v27, v1  }
0x65: {  	v0 =	vadd.f32 v2, v0;
	v2 =	vmul.f32 v4, v8;
	v7 =	vld.idx.msk [tilespmem:v5+s1+$0x0], $0xffff  }
0x66: {  	v4 =	vld.idx.msk [tilespmem:v5+s10+$0x0], $0xffff;
	v5 =	vor.u32 v15, v1  }
0x67: {  	v8 =	vld.idx.msk [tilespmem:v49+s1+$0x0], $0xffff;
	v0 =	vadd.f32 v2, v0;
	v2 =	vmul.f32 v46, v62  }
0x68: {  	v10 =	vor.u32 v28, v1;
	v11 =	vld.idx.msk [tilespmem:v49+s10+$0x0], $0xffff  }
0x69: {  	v0 =	vadd.f32 v2, v0;
	v62 =	vld.idx.msk [tilespmem:v60+s1+$0x0], $0xffff;
	v2 =	vmul.f32 v3, v63  }
0x6a: {  	v3 =	vld.idx.msk [tilespmem:v60+s10+$0x0], $0xffff;
	v60 =	vor.u32 v16, v1  }
0x6b: {  	v0 =	vadd.f32 v2, v0;
	v63 =	vld.idx.msk [tilespmem:v5+s1+$0x0], $0xffff;
	v2 =	vmul.f32 v4, v7  }
0x6c: {  	v4 =	vld.idx.msk [tilespmem:v5+s10+$0x0], $0xffff;
	v5 =	vor.u32 v29, v1  }
0x6d: {  	v46 =	vld.idx.msk [tilespmem:v10+s10+$0x0], $0xffff;
	v0 =	vadd.f32 v2, v0;
	v2 =	vmul.f32 v11, v8  }
0x6e: {  	v49 =	vor.u32 v17, v1;
	v7 =	vld.idx.msk [tilespmem:v10+s1+$0x0], $0xffff  }
0x6f: {  	v8 =	vld.idx.msk [tilespmem:v60+s1+$0x0], $0xffff;
	v0 =	vadd.f32 v2, v0;
	v2 =	vmul.f32 v3, v62  }
0x70: {  	v11 =	vor.u32 v30, v1;
	v3 =	vld.idx.msk [tilespmem:v60+s10+$0x0], $0xffff  }
0x71: {  	v62 =	vld.idx.msk [tilespmem:v5+s1+$0x0], $0xffff;
	v0 =	vadd.f32 v2, v0;
	v2 =	vmul.f32 v4, v63  }
0x72: {  	v4 =	vld.idx.msk [tilespmem:v5+s10+$0x0], $0xffff;
	v5 =	vor.u32 v18, v1  }
0x73: {  	v63 =	vld.idx.msk [tilespmem:v49+s1+$0x0], $0xffff;
	v0 =	vadd.f32 v2, v0;
	v2 =	vmul.f32 v46, v7  }
0x74: {  	v46 =	vld.idx.msk [tilespmem:v49+s10+$0x0], $0xffff;
	v49 =	vor.u32 v31, v1  }
0x75: {  	v7 =	vld.idx.msk [tilespmem:v11+s1+$0x0], $0xffff;
	v0 =	vadd.f32 v2, v0;
	v2 =	vmul.f32 v3, v8  }
0x76: {  	v60 =	vor.u32 v19, v1;
	v3 =	vld.idx.msk [tilespmem:v11+s10+$0x0], $0xffff  }
0x77: {  	v8 =	vld.idx.msk [tilespmem:v5+s1+$0x0], $0xffff;
	v0 =	vadd.f32 v2, v0;
	v2 =	vmul.f32 v4, v62  }
0x78: {  	v4 =	vld.idx.msk [tilespmem:v5+s10+$0x0], $0xffff;
	v5 =	vor.u32 v32, v1  }
0x79: {  	v62 =	vld.idx.msk [tilespmem:v49+s1+$0x0], $0xffff;
	v0 =	vadd.f32 v2, v0;
	v2 =	vmul.f32 v46, v63  }
0x7a: {  	v46 =	vld.idx.msk [tilespmem:v49+s10+$0x0], $0xffff;
	v49 =	vor.u32 v20, v1  }
0x7b: {  	v63 =	vld.idx.msk [tilespmem:v60+s1+$0x0], $0xffff;
	v0 =	vadd.f32 v2, v0;
	v2 =	vmul.f32 v3, v7  }
0x7c: {  	v3 =	vld.idx.msk [tilespmem:v60+s10+$0x0], $0xffff;
	v60 =	vor.u32 v33, v1  }
0x7d: {  	v7 =	vld.idx.msk [tilespmem:v5+s1+$0x0], $0xffff;
	v0 =	vadd.f32 v2, v0;
	v2 =	vmul.f32 v4, v8  }
0x7e: {  	v4 =	vld.idx.msk [tilespmem:v5+s10+$0x0], $0xffff;
	v5 =	vor.u32 v21, v1  }
0x7f: {  	v8 =	vld.idx.msk [tilespmem:v49+s1+$0x0], $0xffff;
	v0 =	vadd.f32 v2, v0;
	v2 =	vmul.f32 v46, v62  }
0x80: {  	v11 =	vor.u32 v34, v1;
	v10 =	vld.idx.msk [tilespmem:v49+s10+$0x0], $0xffff  }
0x81: {  	v62 =	vld.idx.msk [tilespmem:v60+s1+$0x0], $0xffff;
	v0 =	vadd.f32 v2, v0;
	v2 =	vmul.f32 v3, v63  }
0x82: {  	v3 =	vld.idx.msk [tilespmem:v60+s10+$0x0], $0xffff;
	v60 =	vor.u32 v22, v1  }
0x83: {  	v63 =	vld.idx.msk [tilespmem:v5+s1+$0x0], $0xffff;
	v0 =	vadd.f32 v2, v0;
	v2 =	vmul.f32 v4, v7  }
0x84: {  	v4 =	vld.idx.msk [tilespmem:v5+s10+$0x0], $0xffff;
	v5 =	vor.u32 v23, v1  }
0x85: {  	v46 =	vld.idx.msk [tilespmem:v11+s10+$0x0], $0xffff;
	v0 =	vadd.f32 v2, v0;
	v2 =	vmul.f32 v10, v8  }
0x86: {  	v49 =	vor.u32 v24, v1;
	v7 =	vld.idx.msk [tilespmem:v11+s1+$0x0], $0xffff  }
0x87: {  	v8 =	vld.idx.msk [tilespmem:v60+s1+$0x0], $0xffff;
	v0 =	vadd.f32 v2, v0;
	v2 =	vmul.f32 v3, v62  }
0x88: {  	v3 =	vld.idx.msk [tilespmem:v60+s10+$0x0], $0xffff;
	v60 =	vor.u32 v35, v1  }
0x89: {  	v62 =	vld.idx.msk [tilespmem:v5+s1+$0x0], $0xffff;
	v0 =	vadd.f32 v2, v0;
	v2 =	vmul.f32 v4, v63  }
0x8a: {  	v4 =	vld.idx.msk [tilespmem:v5+s10+$0x0], $0xffff;
	v5 =	vor.u32 v25, v1  }
0x8b: {  	v10 =	vld.idx.msk [tilespmem:v49+s10+$0x0], $0xffff;
	v0 =	vadd.f32 v2, v0;
	v2 =	vmul.f32 v46, v7  }
0x8c: {  	v11 =	vor.u32 v36, v1;
	v63 =	vld.idx.msk [tilespmem:v49+s1+$0x0], $0xffff  }
0x8d: {  	v7 =	vld.idx.msk [tilespmem:v60+s1+$0x0], $0xffff;
	v0 =	vadd.f32 v2, v0;
	v2 =	vmul.f32 v3, v8  }
0x8e: {  	v3 =	vld.idx.msk [tilespmem:v60+s10+$0x0], $0xffff;
	v60 =	vor.u32 v26, v1  }
0x8f: {  	v6 =	vld.idx.msk [tilespmem:v5+s1+$0x0], $0xffff;
	v0 =	vadd.f32 v2, v0;
	v2 =	vmul.f32 v4, v62  }
0x90: {  	v4 =	vld.idx.msk [tilespmem:v5+s10+$0x0], $0xffff;
	v5 =	vor.u32 v39, v1  }
0x91: {  	v62 =	vld.idx.msk [tilespmem:v11+s1+$0x0], $0xffff;
	v0 =	vadd.f32 v2, v0;
	v2 =	vmul.f32 v10, v63  }
0x92: {  	v10 =	vld.idx.msk [tilespmem:v11+s10+$0x0], $0xffff;
	v11 =	vor.u32 v42, v1  }
0x93: {  	v63 =	vld.idx.msk [tilespmem:v60+s1+$0x0], $0xffff;
	v0 =	vadd.f32 v2, v0;
	v2 =	vmul.f32 v3, v7  }
0x94: {  	v3 =	vld.idx.msk [tilespmem:v60+s10+$0x0], $0xffff;
	v60 =	vor.u32 v43, v1  }
0x95: {  	v7 =	vld.idx.msk [tilespmem:v5+s1+$0x0], $0xffff;
	v0 =	vadd.f32 v2, v0;
	v2 =	vmul.f32 v4, v6  }
0x96: {  	v4 =	vld.idx.msk [tilespmem:v5+s10+$0x0], $0xffff;
	v5 =	vor.u32 v51, v1  }
0x97: {  	v6 =	vld.idx.msk [tilespmem:v11+s1+$0x0], $0xffff;
	v0 =	vadd.f32 v2, v0;
	v2 =	vmul.f32 v10, v62  }
0x98: {  	v10 =	vld.idx.msk [tilespmem:v11+s10+$0x0], $0xffff;
	v11 =	vor.u32 v52, v1  }
0x99: {  	v62 =	vld.idx.msk [tilespmem:v60+s1+$0x0], $0xffff;
	v0 =	vadd.f32 v2, v0;
	v2 =	vmul.f32 v3, v63  }
0x9a: {  	v3 =	vld.idx.msk [tilespmem:v60+s10+$0x0], $0xffff;
	v60 =	vor.u32 v37, v1  }
0x9b: {  	v63 =	vld.idx.msk [tilespmem:v5+s1+$0x0], $0xffff;
	v0 =	vadd.f32 v2, v0;
	v2 =	vmul.f32 v4, v7  }
0x9c: {  	v4 =	vld.idx.msk [tilespmem:v5+s10+$0x0], $0xffff;
	v5 =	vor.u32 v38, v1  }
0x9d: {  	v7 =	vld.idx.msk [tilespmem:v11+s1+$0x0], $0xffff;
	v0 =	vadd.f32 v2, v0;
	v2 =	vmul.f32 v10, v6  }
0x9e: {  	v49 =	vor.u32 v40, v1;
	v46 =	vld.idx.msk [tilespmem:v11+s10+$0x0], $0xffff  }
0x9f: {  	v8 =	vld.idx.msk [tilespmem:v60+s1+$0x0], $0xffff;
	v0 =	vadd.f32 v2, v0;
	v2 =	vmul.f32 v3, v62  }
0xa0: {  	v3 =	vld.idx.msk [tilespmem:v60+s10+$0x0], $0xffff;
	v60 =	vor.u32 v41, v1  }
0xa1: {  	v62 =	vld.idx.msk [tilespmem:v5+s1+$0x0], $0xffff;
	v0 =	vadd.f32 v2, v0;
	v2 =	vmul.f32 v4, v63  }
0xa2: {  	v4 =	vld.idx.msk [tilespmem:v5+s10+$0x0], $0xffff  }
0xa3: {  	v10 =	vld.idx.msk [tilespmem:v49+s10+$0x0], $0xffff;
	v0 =	vadd.f32 v2, v0;
	v2 =	vmul.f32 v46, v7  }
0xa4: {  	v63 =	vld.idx.msk [tilespmem:v49+s1+$0x0], $0xffff  }
0xa5: {  	v6 =	vld.idx.msk [tilespmem:v60+s1+$0x0], $0xffff;
	v0 =	vadd.f32 v2, v0;
	v2 =	vmul.f32 v3, v8;
	_ =	sdelay $0x1  }
0xa6: {  	v0 =	vadd.f32 v2, v0;
	v2 =	vmul.f32 v4, v62;
	_ =	sdelay $0x1  }
0xa7: {  	v0 =	vadd.f32 v2, v0;
	v2 =	vmul.f32 v10, v63  }
0xa8: {  	v3 =	vld.idx.msk [tilespmem:v60+s10+$0x0], $0xffff;
	[tilespmem:$0x1FB10] =	vst v6  }
0xa9: {  	v0 =	vadd.f32 v2, v0;
	v2 =	vld [tilespmem:$0x1FB10];
	_ =	sdelay $0x2  }
0xaa: {  	v5 =	vor.u32 v47, v1;
	v8 =	vld [tilespmem:$0x1FE40]  }
0xab: {  	v62 =	vld [tilespmem:$0x1FE50]  }
0xac: {  	v60 =	vor.u32 v59, v1;
	v2 =	vmul.f32 v3, v2;
	v3 =	vld [tilespmem:$0x1FE30];
	_ =	sdelay $0x2  }
0xad: {  	v11 =	vor.u32 v48, v1;
	v6 =	vld.idx.msk [tilespmem:v5+s1+$0x0], $0xffff  }
0xae: {  	v4 =	vld.idx.msk [tilespmem:v5+s10+$0x0], $0xffff;
	v10 =	vsel vm0, v62, v8  }
0xaf: {  	v5 =	vor.u32 v61, v1;
	v62 =	vcombine.low v3, v10;
	v3 =	vld.idx.msk [tilespmem:v60+s10+$0x0], $0xffff;
	_ =	sdelay $0x2  }
0xb0: {  	[tilespmem:$0x1FB20] =	vst v6;
	v6 =	vld.idx.msk [tilespmem:v11+s1+$0x0], $0xffff  }
0xb1: {  	v0 =	vadd.f32 v2, v0;
	v2 =	vld [tilespmem:$0x1FB20]  }
0xb2: {  	[tilespmem:$0x1FB50] =	vst v3;
	v3 =	vld.idx.msk [tilespmem:v5+s1+$0x0], $0xffff;
	_ =	sdelay $0x3  }
0xb3: {  	v46 =	vld.idx.msk [tilespmem:v11+s10+$0x0], $0xffff;
	[tilespmem:$0x1FB30] =	vst v6;
	v2 =	vmul.f32 v4, v2  }
0xb4: {  	[tilespmem:$0x1FB60] =	vst v3;
	v3 =	vld.idx.msk [tilespmem:v5+s10+$0x0], $0xffff  }
0xb5: {  	v6 =	vadd.f32 v2, v0;
	v0 =	vld [tilespmem:$0x1FB30];
	_ =	sdelay $0x2  }
0xb6: {  	v4 =	vld [tilespmem:$0x1FDB0]  }
0xb7: {  	[tilespmem:$0x1FB70] =	vst v3;
	v3 =	vld [tilespmem:$0x1FDA0]  }
0xb8: {  	v49 =	vor.u32 v44, v1;
	v2 =	vmul.f32 v46, v0;
	v0 =	vld [tilespmem:$0x1FDF0];
	_ =	sdelay $0x3  }
0xb9: {  	v11 =	vsel vm0, v4, v3  }
0xba: {  	v63 =	vcombine.low v11, v0;
	v0 =	vld.idx.msk [tilespmem:v49+s10+$0x0], $0xffff;
	_ =	sdelay $0x2  }
0xbb: {  	v7 =	vld.idx.msk [tilespmem:v60+s1+$0x0], $0xffff  }
0xbc: {  	v4 =	vld [tilespmem:$0x1FDD0]  }
0xbd: {  	v60 =	vor.u32 v45, v1;
	[tilespmem:$0x1FB90] =	vst v0;
	v0 =	vld [tilespmem:$0x1FDC0];
	_ =	sdelay $0x4  }
0xbe: {  	[tilespmem:$0x1FB40] =	vst v7;
	v7 =	vmov v10;
	v10 =	vsel vm0, v4, v0;
	v0 =	vld.idx.msk [tilespmem:v60+s1+$0x0], $0xffff;
	_ =	sdelay $0x2  }
0xbf: {  	v3 =	vld.idx.msk [tilespmem:v49+s1+$0x0], $0xffff  }
0xc0: {  	v49 =	vadd.f32 v2, v6;
	v2 =	vld [tilespmem:$0x1FB50]  }
0xc1: {  	[tilespmem:$0x1FBA0] =	vst v0;
	v0 =	vld [tilespmem:$0x1FB40];
	_ =	sdelay $0x4  }
0xc2: {  	v0 =	vmul.f32 v2, v0;
	v2 =	vld [tilespmem:$0x1FE00];
	_ =	sdelay $0x4  }
0xc3: {  	v46 =	vcombine.low v10, v2;
	v2 =	vld.idx.msk [tilespmem:v60+s10+$0x0], $0xffff;
	_ =	sdelay $0x4  }
0xc4: {  	[tilespmem:$0x1FBB0] =	vst v2;
	v2 =	vld [tilespmem:$0x1FE20];
	_ =	sdelay $0x3  }
0xc5: {  	v10 =	vadd.f32 v0, v49;
	v0 =	vld [tilespmem:$0x1FB60]  }
0xc6: {  	v60 =	vsel vm0, v8, v2;
	v2 =	vld [tilespmem:$0x1FB70];
	_ =	sdelay $0x3  }
0xc7: {  	v5 =	vor.u32 v62, v1  }
0xc8: {  	v2 =	vmul.f32 v2, v0;
	v0 =	vld [tilespmem:$0x1FE60];
	_ =	sdelay $0x2  }
0xc9: {  	v4 =	vld [tilespmem:$0x1FE10]  }
0xca: {  	v8 =	vld.idx.msk [tilespmem:v5+s1+$0x0], $0xffff  }
0xcb: {  	v49 =	vcombine.low v60, v0;
	v0 =	vld.idx.msk [tilespmem:v5+s10+$0x0], $0xffff  }
0xcc: {  	[tilespmem:$0x1FB80] =	vst v3;
	v3 =	vor.u32 v50, v1;
	v5 =	vld [tilespmem:$0x1FDE0];
	_ =	sdelay $0x4  }
0xcd: {  	v11 =	vsel vm0, v4, v5;
	v5 =	vadd.f32 v2, v10;
	v2 =	vld.idx.msk [tilespmem:v3+s1+$0x0], $0xffff  }
0xce: {  	v6 =	vor.u32 v63, v1;
	_ =	sdelay $0x1  }
0xcf: {  	v4 =	vld [tilespmem:$0x1FB90]  }
0xd0: {  	v10 =	vld.idx.msk [tilespmem:v3+s10+$0x0], $0xffff  }
0xd1: {  	[tilespmem:$0x1FBE0] =	vst v2;
	v2 =	vld [tilespmem:$0x1FB80]  }
0xd2: {  	v3 =	vld.idx.msk [tilespmem:v6+s1+$0x0], $0xffff;
	_ =	sdelay $0x3  }
0xd3: {  	v4 =	vmul.f32 v4, v2  }
0xd4: {  	[tilespmem:$0x1FC00] =	vst v3;
	v3 =	vld [tilespmem:$0x1FBB0]  }
0xd5: {  	v5 =	vadd.f32 v4, v5;
	v4 =	vld [tilespmem:$0x1FBA0]  }
0xd6: {  	[tilespmem:$0x1FBC0] =	vst v0;
	v0 =	vor.u32 v46, v1;
	_ =	sdelay $0x3  }
0xd7: {  	v4 =	vmul.f32 v3, v4;
	v3 =	vld.idx.msk [tilespmem:v6+s10+$0x0], $0xffff  }
0xd8: {  	v6 =	vld.idx.msk [tilespmem:v0+s1+$0x0], $0xffff  }
0xd9: {  	v0 =	vld.idx.msk [tilespmem:v0+s10+$0x0], $0xffff  }
0xda: {  	v4 =	vadd.f32 v4, v5;
	_ =	sdelay $0x1  }
0xdb: {  	[tilespmem:$0x1FBD0] =	vst v4;
	v4 =	vld [tilespmem:$0x1FBC0];
	_ =	sdelay $0x1  }
0xdc: {  	[tilespmem:$0x1FC30] =	vst v0;
	v0 =	vld [tilespmem:$0x1FBD0];
	_ =	sdelay $0x2  }
0xdd: {  	v5 =	vmul.f32 v4, v8;
	_ =	sdelay $0x1  }
0xde: {  	v0 =	vadd.f32 v5, v0;
	_ =	sdelay $0x1  }
0xdf: {  	[tilespmem:$0x1FBF0] =	vst v0;
	v0 =	vld [tilespmem:$0x1FBE0];
	_ =	sdelay $0x4  }
0xe0: {  	v5 =	vmul.f32 v10, v0;
	v0 =	vld [tilespmem:$0x1FE80];
	_ =	sdelay $0x4  }
0xe1: {  	v0 =	vcombine.low v7, v0;
	v7 =	vld [tilespmem:$0x1FBF0];
	_ =	sdelay $0x3  }
0xe2: {  	v2 =	vld [tilespmem:$0x1FE70]  }
0xe3: {  	[tilespmem:$0x1FC10] =	vst v3;
	v5 =	vadd.f32 v5, v7  }
0xe4: {  	v10 =	vld [tilespmem:$0x1FC10]  }
0xe5: {  	[tilespmem:$0x1FC20] =	vst v5;
	v5 =	vld [tilespmem:$0x1FC00];
	_ =	sdelay $0x1  }
0xe6: {  	v60 =	vcombine.low v11, v2;
	v4 =	vor.u32 v53, v1;
	v11 =	vld [tilespmem:$0x1FC20];
	_ =	sdelay $0x2  }
0xe7: {  	v2 =	vor.u32 v49, v1;
	v5 =	vmul.f32 v10, v5;
	_ =	sdelay $0x1  }
0xe8: {  	v11 =	vadd.f32 v5, v11;
	v5 =	vld.idx.msk [tilespmem:v4+s1+$0x0], $0xffff;
	_ =	sdelay $0x2  }
0xe9: {  	v8 =	vld.idx.msk [tilespmem:v2+s1+$0x0], $0xffff  }
0xea: {  	v2 =	vld.idx.msk [tilespmem:v2+s10+$0x0], $0xffff  }
0xeb: {  	[tilespmem:$0x1FC50] =	vst v5;
	v5 =	vld [tilespmem:$0x1FC30]  }
0xec: {  	v3 =	vor.u32 v60, v1;
	_ =	sdelay $0x1  }
0xed: {  	v4 =	vld.idx.msk [tilespmem:v4+s10+$0x0], $0xffff  }
0xee: {  	[tilespmem:$0x1FC40] =	vst v2;
	v2 =	vor.u32 v54, v1  }
0xef: {  	v5 =	vmul.f32 v5, v6  }
0xf0: {  	v7 =	vld.idx.msk [tilespmem:v3+s1+$0x0], $0xffff  }
0xf1: {  	v11 =	vadd.f32 v5, v11;
	v5 =	vld [tilespmem:$0x1FC40]  }
0xf2: {  	v10 =	vld.idx.msk [tilespmem:v3+s10+$0x0], $0xffff;
	[tilespmem:$0x1FC60] =	vst v4;
	v4 =	vor.u32 v55, v1  }
0xf3: {  	v6 =	vld.idx.msk [tilespmem:v2+s1+$0x0], $0xffff  }
0xf4: {  	v3 =	vor.u32 v0, v1;
	v2 =	vld.idx.msk [tilespmem:v2+s10+$0x0], $0xffff;
	_ =	sdelay $0x1  }
0xf5: {  	v8 =	vmul.f32 v5, v8  }
0xf6: {  	v7 =	vmul.f32 v10, v7;
	v10 =	vld.idx.msk [tilespmem:v4+s1+$0x0], $0xffff  }
0xf7: {  	v4 =	vld.idx.msk [tilespmem:v4+s10+$0x0], $0xffff;
	v11 =	vadd.f32 v8, v11  }
0xf8: {  	[tilespmem:$0x1FC80] =	vst v2;
	v2 =	vld.idx.msk [tilespmem:v3+s10+$0x0], $0xffff  }
0xf9: {  	v8 =	vld.idx.msk [tilespmem:v3+s1+$0x0], $0xffff;
	v3 =	vadd.f32 v7, v11  }
0xfa: {  	v7 =	vld [tilespmem:$0x1FC60]  }
0xfb: {  	[tilespmem:$0x1FC70] =	vst v3;
	v3 =	vld [tilespmem:$0x1FC50];
	_ =	sdelay $0x1  }
0xfc: {  	[tilespmem:$0x1FCA0] =	vst v4;
	v4 =	vld [tilespmem:$0x1FC70];
	_ =	sdelay $0x2  }
0xfd: {  	v3 =	vmul.f32 v7, v3;
	_ =	sdelay $0x1  }
0xfe: {  	v4 =	vadd.f32 v3, v4;
	v3 =	vld [tilespmem:$0x1FC80];
	_ =	sdelay $0x4  }
0xff: {  	v3 =	vmul.f32 v3, v6  }
0x100: {  	[tilespmem:$0x1FC90] =	vst v2  }
0x101: {  	v3 =	vadd.f32 v3, v4;
	v4 =	vld [tilespmem:$0x1FC90];
	_ =	sdelay $0x2  }
0x102: {  	v5 =	vor.u32 v56, v1;
	_ =	sdelay $0x1  }
0x103: {  	v4 =	vmul.f32 v4, v8;
	_ =	sdelay $0x1  }
0x104: {  	v2 =	vor.u32 v57, v1;
	v3 =	vadd.f32 v4, v3;
	v4 =	vld [tilespmem:$0x1FCA0]  }
0x105: {  	v1 =	vor.u32 v58, v1;
	v7 =	vld.idx.msk [tilespmem:v5+s1+$0x0], $0xffff  }
0x106: {  	v5 =	vld.idx.msk [tilespmem:v5+s10+$0x0], $0xffff;
	_ =	sdelay $0x2  }
0x107: {  	v6 =	vld.idx.msk [tilespmem:v2+s1+$0x0], $0xffff;
	v4 =	vmul.f32 v4, v10  }
0x108: {  	v8 =	vld.idx.msk [tilespmem:v1+s1+$0x0], $0xffff  }
0x109: {  	v10 =	vld.idx.msk [tilespmem:v1+s10+$0x0], $0xffff;
	v1 =	vadd.f32 v4, v3;
	v3 =	vmul.f32 v5, v7  }
0x10a: {  	v2 =	vld.idx.msk [tilespmem:v2+s10+$0x0], $0xffff  }
0x10b: {  	v3 =	vadd.f32 v3, v1;
	v1 =	vld [tilespmem:$0x1FCD0];
	_ =	sdelay $0x1  }
0x10c: {  	s13 =	simm.s32 $0x10  }
0x10d: {  	v4 =	vmov s13;
	v5 =	vld [tilespmem:$0x1FCE0]  }
0x10e: {  	v2 =	vmul.f32 v2, v6;
	v4 =	vshll.u32 v4, $0x7  }
0x10f: {  	v1 =	vor.u32 v1, v4;
	v4 =	vlaneseq.u32  }
0x110: {  	v2 =	vadd.f32 v2, v3;
	v3 =	vmul.f32 v10, v8;
	v4 =	vor.u32 v4, v1;
	_ =	sdelay $0x1  }
0x111: {  	v2 =	vadd.f32 v3, v2;
	v5 =	vor.u32 v5, v1;
	_ =	sdelay $0x1  }
0x112: {  	[tilespmem:s11+$0x0] =	vst v2  }
0x113: {  	v3 =	vor.u32 v9, v1;
	v6 =	vld.idx.msk [tilespmem:v4+s10+$0x0], $0xffff  }
0x114: {  	v10 =	vld.idx.msk [tilespmem:v4+s1+$0x0], $0xffff  }
0x115: {  	v4 =	vld.idx.msk [tilespmem:v5+s10+$0x0], $0xffff;
	_ =	sdelay $0x1  }
0x116: {  	v2 =	vld [tilespmem:$0x1FD00]  }
0x117: {  	v9 =	vld.idx.msk [tilespmem:v3+s1+$0x0], $0xffff  }
0x118: {  	v3 =	vld.idx.msk [tilespmem:v3+s10+$0x0], $0xffff  }
0x119: {  	[tilespmem:$0x1FCB0] =	vst v4;
	v4 =	vld [tilespmem:$0x1FD10];
	_ =	sdelay $0x1  }
0x11a: {  	v2 =	vor.u32 v2, v1;
	v8 =	vld.idx.msk [tilespmem:v5+s1+$0x0], $0xffff;
	v5 =	vmul.f32 v6, v10;
	_ =	sdelay $0x1  }
0x11b: {  	[tilespmem:$0x1FCC0] =	vst v3;
	v3 =	vor.u32 v12, v1;
	v12 =	vadd.f32 $0.0e+00, v5;
	v5 =	vld [tilespmem:$0x1FCB0]  }
0x11c: {  	v4 =	vor.u32 v4, v1;
	_ =	sdelay $0x1  }
0x11d: {  	v7 =	vld.idx.msk [tilespmem:v2+s1+$0x0], $0xffff  }
0x11e: {  	v10 =	vld.idx.msk [tilespmem:v2+s10+$0x0], $0xffff  }
0x11f: {  	v5 =	vmul.f32 v5, v8;
	v8 =	vld.idx.msk [tilespmem:v3+s1+$0x0], $0xffff  }
0x120: {  	v6 =	vld.idx.msk [tilespmem:v4+s1+$0x0], $0xffff  }
0x121: {  	v11 =	vld.idx.msk [tilespmem:v4+s10+$0x0], $0xffff  }
0x122: {  	v4 =	vld [tilespmem:$0x1FD40]  }
0x123: {  	v2 =	vor.u32 v13, v1;
	v13 =	vadd.f32 v5, v12;
	v5 =	vld [tilespmem:$0x1FCC0]  }
0x124: {  	v12 =	vld.idx.msk [tilespmem:v3+s10+$0x0], $0xffff  }
0x125: {  	v3 =	vld [tilespmem:$0x1FD50];
	_ =	sdelay $0x1  }
0x126: {  	v4 =	vor.u32 v4, v1  }
0x127: {  	v5 =	vmul.f32 v5, v9  }
0x128: {  	v9 =	vld.idx.msk [tilespmem:v2+s1+$0x0], $0xffff  }
0x129: {  	v3 =	vor.u32 v3, v1;
	v13 =	vadd.f32 v5, v13;
	v5 =	vmul.f32 v10, v7;
	v10 =	vld.idx.msk [tilespmem:v2+s10+$0x0], $0xffff  }
0x12a: {  	v2 =	vld [tilespmem:$0x1FD60]  }
0x12b: {  	v7 =	vld.idx.msk [tilespmem:v4+s1+$0x0], $0xffff  }
0x12c: {  	v13 =	vadd.f32 v5, v13;
	v5 =	vmul.f32 v11, v6;
	v11 =	vld.idx.msk [tilespmem:v4+s10+$0x0], $0xffff  }
0x12d: {  	v4 =	vld [tilespmem:$0x1FD70]  }
0x12e: {  	v6 =	vld.idx.msk [tilespmem:v3+s1+$0x0], $0xffff  }
0x12f: {  	v13 =	vadd.f32 v5, v13;
	v5 =	vmul.f32 v12, v8;
	v12 =	vld.idx.msk [tilespmem:v3+s10+$0x0], $0xffff;
	v2 =	vor.u32 v2, v1  }
0x130: {  	v3 =	vld [tilespmem:$0x1FD80];
	_ =	sdelay $0x1  }
0x131: {  	v4 =	vor.u32 v4, v1;
	_ =	sdelay $0x1  }
0x132: {  	v8 =	vld.idx.msk [tilespmem:v2+s1+$0x0], $0xffff  }
0x133: {  	v13 =	vadd.f32 v5, v13;
	v5 =	vmul.f32 v10, v9;
	v3 =	vor.u32 v3, v1;
	v10 =	vld.idx.msk [tilespmem:v2+s10+$0x0], $0xffff  }
0x134: {  	v2 =	vld [tilespmem:$0x1FD90]  }
0x135: {  	v9 =	vld.idx.msk [tilespmem:v4+s1+$0x0], $0xffff  }
0x136: {  	v13 =	vadd.f32 v5, v13;
	v5 =	vmul.f32 v11, v7;
	v11 =	vld.idx.msk [tilespmem:v4+s10+$0x0], $0xffff  }
0x137: {  	v4 =	vld [tilespmem:$0x1FE90]  }
0x138: {  	v7 =	vld.idx.msk [tilespmem:v3+s1+$0x0], $0xffff  }
0x139: {  	v13 =	vadd.f32 v5, v13;
	v5 =	vmul.f32 v12, v6;
	v12 =	vld.idx.msk [tilespmem:v3+s10+$0x0], $0xffff;
	v2 =	vor.u32 v2, v1  }
0x13a: {  	v3 =	vld [tilespmem:$0x1FEA0];
	_ =	sdelay $0x1  }
0x13b: {  	v4 =	vor.u32 v4, v1;
	_ =	sdelay $0x1  }
0x13c: {  	v6 =	vld.idx.msk [tilespmem:v2+s1+$0x0], $0xffff  }
0x13d: {  	v13 =	vadd.f32 v5, v13;
	v5 =	vmul.f32 v10, v8;
	v3 =	vor.u32 v3, v1;
	v10 =	vld.idx.msk [tilespmem:v2+s10+$0x0], $0xffff  }
0x13e: {  	v2 =	vld [tilespmem:$0x1FEB0]  }
0x13f: {  	v8 =	vld.idx.msk [tilespmem:v4+s1+$0x0], $0xffff  }
0x140: {  	v13 =	vadd.f32 v5, v13;
	v5 =	vmul.f32 v11, v9;
	v11 =	vld.idx.msk [tilespmem:v4+s10+$0x0], $0xffff  }
0x141: {  	v4 =	vld [tilespmem:$0x1FEC0]  }
0x142: {  	v9 =	vld.idx.msk [tilespmem:v3+s1+$0x0], $0xffff  }
0x143: {  	v13 =	vadd.f32 v5, v13;
	v5 =	vmul.f32 v12, v7;
	v12 =	vld.idx.msk [tilespmem:v3+s10+$0x0], $0xffff;
	v2 =	vor.u32 v2, v1  }
0x144: {  	v3 =	vld [tilespmem:$0x1FED0];
	_ =	sdelay $0x1  }
0x145: {  	v4 =	vor.u32 v4, v1;
	_ =	sdelay $0x1  }
0x146: {  	v7 =	vld.idx.msk [tilespmem:v2+s1+$0x0], $0xffff  }
0x147: {  	v13 =	vadd.f32 v5, v13;
	v5 =	vmul.f32 v10, v6;
	v3 =	vor.u32 v3, v1;
	v10 =	vld.idx.msk [tilespmem:v2+s10+$0x0], $0xffff  }
0x148: {  	v2 =	vld [tilespmem:$0x1FEE0]  }
0x149: {  	v6 =	vld.idx.msk [tilespmem:v4+s1+$0x0], $0xffff  }
0x14a: {  	v13 =	vadd.f32 v5, v13;
	v5 =	vmul.f32 v11, v8;
	v11 =	vld.idx.msk [tilespmem:v4+s10+$0x0], $0xffff  }
0x14b: {  	v4 =	vld [tilespmem:$0x1FEF0]  }
0x14c: {  	v8 =	vld.idx.msk [tilespmem:v3+s1+$0x0], $0xffff  }
0x14d: {  	v13 =	vadd.f32 v5, v13;
	v5 =	vmul.f32 v12, v9;
	v12 =	vld.idx.msk [tilespmem:v3+s10+$0x0], $0xffff;
	v2 =	vor.u32 v2, v1  }
0x14e: {  	v3 =	vld [tilespmem:$0x1FF00];
	_ =	sdelay $0x1  }
0x14f: {  	v4 =	vor.u32 v4, v1;
	_ =	sdelay $0x1  }
0x150: {  	v9 =	vld.idx.msk [tilespmem:v2+s1+$0x0], $0xffff  }
0x151: {  	v13 =	vadd.f32 v5, v13;
	v5 =	vmul.f32 v10, v7;
	v3 =	vor.u32 v3, v1;
	v10 =	vld.idx.msk [tilespmem:v2+s10+$0x0], $0xffff  }
0x152: {  	v2 =	vld [tilespmem:$0x1FF10]  }
0x153: {  	v7 =	vld.idx.msk [tilespmem:v4+s1+$0x0], $0xffff  }
0x154: {  	v13 =	vadd.f32 v5, v13;
	v5 =	vmul.f32 v11, v6;
	v11 =	vld.idx.msk [tilespmem:v4+s10+$0x0], $0xffff  }
0x155: {  	v4 =	vld [tilespmem:$0x1FF20]  }
0x156: {  	v6 =	vld.idx.msk [tilespmem:v3+s1+$0x0], $0xffff  }
0x157: {  	v13 =	vadd.f32 v5, v13;
	v5 =	vmul.f32 v12, v8;
	v12 =	vld.idx.msk [tilespmem:v3+s10+$0x0], $0xffff;
	v2 =	vor.u32 v2, v1  }
0x158: {  	v3 =	vld [tilespmem:$0x1FF30];
	_ =	sdelay $0x1  }
0x159: {  	v4 =	vor.u32 v4, v1;
	_ =	sdelay $0x1  }
0x15a: {  	v8 =	vld.idx.msk [tilespmem:v2+s1+$0x0], $0xffff  }
0x15b: {  	v13 =	vadd.f32 v5, v13;
	v5 =	vmul.f32 v10, v9;
	v3 =	vor.u32 v3, v1;
	v10 =	vld.idx.msk [tilespmem:v2+s10+$0x0], $0xffff  }
0x15c: {  	v2 =	vld [tilespmem:$0x1FF40]  }
0x15d: {  	v9 =	vld.idx.msk [tilespmem:v4+s1+$0x0], $0xffff  }
0x15e: {  	v13 =	vadd.f32 v5, v13;
	v5 =	vmul.f32 v11, v7;
	v11 =	vld.idx.msk [tilespmem:v4+s10+$0x0], $0xffff  }
0x15f: {  	v4 =	vld [tilespmem:$0x1FF50]  }
0x160: {  	v7 =	vld.idx.msk [tilespmem:v3+s1+$0x0], $0xffff  }
0x161: {  	v13 =	vadd.f32 v5, v13;
	v5 =	vmul.f32 v12, v6;
	v12 =	vld.idx.msk [tilespmem:v3+s10+$0x0], $0xffff;
	v2 =	vor.u32 v2, v1  }
0x162: {  	v3 =	vld [tilespmem:$0x1FF60];
	_ =	sdelay $0x1  }
0x163: {  	v4 =	vor.u32 v4, v1;
	_ =	sdelay $0x1  }
0x164: {  	v6 =	vld.idx.msk [tilespmem:v2+s1+$0x0], $0xffff  }
0x165: {  	v13 =	vadd.f32 v5, v13;
	v5 =	vmul.f32 v10, v8;
	v3 =	vor.u32 v3, v1;
	v10 =	vld.idx.msk [tilespmem:v2+s10+$0x0], $0xffff  }
0x166: {  	v2 =	vld [tilespmem:$0x1FF70]  }
0x167: {  	v8 =	vld.idx.msk [tilespmem:v4+s1+$0x0], $0xffff  }
0x168: {  	v13 =	vadd.f32 v5, v13;
	v5 =	vmul.f32 v11, v9;
	v11 =	vld.idx.msk [tilespmem:v4+s10+$0x0], $0xffff  }
0x169: {  	v4 =	vld [tilespmem:$0x1FF80]  }
0x16a: {  	v9 =	vld.idx.msk [tilespmem:v3+s1+$0x0], $0xffff  }
0x16b: {  	v13 =	vadd.f32 v5, v13;
	v5 =	vmul.f32 v12, v7;
	v12 =	vld.idx.msk [tilespmem:v3+s10+$0x0], $0xffff;
	v2 =	vor.u32 v2, v1  }
0x16c: {  	v3 =	vld [tilespmem:$0x1FF90];
	_ =	sdelay $0x1  }
0x16d: {  	v4 =	vor.u32 v4, v1;
	_ =	sdelay $0x1  }
0x16e: {  	v7 =	vld.idx.msk [tilespmem:v2+s1+$0x0], $0xffff  }
0x16f: {  	v13 =	vadd.f32 v5, v13;
	v5 =	vmul.f32 v10, v6;
	v3 =	vor.u32 v3, v1;
	v10 =	vld.idx.msk [tilespmem:v2+s10+$0x0], $0xffff  }
0x170: {  	v2 =	vld [tilespmem:$0x1FFA0]  }
0x171: {  	v6 =	vld.idx.msk [tilespmem:v4+s1+$0x0], $0xffff  }
0x172: {  	v13 =	vadd.f32 v5, v13;
	v5 =	vmul.f32 v11, v8;
	v11 =	vld.idx.msk [tilespmem:v4+s10+$0x0], $0xffff  }
0x173: {  	v4 =	vld [tilespmem:$0x1FFB0]  }
0x174: {  	v8 =	vld.idx.msk [tilespmem:v3+s1+$0x0], $0xffff  }
0x175: {  	v13 =	vadd.f32 v5, v13;
	v5 =	vmul.f32 v12, v9;
	v12 =	vld.idx.msk [tilespmem:v3+s10+$0x0], $0xffff;
	v2 =	vor.u32 v2, v1  }
0x176: {  	v3 =	vld [tilespmem:$0x1FFC0];
	_ =	sdelay $0x1  }
0x177: {  	v4 =	vor.u32 v4, v1;
	_ =	sdelay $0x1  }
0x178: {  	v9 =	vld.idx.msk [tilespmem:v2+s1+$0x0], $0xffff  }
0x179: {  	v13 =	vadd.f32 v5, v13;
	v5 =	vmul.f32 v10, v7;
	v3 =	vor.u32 v3, v1;
	v10 =	vld.idx.msk [tilespmem:v2+s10+$0x0], $0xffff  }
0x17a: {  	v2 =	vld [tilespmem:$0x1FFD0]  }
0x17b: {  	v7 =	vld.idx.msk [tilespmem:v4+s1+$0x0], $0xffff  }
0x17c: {  	v13 =	vadd.f32 v5, v13;
	v5 =	vmul.f32 v11, v6;
	v11 =	vld.idx.msk [tilespmem:v4+s10+$0x0], $0xffff  }
0x17d: {  	v4 =	vld [tilespmem:$0x1FFE0]  }
0x17e: {  	v6 =	vld.idx.msk [tilespmem:v3+s1+$0x0], $0xffff  }
0x17f: {  	v13 =	vadd.f32 v5, v13;
	v5 =	vmul.f32 v12, v8;
	v12 =	vld.idx.msk [tilespmem:v3+s10+$0x0], $0xffff  }
0x180: {  	v3 =	vld [tilespmem:$0x1FFF0]  }
0x181: {  	v2 =	vor.u32 v2, v1;
	_ =	sdelay $0x1  }
0x182: {  	v4 =	vor.u32 v4, v1;
	_ =	sdelay $0x1  }
0x183: {  	v3 =	vor.u32 v3, v1  }
0x184: {  	v13 =	vadd.f32 v5, v13;
	v5 =	vmul.f32 v10, v9;
	v8 =	vld.idx.msk [tilespmem:v2+s1+$0x0], $0xffff  }
0x185: {  	v10 =	vld.idx.msk [tilespmem:v2+s10+$0x0], $0xffff;
	v2 =	vor.u32 v39, v1  }
0x186: {  	v13 =	vadd.f32 v5, v13;
	v5 =	vmul.f32 v11, v7;
	v9 =	vld.idx.msk [tilespmem:v4+s1+$0x0], $0xffff  }
0x187: {  	v11 =	vld.idx.msk [tilespmem:v4+s10+$0x0], $0xffff;
	v4 =	vor.u32 v42, v1  }
0x188: {  	v13 =	vadd.f32 v5, v13;
	v5 =	vmul.f32 v12, v6;
	v7 =	vld.idx.msk [tilespmem:v3+s1+$0x0], $0xffff  }
0x189: {  	v12 =	vld.idx.msk [tilespmem:v3+s10+$0x0], $0xffff;
	v3 =	vor.u32 v43, v1  }
0x18a: {  	v13 =	vadd.f32 v5, v13;
	v6 =	vld.idx.msk [tilespmem:v2+s1+$0x0], $0xffff;
	v5 =	vmul.f32 v10, v8  }
0x18b: {  	v10 =	vld.idx.msk [tilespmem:v2+s10+$0x0], $0xffff;
	v2 =	vor.u32 v51, v1  }
0x18c: {  	v13 =	vadd.f32 v5, v13;
	v8 =	vld.idx.msk [tilespmem:v4+s1+$0x0], $0xffff;
	v5 =	vmul.f32 v11, v9  }
0x18d: {  	v11 =	vld.idx.msk [tilespmem:v4+s10+$0x0], $0xffff;
	v4 =	vor.u32 v52, v1  }
0x18e: {  	v9 =	vld.idx.msk [tilespmem:v3+s1+$0x0], $0xffff;
	v13 =	vadd.f32 v5, v13;
	v5 =	vmul.f32 v12, v7  }
0x18f: {  	v12 =	vld.idx.msk [tilespmem:v3+s10+$0x0], $0xffff;
	v3 =	vor.u32 v37, v1  }
0x190: {  	v7 =	vld.idx.msk [tilespmem:v2+s1+$0x0], $0xffff;
	v13 =	vadd.f32 v5, v13;
	v5 =	vmul.f32 v10, v6  }
0x191: {  	v10 =	vld.idx.msk [tilespmem:v2+s10+$0x0], $0xffff;
	v2 =	vor.u32 v38, v1  }
0x192: {  	v6 =	vld.idx.msk [tilespmem:v4+s1+$0x0], $0xffff;
	v13 =	vadd.f32 v5, v13;
	v5 =	vmul.f32 v11, v8  }
0x193: {  	v11 =	vld.idx.msk [tilespmem:v4+s10+$0x0], $0xffff;
	v4 =	vor.u32 v40, v1  }
0x194: {  	v8 =	vld.idx.msk [tilespmem:v3+s1+$0x0], $0xffff;
	v13 =	vadd.f32 v5, v13;
	v5 =	vmul.f32 v12, v9  }
0x195: {  	v12 =	vld.idx.msk [tilespmem:v3+s10+$0x0], $0xffff;
	v3 =	vor.u32 v41, v1  }
0x196: {  	v9 =	vld.idx.msk [tilespmem:v2+s1+$0x0], $0xffff;
	v13 =	vadd.f32 v5, v13;
	v5 =	vmul.f32 v10, v7  }
0x197: {  	v10 =	vld.idx.msk [tilespmem:v2+s10+$0x0], $0xffff;
	v2 =	vor.u32 v47, v1  }
0x198: {  	v7 =	vld.idx.msk [tilespmem:v4+s1+$0x0], $0xffff;
	v13 =	vadd.f32 v5, v13;
	v5 =	vmul.f32 v11, v6  }
0x199: {  	v11 =	vld.idx.msk [tilespmem:v4+s10+$0x0], $0xffff;
	v4 =	vor.u32 v48, v1  }
0x19a: {  	v6 =	vld.idx.msk [tilespmem:v3+s1+$0x0], $0xffff;
	v13 =	vadd.f32 v5, v13;
	v5 =	vmul.f32 v12, v8  }
0x19b: {  	v12 =	vld.idx.msk [tilespmem:v3+s10+$0x0], $0xffff;
	v3 =	vor.u32 v59, v1  }
0x19c: {  	v8 =	vld.idx.msk [tilespmem:v2+s1+$0x0], $0xffff;
	v13 =	vadd.f32 v5, v13;
	v5 =	vmul.f32 v10, v9  }
0x19d: {  	v10 =	vld.idx.msk [tilespmem:v2+s10+$0x0], $0xffff;
	v2 =	vor.u32 v61, v1  }
0x19e: {  	v9 =	vld.idx.msk [tilespmem:v4+s1+$0x0], $0xffff;
	v13 =	vadd.f32 v5, v13;
	v5 =	vmul.f32 v11, v7  }
0x19f: {  	v11 =	vld.idx.msk [tilespmem:v4+s10+$0x0], $0xffff;
	v4 =	vor.u32 v44, v1  }
0x1a0: {  	v7 =	vld.idx.msk [tilespmem:v3+s1+$0x0], $0xffff;
	v13 =	vadd.f32 v5, v13;
	v5 =	vmul.f32 v12, v6  }
0x1a1: {  	v12 =	vld.idx.msk [tilespmem:v3+s10+$0x0], $0xffff;
	v3 =	vor.u32 v45, v1  }
0x1a2: {  	v6 =	vld.idx.msk [tilespmem:v2+s1+$0x0], $0xffff;
	v13 =	vadd.f32 v5, v13;
	v5 =	vmul.f32 v10, v8  }
0x1a3: {  	v10 =	vld.idx.msk [tilespmem:v2+s10+$0x0], $0xffff;
	v2 =	vor.u32 v62, v1  }
0x1a4: {  	v8 =	vld.idx.msk [tilespmem:v4+s1+$0x0], $0xffff;
	v13 =	vadd.f32 v5, v13;
	v5 =	vmul.f32 v11, v9  }
0x1a5: {  	v11 =	vld.idx.msk [tilespmem:v4+s10+$0x0], $0xffff;
	v4 =	vor.u32 v50, v1  }
0x1a6: {  	v9 =	vld.idx.msk [tilespmem:v3+s1+$0x0], $0xffff;
	v13 =	vadd.f32 v5, v13;
	v5 =	vmul.f32 v12, v7  }
0x1a7: {  	v12 =	vld.idx.msk [tilespmem:v3+s10+$0x0], $0xffff;
	v3 =	vor.u32 v63, v1  }
0x1a8: {  	v7 =	vld.idx.msk [tilespmem:v2+s1+$0x0], $0xffff;
	v13 =	vadd.f32 v5, v13;
	v5 =	vmul.f32 v10, v6  }
0x1a9: {  	v10 =	vld.idx.msk [tilespmem:v2+s10+$0x0], $0xffff;
	v2 =	vor.u32 v46, v1  }
0x1aa: {  	v6 =	vld.idx.msk [tilespmem:v4+s1+$0x0], $0xffff;
	v13 =	vadd.f32 v5, v13;
	v5 =	vmul.f32 v11, v8  }
0x1ab: {  	v11 =	vld.idx.msk [tilespmem:v4+s10+$0x0], $0xffff;
	v4 =	vor.u32 v49, v1  }
0x1ac: {  	v8 =	vld.idx.msk [tilespmem:v3+s1+$0x0], $0xffff;
	v13 =	vadd.f32 v5, v13;
	v5 =	vmul.f32 v12, v9  }
0x1ad: {  	v12 =	vld.idx.msk [tilespmem:v3+s10+$0x0], $0xffff;
	v3 =	vor.u32 v60, v1  }
0x1ae: {  	v9 =	vld.idx.msk [tilespmem:v2+s1+$0x0], $0xffff;
	v13 =	vadd.f32 v5, v13;
	v5 =	vmul.f32 v10, v7  }
0x1af: {  	v10 =	vld.idx.msk [tilespmem:v2+s10+$0x0], $0xffff;
	v2 =	vor.u32 v53, v1  }
0x1b0: {  	v7 =	vld.idx.msk [tilespmem:v4+s1+$0x0], $0xffff;
	v13 =	vadd.f32 v5, v13;
	v5 =	vmul.f32 v11, v6  }
0x1b1: {  	v11 =	vld.idx.msk [tilespmem:v4+s10+$0x0], $0xffff;
	v4 =	vor.u32 v54, v1  }
0x1b2: {  	v6 =	vld.idx.msk [tilespmem:v3+s1+$0x0], $0xffff;
	v13 =	vadd.f32 v5, v13;
	v5 =	vmul.f32 v12, v8  }
0x1b3: {  	v12 =	vld.idx.msk [tilespmem:v3+s10+$0x0], $0xffff;
	v3 =	vor.u32 v0, v1  }
0x1b4: {  	v8 =	vld.idx.msk [tilespmem:v2+s1+$0x0], $0xffff;
	v9 =	vmul.f32 v10, v9;
	v13 =	vadd.f32 v5, v13  }
0x1b5: {  	v10 =	vld.idx.msk [tilespmem:v2+s10+$0x0], $0xffff;
	v5 =	vor.u32 v55, v1  }
0x1b6: {  	v7 =	vmul.f32 v11, v7;
	v11 =	vld.idx.msk [tilespmem:v4+s10+$0x0], $0xffff;
	v13 =	vadd.f32 v9, v13  }
0x1b7: {  	v2 =	vor.u32 v56, v1;
	v9 =	vld.idx.msk [tilespmem:v4+s1+$0x0], $0xffff  }
0x1b8: {  	v4 =	vmul.f32 v12, v6;
	v6 =	vld.idx.msk [tilespmem:v3+s10+$0x0], $0xffff;
	v13 =	vadd.f32 v7, v13  }
0x1b9: {  	v7 =	vld.idx.msk [tilespmem:v3+s1+$0x0], $0xffff;
	v3 =	vor.u32 v57, v1  }
0x1ba: {  	v12 =	vadd.f32 v4, v13;
	v4 =	vmul.f32 v10, v8;
	v8 =	vld.idx.msk [tilespmem:v5+s1+$0x0], $0xffff  }
0x1bb: {  	v10 =	vld.idx.msk [tilespmem:v5+s10+$0x0], $0xffff  }
0x1bc: {  	v5 =	vadd.f32 v4, v12;
	v4 =	vmul.f32 v11, v9;
	v9 =	vld.idx.msk [tilespmem:v2+s1+$0x0], $0xffff  }
0x1bd: {  	v2 =	vld.idx.msk [tilespmem:v2+s10+$0x0], $0xffff  }
0x1be: {  	v1 =	vor.u32 v58, v1;
	v4 =	vadd.f32 v4, v5;
	v5 =	vmul.f32 v6, v7;
	v6 =	vld.idx.msk [tilespmem:v3+s1+$0x0], $0xffff  }
0x1bf: {  	v3 =	vld.idx.msk [tilespmem:v3+s10+$0x0], $0xffff  }
0x1c0: {  	v4 =	vadd.f32 v5, v4;
	v5 =	vmul.f32 v10, v8;
	_ =	sdelay $0x1  }
0x1c1: {  	s31 =	simm.s32 $0x20;
	v4 =	vadd.f32 v5, v4;
	v5 =	vmul.f32 v2, v9  }
0x1c2: {  	v7 =	vmov s31;
	v2 =	vld.idx.msk [tilespmem:v1+s1+$0x0], $0xffff  }
0x1c3: {  	s14 =	simm.s32 $0x30;
	s13 =	simm.s32 $0x10000;
	v4 =	vadd.f32 v5, v4;
	v5 =	vmul.f32 v3, v6;
	v3 =	vld.idx.msk [tilespmem:v1+s10+$0x0], $0xffff;
	v1 =	vshll.u32 v7, $0x7  }
.LBB2_2:
0x1c4: {  	v6 =	vld [tilespmem:$0x1FCD0];
	_ =	sdelay $0x4  }
0x1c5: {  	v1 =	vor.u32 v6, v1;
	v6 =	vlaneseq.u32  }
0x1c6: {  	v4 =	vadd.f32 v5, v4;
	v2 =	vmul.f32 v3, v2;
	v6 =	vor.u32 v6, v1;
	_ =	sdelay $0x1  }
0x1c7: {  	v2 =	vadd.f32 v2, v4  }
0x1c8: {  	s13 =	sadd.s32 $0x10, s13  }
0x1c9: {  	v3 =	vld [tilespmem:$0x1FCE0];
	[tilespmem:s13+$0x0] =	vst v2  }
0x1ca: {  	v2 =	vld.idx.msk [tilespmem:v6+s10+$0x0], $0xffff  }
0x1cb: {  	v5 =	vld.idx.msk [tilespmem:v6+s1+$0x0], $0xffff  }
0x1cc: {  	v6 =	vld [tilespmem:$0x1FD00];
	_ =	sdelay $0x2  }
0x1cd: {  	v3 =	vor.u32 v3, v1  }
0x1ce: {  	v4 =	vld [tilespmem:$0x1FCF0]  }
0x1cf: {  	v6 =	vor.u32 v6, v1  }
0x1d0: {  	v8 =	vld [tilespmem:$0x1FD10]  }
0x1d1: {  	v10 =	vld [tilespmem:$0x1FD20]  }
0x1d2: {  	v7 =	vld.idx.msk [tilespmem:v3+s1+$0x0], $0xffff  }
0x1d3: {  	v4 =	vor.u32 v4, v1;
	v3 =	vld.idx.msk [tilespmem:v3+s10+$0x0], $0xffff  }
0x1d4: {  	v11 =	vld.idx.msk [tilespmem:v6+s1+$0x0], $0xffff  }
0x1d5: {  	v8 =	vor.u32 v8, v1;
	v2 =	vmul.f32 v2, v5;
	v5 =	vld.idx.msk [tilespmem:v6+s10+$0x0], $0xffff  }
0x1d6: {  	v6 =	vld [tilespmem:$0x1FD30];
	_ =	sdelay $0x1  }
0x1d7: {  	v10 =	vor.u32 v10, v1;
	v9 =	vld.idx.msk [tilespmem:v4+s1+$0x0], $0xffff  }
0x1d8: {  	v4 =	vld.idx.msk [tilespmem:v4+s10+$0x0], $0xffff  }
0x1d9: {  	v12 =	vld.idx.msk [tilespmem:v8+s1+$0x0], $0xffff  }
0x1da: {  	v3 =	vmul.f32 v3, v7;
	v7 =	vld.idx.msk [tilespmem:v8+s10+$0x0], $0xffff;
	v6 =	vor.u32 v6, v1  }
0x1db: {  	v2 =	vadd.f32 $0.0e+00, v2;
	v8 =	vld [tilespmem:$0x1FD40]  }
0x1dc: {  	v13 =	vld.idx.msk [tilespmem:v10+s1+$0x0], $0xffff  }
0x1dd: {  	v2 =	vadd.f32 v3, v2;
	v3 =	vmul.f32 v4, v9;
	v4 =	vld.idx.msk [tilespmem:v10+s10+$0x0], $0xffff  }
0x1de: {  	v9 =	vld [tilespmem:$0x1FD50]  }
0x1df: {  	v10 =	vld.idx.msk [tilespmem:v6+s1+$0x0], $0xffff  }
0x1e0: {  	v2 =	vadd.f32 v3, v2;
	v8 =	vor.u32 v8, v1;
	v3 =	vmul.f32 v5, v11;
	v5 =	vld.idx.msk [tilespmem:v6+s10+$0x0], $0xffff  }
0x1e1: {  	v6 =	vld [tilespmem:$0x1FD60];
	_ =	sdelay $0x1  }
0x1e2: {  	v9 =	vor.u32 v9, v1;
	_ =	sdelay $0x1  }
0x1e3: {  	v11 =	vld.idx.msk [tilespmem:v8+s1+$0x0], $0xffff  }
0x1e4: {  	v2 =	vadd.f32 v3, v2;
	v3 =	vmul.f32 v7, v12;
	v7 =	vld.idx.msk [tilespmem:v8+s10+$0x0], $0xffff;
	v6 =	vor.u32 v6, v1  }
0x1e5: {  	v8 =	vld [tilespmem:$0x1FD70]  }
0x1e6: {  	v12 =	vld.idx.msk [tilespmem:v9+s1+$0x0], $0xffff  }
0x1e7: {  	v2 =	vadd.f32 v3, v2;
	v3 =	vmul.f32 v4, v13;
	v4 =	vld.idx.msk [tilespmem:v9+s10+$0x0], $0xffff  }
0x1e8: {  	v9 =	vld [tilespmem:$0x1FD80]  }
0x1e9: {  	v13 =	vld.idx.msk [tilespmem:v6+s1+$0x0], $0xffff  }
0x1ea: {  	v2 =	vadd.f32 v3, v2;
	v3 =	vmul.f32 v5, v10;
	v5 =	vld.idx.msk [tilespmem:v6+s10+$0x0], $0xffff  }
0x1eb: {  	v6 =	vld [tilespmem:$0x1FD90]  }
0x1ec: {  	v8 =	vor.u32 v8, v1;
	_ =	sdelay $0x1  }
0x1ed: {  	v9 =	vor.u32 v9, v1;
	_ =	sdelay $0x1  }
0x1ee: {  	v6 =	vor.u32 v6, v1  }
0x1ef: {  	v10 =	vld.idx.msk [tilespmem:v8+s1+$0x0], $0xffff;
	v2 =	vadd.f32 v3, v2;
	v3 =	vmul.f32 v7, v11  }
0x1f0: {  	v7 =	vld.idx.msk [tilespmem:v8+s10+$0x0], $0xffff;
	v8 =	vor.u32 v14, v1  }
0x1f1: {  	v11 =	vld.idx.msk [tilespmem:v9+s1+$0x0], $0xffff;
	v2 =	vadd.f32 v3, v2;
	v3 =	vmul.f32 v4, v12  }
0x1f2: {  	v4 =	vld.idx.msk [tilespmem:v9+s10+$0x0], $0xffff;
	v9 =	vor.u32 v27, v1  }
0x1f3: {  	v2 =	vadd.f32 v3, v2;
	v3 =	vmul.f32 v5, v13;
	v12 =	vld.idx.msk [tilespmem:v6+s1+$0x0], $0xffff  }
0x1f4: {  	v5 =	vld.idx.msk [tilespmem:v6+s10+$0x0], $0xffff;
	v6 =	vor.u32 v15, v1  }
0x1f5: {  	v13 =	vld.idx.msk [tilespmem:v8+s1+$0x0], $0xffff;
	v2 =	vadd.f32 v3, v2;
	v3 =	vmul.f32 v7, v10  }
0x1f6: {  	v7 =	vld.idx.msk [tilespmem:v8+s10+$0x0], $0xffff;
	v8 =	vor.u32 v28, v1  }
0x1f7: {  	v10 =	vld.idx.msk [tilespmem:v9+s1+$0x0], $0xffff;
	v2 =	vadd.f32 v3, v2;
	v3 =	vmul.f32 v4, v11  }
0x1f8: {  	v4 =	vld.idx.msk [tilespmem:v9+s10+$0x0], $0xffff;
	v9 =	vor.u32 v16, v1  }
0x1f9: {  	v2 =	vadd.f32 v3, v2;
	v11 =	vld.idx.msk [tilespmem:v6+s1+$0x0], $0xffff;
	v3 =	vmul.f32 v5, v12  }
0x1fa: {  	v5 =	vld.idx.msk [tilespmem:v6+s10+$0x0], $0xffff;
	v6 =	vor.u32 v29, v1  }
0x1fb: {  	v12 =	vld.idx.msk [tilespmem:v8+s1+$0x0], $0xffff;
	v2 =	vadd.f32 v3, v2;
	v3 =	vmul.f32 v7, v13  }
0x1fc: {  	v7 =	vld.idx.msk [tilespmem:v8+s10+$0x0], $0xffff;
	v8 =	vor.u32 v17, v1  }
0x1fd: {  	v13 =	vld.idx.msk [tilespmem:v9+s1+$0x0], $0xffff;
	v2 =	vadd.f32 v3, v2;
	v3 =	vmul.f32 v4, v10  }
0x1fe: {  	v4 =	vld.idx.msk [tilespmem:v9+s10+$0x0], $0xffff;
	v9 =	vor.u32 v30, v1  }
0x1ff: {  	v10 =	vld.idx.msk [tilespmem:v6+s1+$0x0], $0xffff;
	v2 =	vadd.f32 v3, v2;
	v3 =	vmul.f32 v5, v11  }
0x200: {  	v5 =	vld.idx.msk [tilespmem:v6+s10+$0x0], $0xffff;
	v6 =	vor.u32 v18, v1  }
0x201: {  	v11 =	vld.idx.msk [tilespmem:v8+s1+$0x0], $0xffff;
	v2 =	vadd.f32 v3, v2;
	v3 =	vmul.f32 v7, v12  }
0x202: {  	v7 =	vld.idx.msk [tilespmem:v8+s10+$0x0], $0xffff;
	v8 =	vor.u32 v31, v1  }
0x203: {  	v12 =	vld.idx.msk [tilespmem:v9+s1+$0x0], $0xffff;
	v2 =	vadd.f32 v3, v2;
	v3 =	vmul.f32 v4, v13  }
0x204: {  	v4 =	vld.idx.msk [tilespmem:v9+s10+$0x0], $0xffff;
	v9 =	vor.u32 v19, v1  }
0x205: {  	v13 =	vld.idx.msk [tilespmem:v6+s1+$0x0], $0xffff;
	v2 =	vadd.f32 v3, v2;
	v3 =	vmul.f32 v5, v10  }
0x206: {  	v5 =	vld.idx.msk [tilespmem:v6+s10+$0x0], $0xffff;
	v6 =	vor.u32 v32, v1  }
0x207: {  	v10 =	vld.idx.msk [tilespmem:v8+s1+$0x0], $0xffff;
	v2 =	vadd.f32 v3, v2;
	v3 =	vmul.f32 v7, v11  }
0x208: {  	v7 =	vld.idx.msk [tilespmem:v8+s10+$0x0], $0xffff;
	v8 =	vor.u32 v20, v1  }
0x209: {  	v11 =	vld.idx.msk [tilespmem:v9+s1+$0x0], $0xffff;
	v2 =	vadd.f32 v3, v2;
	v3 =	vmul.f32 v4, v12  }
0x20a: {  	v4 =	vld.idx.msk [tilespmem:v9+s10+$0x0], $0xffff;
	v9 =	vor.u32 v33, v1  }
0x20b: {  	v12 =	vld.idx.msk [tilespmem:v6+s1+$0x0], $0xffff;
	v2 =	vadd.f32 v3, v2;
	v3 =	vmul.f32 v5, v13  }
0x20c: {  	v5 =	vld.idx.msk [tilespmem:v6+s10+$0x0], $0xffff;
	v6 =	vor.u32 v21, v1  }
0x20d: {  	v13 =	vld.idx.msk [tilespmem:v8+s1+$0x0], $0xffff;
	v2 =	vadd.f32 v3, v2;
	v3 =	vmul.f32 v7, v10  }
0x20e: {  	v7 =	vld.idx.msk [tilespmem:v8+s10+$0x0], $0xffff;
	v8 =	vor.u32 v34, v1  }
0x20f: {  	v10 =	vld.idx.msk [tilespmem:v9+s1+$0x0], $0xffff;
	v2 =	vadd.f32 v3, v2;
	v3 =	vmul.f32 v4, v11  }
0x210: {  	v4 =	vld.idx.msk [tilespmem:v9+s10+$0x0], $0xffff;
	v9 =	vor.u32 v22, v1  }
0x211: {  	v11 =	vld.idx.msk [tilespmem:v6+s1+$0x0], $0xffff;
	v2 =	vadd.f32 v3, v2;
	v3 =	vmul.f32 v5, v12  }
0x212: {  	v5 =	vld.idx.msk [tilespmem:v6+s10+$0x0], $0xffff;
	v6 =	vor.u32 v23, v1  }
0x213: {  	v12 =	vld.idx.msk [tilespmem:v8+s1+$0x0], $0xffff;
	v2 =	vadd.f32 v3, v2;
	v3 =	vmul.f32 v7, v13  }
0x214: {  	v7 =	vld.idx.msk [tilespmem:v8+s10+$0x0], $0xffff;
	v8 =	vor.u32 v24, v1  }
0x215: {  	v13 =	vld.idx.msk [tilespmem:v9+s1+$0x0], $0xffff;
	v2 =	vadd.f32 v3, v2;
	v3 =	vmul.f32 v4, v10  }
0x216: {  	v4 =	vld.idx.msk [tilespmem:v9+s10+$0x0], $0xffff;
	v9 =	vor.u32 v35, v1  }
0x217: {  	v10 =	vld.idx.msk [tilespmem:v6+s1+$0x0], $0xffff;
	v2 =	vadd.f32 v3, v2;
	v3 =	vmul.f32 v5, v11  }
0x218: {  	v5 =	vld.idx.msk [tilespmem:v6+s10+$0x0], $0xffff;
	v6 =	vor.u32 v25, v1  }
0x219: {  	v11 =	vld.idx.msk [tilespmem:v8+s1+$0x0], $0xffff;
	v2 =	vadd.f32 v3, v2;
	v3 =	vmul.f32 v7, v12  }
0x21a: {  	v7 =	vld.idx.msk [tilespmem:v8+s10+$0x0], $0xffff;
	v8 =	vor.u32 v36, v1  }
0x21b: {  	v12 =	vld.idx.msk [tilespmem:v9+s1+$0x0], $0xffff;
	v2 =	vadd.f32 v3, v2;
	v3 =	vmul.f32 v4, v13  }
0x21c: {  	v4 =	vld.idx.msk [tilespmem:v9+s10+$0x0], $0xffff;
	v9 =	vor.u32 v26, v1  }
0x21d: {  	v13 =	vld.idx.msk [tilespmem:v6+s1+$0x0], $0xffff;
	v2 =	vadd.f32 v3, v2;
	v3 =	vmul.f32 v5, v10  }
0x21e: {  	v5 =	vld.idx.msk [tilespmem:v6+s10+$0x0], $0xffff;
	v6 =	vor.u32 v39, v1  }
0x21f: {  	v10 =	vld.idx.msk [tilespmem:v8+s1+$0x0], $0xffff;
	v2 =	vadd.f32 v3, v2;
	v3 =	vmul.f32 v7, v11  }
0x220: {  	v7 =	vld.idx.msk [tilespmem:v8+s10+$0x0], $0xffff;
	v8 =	vor.u32 v42, v1  }
0x221: {  	v11 =	vld.idx.msk [tilespmem:v9+s1+$0x0], $0xffff;
	v2 =	vadd.f32 v3, v2;
	v3 =	vmul.f32 v4, v12  }
0x222: {  	v4 =	vld.idx.msk [tilespmem:v9+s10+$0x0], $0xffff;
	v9 =	vor.u32 v43, v1  }
0x223: {  	v12 =	vld.idx.msk [tilespmem:v6+s1+$0x0], $0xffff;
	v2 =	vadd.f32 v3, v2;
	v3 =	vmul.f32 v5, v13  }
0x224: {  	v5 =	vld.idx.msk [tilespmem:v6+s10+$0x0], $0xffff;
	v6 =	vor.u32 v51, v1  }
0x225: {  	v13 =	vld.idx.msk [tilespmem:v8+s1+$0x0], $0xffff;
	v2 =	vadd.f32 v3, v2;
	v3 =	vmul.f32 v7, v10  }
0x226: {  	v7 =	vld.idx.msk [tilespmem:v8+s10+$0x0], $0xffff;
	v8 =	vor.u32 v52, v1  }
0x227: {  	v10 =	vld.idx.msk [tilespmem:v9+s1+$0x0], $0xffff;
	v2 =	vadd.f32 v3, v2;
	v3 =	vmul.f32 v4, v11  }
0x228: {  	v4 =	vld.idx.msk [tilespmem:v9+s10+$0x0], $0xffff;
	v9 =	vor.u32 v37, v1  }
0x229: {  	v11 =	vld.idx.msk [tilespmem:v6+s1+$0x0], $0xffff;
	v2 =	vadd.f32 v3, v2;
	v3 =	vmul.f32 v5, v12  }
0x22a: {  	v5 =	vld.idx.msk [tilespmem:v6+s10+$0x0], $0xffff;
	v6 =	vor.u32 v38, v1  }
0x22b: {  	v12 =	vld.idx.msk [tilespmem:v8+s1+$0x0], $0xffff;
	v2 =	vadd.f32 v3, v2;
	v3 =	vmul.f32 v7, v13  }
0x22c: {  	v7 =	vld.idx.msk [tilespmem:v8+s10+$0x0], $0xffff;
	v8 =	vor.u32 v40, v1  }
0x22d: {  	v13 =	vld.idx.msk [tilespmem:v9+s1+$0x0], $0xffff;
	v2 =	vadd.f32 v3, v2;
	v3 =	vmul.f32 v4, v10  }
0x22e: {  	v4 =	vld.idx.msk [tilespmem:v9+s10+$0x0], $0xffff;
	v9 =	vor.u32 v41, v1  }
0x22f: {  	v10 =	vld.idx.msk [tilespmem:v6+s1+$0x0], $0xffff;
	v2 =	vadd.f32 v3, v2;
	v3 =	vmul.f32 v5, v11  }
0x230: {  	v5 =	vld.idx.msk [tilespmem:v6+s10+$0x0], $0xffff;
	v6 =	vor.u32 v47, v1  }
0x231: {  	v11 =	vld.idx.msk [tilespmem:v8+s1+$0x0], $0xffff;
	v2 =	vadd.f32 v3, v2;
	v3 =	vmul.f32 v7, v12  }
0x232: {  	v7 =	vld.idx.msk [tilespmem:v8+s10+$0x0], $0xffff;
	v8 =	vor.u32 v48, v1  }
0x233: {  	v12 =	vld.idx.msk [tilespmem:v9+s1+$0x0], $0xffff;
	v2 =	vadd.f32 v3, v2;
	v3 =	vmul.f32 v4, v13  }
0x234: {  	v4 =	vld.idx.msk [tilespmem:v9+s10+$0x0], $0xffff;
	v9 =	vor.u32 v59, v1  }
0x235: {  	v13 =	vld.idx.msk [tilespmem:v6+s1+$0x0], $0xffff;
	v2 =	vadd.f32 v3, v2;
	v3 =	vmul.f32 v5, v10  }
0x236: {  	v5 =	vld.idx.msk [tilespmem:v6+s10+$0x0], $0xffff;
	v6 =	vor.u32 v61, v1  }
0x237: {  	v10 =	vld.idx.msk [tilespmem:v8+s1+$0x0], $0xffff;
	v2 =	vadd.f32 v3, v2;
	v3 =	vmul.f32 v7, v11  }
0x238: {  	v7 =	vld.idx.msk [tilespmem:v8+s10+$0x0], $0xffff;
	v8 =	vor.u32 v44, v1  }
0x239: {  	v11 =	vld.idx.msk [tilespmem:v9+s1+$0x0], $0xffff;
	v2 =	vadd.f32 v3, v2;
	v3 =	vmul.f32 v4, v12  }
0x23a: {  	v4 =	vld.idx.msk [tilespmem:v9+s10+$0x0], $0xffff;
	v9 =	vor.u32 v45, v1  }
0x23b: {  	v12 =	vld.idx.msk [tilespmem:v6+s1+$0x0], $0xffff;
	v2 =	vadd.f32 v3, v2;
	v3 =	vmul.f32 v5, v13  }
0x23c: {  	v5 =	vld.idx.msk [tilespmem:v6+s10+$0x0], $0xffff;
	v6 =	vor.u32 v62, v1  }
0x23d: {  	v13 =	vld.idx.msk [tilespmem:v8+s1+$0x0], $0xffff;
	v2 =	vadd.f32 v3, v2;
	v3 =	vmul.f32 v7, v10  }
0x23e: {  	v7 =	vld.idx.msk [tilespmem:v8+s10+$0x0], $0xffff;
	v8 =	vor.u32 v50, v1  }
0x23f: {  	v10 =	vld.idx.msk [tilespmem:v9+s1+$0x0], $0xffff;
	v2 =	vadd.f32 v3, v2;
	v3 =	vmul.f32 v4, v11  }
0x240: {  	v4 =	vld.idx.msk [tilespmem:v9+s10+$0x0], $0xffff;
	v9 =	vor.u32 v63, v1  }
0x241: {  	v11 =	vld.idx.msk [tilespmem:v6+s1+$0x0], $0xffff;
	v2 =	vadd.f32 v3, v2;
	v3 =	vmul.f32 v5, v12  }
0x242: {  	v5 =	vld.idx.msk [tilespmem:v6+s10+$0x0], $0xffff;
	v6 =	vor.u32 v46, v1  }
0x243: {  	v12 =	vld.idx.msk [tilespmem:v8+s1+$0x0], $0xffff;
	v2 =	vadd.f32 v3, v2;
	v3 =	vmul.f32 v7, v13  }
0x244: {  	v7 =	vld.idx.msk [tilespmem:v8+s10+$0x0], $0xffff;
	v8 =	vor.u32 v49, v1  }
0x245: {  	v13 =	vld.idx.msk [tilespmem:v9+s1+$0x0], $0xffff;
	v2 =	vadd.f32 v3, v2;
	v3 =	vmul.f32 v4, v10  }
0x246: {  	v4 =	vld.idx.msk [tilespmem:v9+s10+$0x0], $0xffff;
	v9 =	vor.u32 v60, v1  }
0x247: {  	v10 =	vld.idx.msk [tilespmem:v6+s1+$0x0], $0xffff;
	v2 =	vadd.f32 v3, v2;
	v3 =	vmul.f32 v5, v11  }
0x248: {  	v5 =	vld.idx.msk [tilespmem:v6+s10+$0x0], $0xffff;
	v6 =	vor.u32 v53, v1  }
0x249: {  	v11 =	vld.idx.msk [tilespmem:v8+s1+$0x0], $0xffff;
	v2 =	vadd.f32 v3, v2;
	v3 =	vmul.f32 v7, v12  }
0x24a: {  	v7 =	vld.idx.msk [tilespmem:v8+s10+$0x0], $0xffff;
	v8 =	vor.u32 v54, v1  }
0x24b: {  	v12 =	vld.idx.msk [tilespmem:v9+s1+$0x0], $0xffff;
	v2 =	vadd.f32 v3, v2;
	v3 =	vmul.f32 v4, v13  }
0x24c: {  	v4 =	vld.idx.msk [tilespmem:v9+s10+$0x0], $0xffff;
	v9 =	vor.u32 v0, v1  }
0x24d: {  	v13 =	vld.idx.msk [tilespmem:v6+s1+$0x0], $0xffff;
	v2 =	vadd.f32 v3, v2;
	v3 =	vmul.f32 v5, v10  }
0x24e: {  	v5 =	vld.idx.msk [tilespmem:v6+s10+$0x0], $0xffff;
	v6 =	vor.u32 v55, v1  }
0x24f: {  	v10 =	vld.idx.msk [tilespmem:v8+s1+$0x0], $0xffff;
	v2 =	vadd.f32 v3, v2;
	v3 =	vmul.f32 v7, v11  }
0x250: {  	v7 =	vld.idx.msk [tilespmem:v8+s10+$0x0], $0xffff;
	v8 =	vor.u32 v56, v1  }
0x251: {  	v11 =	vld.idx.msk [tilespmem:v9+s1+$0x0], $0xffff;
	v2 =	vadd.f32 v3, v2;
	v3 =	vmul.f32 v4, v12  }
0x252: {  	v4 =	vld.idx.msk [tilespmem:v9+s10+$0x0], $0xffff;
	v9 =	vor.u32 v57, v1  }
0x253: {  	v12 =	vld.idx.msk [tilespmem:v6+s1+$0x0], $0xffff;
	v2 =	vadd.f32 v3, v2;
	v3 =	vmul.f32 v5, v13  }
0x254: {  	v5 =	vld.idx.msk [tilespmem:v6+s10+$0x0], $0xffff  }
0x255: {  	v6 =	vld.idx.msk [tilespmem:v8+s1+$0x0], $0xffff;
	v2 =	vadd.f32 v3, v2;
	v3 =	vmul.f32 v7, v10  }
0x256: {  	v1 =	vor.u32 v58, v1;
	v7 =	vld.idx.msk [tilespmem:v8+s10+$0x0], $0xffff  }
0x257: {  	v8 =	vld.idx.msk [tilespmem:v9+s1+$0x0], $0xffff;
	v4 =	vmul.f32 v4, v11;
	v3 =	vadd.f32 v3, v2  }
0x258: {  	p0 =	sne.s32 s14, $0xF0;
	v9 =	vld.idx.msk [tilespmem:v9+s10+$0x0], $0xffff  }
.Ltmp0:
0x259: {  	v5 =	vmul.f32 v5, v12;
	v4 =	vadd.f32 v4, v3;
	(pc) =	sbr.rel @p0 .LBB2_2-.Ltmp0, $4  }
0x25a: {  	_ = 	snop  }
0x25b: {  	v2 =	vld.idx.msk [tilespmem:v1+s1+$0x0], $0xffff;
	v4 =	vadd.f32 v5, v4;
	v5 =	vmul.f32 v7, v6  }
0x25c: {  	v3 =	vld.idx.msk [tilespmem:v1+s10+$0x0], $0xffff;
	v1 =	vmov s14  }
0x25d: {  	s14 =	sadd.s32 $0x10, s14;
	v1 =	vshll.u32 v1, $0x7;
	v4 =	vadd.f32 v5, v4;
	v5 =	vmul.f32 v9, v8  }
0x25e: {  	_ = 	snop  }
0x25f: {  	v6 =	vld [tilespmem:$0x1FCD0];
	_ =	sdelay $0x1  }
0x260: {  	v4 =	vadd.f32 v5, v4;
	v2 =	vmul.f32 v3, v2;
	_ =	sdelay $0x1  }
0x261: {  	v2 =	vadd.f32 v2, v4;
	v4 =	vld [tilespmem:$0x1FCF0]  }
0x262: {  	v1 =	vor.u32 v6, v1;
	v6 =	vlaneseq.u32  }
0x263: {  	v6 =	vor.u32 v6, v1;
	_ =	sdelay $0x2  }
0x264: {  	s13 =	sadd.s32 $0x10, s13;
	v4 =	vor.u32 v4, v1  }
0x265: {  	v3 =	vld [tilespmem:$0x1FCE0];
	[tilespmem:s13+$0x0] =	vst v2  }
0x266: {  	v2 =	vld.idx.msk [tilespmem:v6+s10+$0x0], $0xffff  }
0x267: {  	v5 =	vld.idx.msk [tilespmem:v6+s1+$0x0], $0xffff  }
0x268: {  	v6 =	vld [tilespmem:$0x1FD00]  }
0x269: {  	v13 =	vld.idx.msk [tilespmem:v4+s1+$0x0], $0xffff  }
0x26a: {  	v9 =	vld.idx.msk [tilespmem:v4+s10+$0x0], $0xffff  }
0x26b: {  	v4 =	vld [tilespmem:$0x1FD20]  }
0x26c: {  	v3 =	vor.u32 v3, v1;
	_ =	sdelay $0x1  }
0x26d: {  	v8 =	vld [tilespmem:$0x1FD10];
	v6 =	vor.u32 v6, v1;
	_ =	sdelay $0x1  }
0x26e: {  	v10 =	vor.u32 v4, v1;
	v4 =	vld [tilespmem:$0x1FD30]  }
0x26f: {  	v7 =	vld.idx.msk [tilespmem:v3+s1+$0x0], $0xffff  }
0x270: {  	v3 =	vld.idx.msk [tilespmem:v3+s10+$0x0], $0xffff  }
0x271: {  	v8 =	vor.u32 v8, v1;
	v2 =	vmul.f32 v2, v5;
	v11 =	vld.idx.msk [tilespmem:v6+s1+$0x0], $0xffff  }
0x272: {  	v5 =	vld.idx.msk [tilespmem:v6+s10+$0x0], $0xffff  }
0x273: {  	v6 =	vor.u32 v4, v1;
	v4 =	vadd.f32 $0.0e+00, v2;
	v2 =	vld [tilespmem:$0x1FD40];
	_ =	sdelay $0x2  }
0x274: {  	v12 =	vld.idx.msk [tilespmem:v8+s1+$0x0], $0xffff;
	v3 =	vmul.f32 v3, v7  }
0x275: {  	v7 =	vld.idx.msk [tilespmem:v8+s10+$0x0], $0xffff  }
0x276: {  	v8 =	vor.u32 v2, v1;
	v2 =	vadd.f32 v3, v4;
	v3 =	vld.idx.msk [tilespmem:v10+s1+$0x0], $0xffff;
	_ =	sdelay $0x4  }
0x277: {  	[tilespmem:$0x1FAA0] =	vst v3;
	v3 =	vld [tilespmem:$0x1FD50];
	_ =	sdelay $0x2  }
0x278: {  	v4 =	vmul.f32 v9, v13  }
0x279: {  	v9 =	vld.idx.msk [tilespmem:v10+s10+$0x0], $0xffff  }
0x27a: {  	v10 =	vor.u32 v3, v1;
	v3 =	vadd.f32 v4, v2;
	v2 =	vld [tilespmem:$0x1FD60];
	_ =	sdelay $0x2  }
0x27b: {  	v5 =	vmul.f32 v5, v11;
	_ =	sdelay $0x1  }
0x27c: {  	v7 =	vmul.f32 v7, v12;
	v11 =	vor.u32 v2, v1;
	v2 =	vadd.f32 v5, v3  }
0x27d: {  	v3 =	vld [tilespmem:$0x1FD70]  }
0x27e: {  	v4 =	vadd.f32 v7, v2;
	v2 =	vld [tilespmem:$0x1FAA0];
	_ =	sdelay $0x4  }
0x27f: {  	v12 =	vor.u32 v3, v1;
	v3 =	vmul.f32 v9, v2;
	v2 =	vld [tilespmem:$0x1FD80];
	_ =	sdelay $0x2  }
0x280: {  	v7 =	vld.idx.msk [tilespmem:v10+s1+$0x0], $0xffff  }
0x281: {  	v9 =	vld.idx.msk [tilespmem:v10+s10+$0x0], $0xffff  }
0x282: {  	v10 =	vor.u32 v2, v1;
	v2 =	vadd.f32 v3, v4;
	v3 =	vld.idx.msk [tilespmem:v11+s1+$0x0], $0xffff  }
0x283: {  	v13 =	vld.idx.msk [tilespmem:v6+s1+$0x0], $0xffff  }
0x284: {  	v6 =	vld.idx.msk [tilespmem:v6+s10+$0x0], $0xffff  }
0x285: {  	v5 =	vld.idx.msk [tilespmem:v8+s1+$0x0], $0xffff  }
0x286: {  	v8 =	vld.idx.msk [tilespmem:v8+s10+$0x0], $0xffff  }
0x287: {  	[tilespmem:$0x1FAB0] =	vst v3;
	v3 =	vld [tilespmem:$0x1FD90];
	_ =	sdelay $0x2  }
0x288: {  	v4 =	vmul.f32 v6, v13;
	_ =	sdelay $0x1  }
0x289: {  	v5 =	vmul.f32 v8, v5;
	v6 =	vld.idx.msk [tilespmem:v11+s10+$0x0], $0xffff;
	v11 =	vor.u32 v3, v1;
	v3 =	vadd.f32 v4, v2;
	_ =	sdelay $0x1  }
0x28a: {  	v7 =	vmul.f32 v9, v7;
	v2 =	vadd.f32 v5, v3;
	_ =	sdelay $0x1  }
0x28b: {  	v4 =	vadd.f32 v7, v2;
	v2 =	vld [tilespmem:$0x1FAB0]  }
0x28c: {  	v8 =	vld.idx.msk [tilespmem:v12+s10+$0x0], $0xffff  }
0x28d: {  	v13 =	vld.idx.msk [tilespmem:v12+s1+$0x0], $0xffff;
	v12 =	vor.u32 v14, v1;
	_ =	sdelay $0x2  }
0x28e: {  	v9 =	vld.idx.msk [tilespmem:v10+s10+$0x0], $0xffff;
	v3 =	vmul.f32 v6, v2  }
0x28f: {  	v5 =	vld.idx.msk [tilespmem:v10+s1+$0x0], $0xffff  }
0x290: {  	v2 =	vadd.f32 v3, v4;
	v3 =	vld.idx.msk [tilespmem:v12+s1+$0x0], $0xffff  }
0x291: {  	v7 =	vld.idx.msk [tilespmem:v11+s1+$0x0], $0xffff  }
0x292: {  	v6 =	vld.idx.msk [tilespmem:v11+s10+$0x0], $0xffff  }
0x293: {  	v4 =	vmul.f32 v8, v13;
	_ =	sdelay $0x1  }
0x294: {  	v10 =	vor.u32 v27, v1;
	v5 =	vmul.f32 v9, v5;
	[tilespmem:$0x1FAC0] =	vst v3;
	v3 =	vadd.f32 v4, v2;
	_ =	sdelay $0x1  }
0x295: {  	v6 =	vmul.f32 v6, v7;
	v2 =	vadd.f32 v5, v3  }
0x296: {  	v8 =	vld.idx.msk [tilespmem:v12+s10+$0x0], $0xffff  }
0x297: {  	v11 =	vor.u32 v15, v1;
	v4 =	vadd.f32 v6, v2;
	v2 =	vld [tilespmem:$0x1FAC0]  }
0x298: {  	v9 =	vld.idx.msk [tilespmem:v10+s10+$0x0], $0xffff  }
0x299: {  	v13 =	vld.idx.msk [tilespmem:v10+s1+$0x0], $0xffff;
	v10 =	vor.u32 v16, v1  }
0x29a: {  	v12 =	vor.u32 v28, v1;
	_ =	sdelay $0x1  }
0x29b: {  	v7 =	vld.idx.msk [tilespmem:v11+s10+$0x0], $0xffff;
	v3 =	vmul.f32 v8, v2  }
0x29c: {  	v5 =	vld.idx.msk [tilespmem:v11+s1+$0x0], $0xffff  }
0x29d: {  	v2 =	vadd.f32 v3, v4;
	v3 =	vld.idx.msk [tilespmem:v10+s1+$0x0], $0xffff  }
0x29e: {  	v6 =	vld.idx.msk [tilespmem:v12+s1+$0x0], $0xffff  }
0x29f: {  	v8 =	vld.idx.msk [tilespmem:v12+s10+$0x0], $0xffff  }
0x2a0: {  	v4 =	vmul.f32 v9, v13;
	_ =	sdelay $0x1  }
0x2a1: {  	v11 =	vor.u32 v29, v1;
	v5 =	vmul.f32 v7, v5;
	[tilespmem:$0x1FAD0] =	vst v3;
	v3 =	vadd.f32 v4, v2;
	_ =	sdelay $0x1  }
0x2a2: {  	v6 =	vmul.f32 v8, v6;
	v2 =	vadd.f32 v5, v3  }
0x2a3: {  	v9 =	vld.idx.msk [tilespmem:v10+s10+$0x0], $0xffff  }
0x2a4: {  	v12 =	vor.u32 v17, v1;
	v4 =	vadd.f32 v6, v2;
	v2 =	vld [tilespmem:$0x1FAD0]  }
0x2a5: {  	v7 =	vld.idx.msk [tilespmem:v11+s10+$0x0], $0xffff  }
0x2a6: {  	v13 =	vld.idx.msk [tilespmem:v11+s1+$0x0], $0xffff;
	v11 =	vor.u32 v18, v1  }
0x2a7: {  	v10 =	vor.u32 v30, v1;
	_ =	sdelay $0x1  }
0x2a8: {  	v8 =	vld.idx.msk [tilespmem:v12+s10+$0x0], $0xffff;
	v3 =	vmul.f32 v9, v2  }
0x2a9: {  	v5 =	vld.idx.msk [tilespmem:v12+s1+$0x0], $0xffff  }
0x2aa: {  	v2 =	vadd.f32 v3, v4;
	v3 =	vld.idx.msk [tilespmem:v11+s1+$0x0], $0xffff  }
0x2ab: {  	v6 =	vld.idx.msk [tilespmem:v10+s1+$0x0], $0xffff  }
0x2ac: {  	v9 =	vld.idx.msk [tilespmem:v10+s10+$0x0], $0xffff  }
0x2ad: {  	v4 =	vmul.f32 v7, v13;
	_ =	sdelay $0x1  }
0x2ae: {  	v12 =	vor.u32 v31, v1;
	v5 =	vmul.f32 v8, v5;
	[tilespmem:$0x1FAE0] =	vst v3;
	v3 =	vadd.f32 v4, v2;
	_ =	sdelay $0x1  }
0x2af: {  	v6 =	vmul.f32 v9, v6;
	v2 =	vadd.f32 v5, v3  }
0x2b0: {  	v7 =	vld.idx.msk [tilespmem:v11+s10+$0x0], $0xffff  }
0x2b1: {  	v10 =	vor.u32 v19, v1;
	v4 =	vadd.f32 v6, v2;
	v2 =	vld [tilespmem:$0x1FAE0]  }
0x2b2: {  	v8 =	vld.idx.msk [tilespmem:v12+s10+$0x0], $0xffff  }
0x2b3: {  	v13 =	vld.idx.msk [tilespmem:v12+s1+$0x0], $0xffff;
	v12 =	vor.u32 v20, v1  }
0x2b4: {  	v11 =	vor.u32 v32, v1;
	_ =	sdelay $0x1  }
0x2b5: {  	v9 =	vld.idx.msk [tilespmem:v10+s10+$0x0], $0xffff;
	v3 =	vmul.f32 v7, v2  }
0x2b6: {  	v5 =	vld.idx.msk [tilespmem:v10+s1+$0x0], $0xffff  }
0x2b7: {  	v2 =	vadd.f32 v3, v4;
	v3 =	vld.idx.msk [tilespmem:v12+s1+$0x0], $0xffff  }
0x2b8: {  	v6 =	vld.idx.msk [tilespmem:v11+s1+$0x0], $0xffff  }
0x2b9: {  	v7 =	vld.idx.msk [tilespmem:v11+s10+$0x0], $0xffff  }
0x2ba: {  	v4 =	vmul.f32 v8, v13;
	_ =	sdelay $0x1  }
0x2bb: {  	v10 =	vor.u32 v33, v1;
	v5 =	vmul.f32 v9, v5;
	[tilespmem:$0x1FAF0] =	vst v3;
	v3 =	vadd.f32 v4, v2;
	_ =	sdelay $0x1  }
0x2bc: {  	v6 =	vmul.f32 v7, v6;
	v2 =	vadd.f32 v5, v3  }
0x2bd: {  	v8 =	vld.idx.msk [tilespmem:v12+s10+$0x0], $0xffff  }
0x2be: {  	v11 =	vor.u32 v21, v1;
	v4 =	vadd.f32 v6, v2;
	v2 =	vld [tilespmem:$0x1FAF0]  }
0x2bf: {  	v9 =	vld.idx.msk [tilespmem:v10+s10+$0x0], $0xffff  }
0x2c0: {  	v13 =	vld.idx.msk [tilespmem:v10+s1+$0x0], $0xffff;
	v10 =	vor.u32 v22, v1  }
0x2c1: {  	v12 =	vor.u32 v34, v1;
	_ =	sdelay $0x1  }
0x2c2: {  	v7 =	vld.idx.msk [tilespmem:v11+s10+$0x0], $0xffff;
	v3 =	vmul.f32 v8, v2  }
0x2c3: {  	v5 =	vld.idx.msk [tilespmem:v11+s1+$0x0], $0xffff  }
0x2c4: {  	v2 =	vadd.f32 v3, v4;
	v3 =	vld.idx.msk [tilespmem:v10+s1+$0x0], $0xffff  }
0x2c5: {  	v6 =	vld.idx.msk [tilespmem:v12+s1+$0x0], $0xffff  }
0x2c6: {  	v8 =	vld.idx.msk [tilespmem:v12+s10+$0x0], $0xffff  }
0x2c7: {  	v4 =	vmul.f32 v9, v13;
	_ =	sdelay $0x1  }
0x2c8: {  	v11 =	vor.u32 v23, v1;
	v5 =	vmul.f32 v7, v5;
	[tilespmem:$0x1FB00] =	vst v3;
	v3 =	vadd.f32 v4, v2;
	_ =	sdelay $0x1  }
0x2c9: {  	v12 =	vor.u32 v24, v1;
	v6 =	vmul.f32 v8, v6;
	v2 =	vadd.f32 v5, v3  }
0x2ca: {  	v9 =	vld.idx.msk [tilespmem:v10+s10+$0x0], $0xffff  }
0x2cb: {  	v10 =	vor.u32 v35, v1;
	v4 =	vadd.f32 v6, v2;
	v2 =	vld [tilespmem:$0x1FB00]  }
0x2cc: {  	v7 =	vld.idx.msk [tilespmem:v11+s10+$0x0], $0xffff  }
0x2cd: {  	v13 =	vld.idx.msk [tilespmem:v11+s1+$0x0], $0xffff;
	v11 =	vor.u32 v25, v1  }
0x2ce: {  	v8 =	vld.idx.msk [tilespmem:v12+s10+$0x0], $0xffff  }
0x2cf: {  	v5 =	vld.idx.msk [tilespmem:v12+s1+$0x0], $0xffff;
	v12 =	vor.u32 v36, v1  }
0x2d0: {  	v6 =	vld.idx.msk [tilespmem:v10+s1+$0x0], $0xffff;
	v3 =	vmul.f32 v9, v2  }
0x2d1: {  	v9 =	vld.idx.msk [tilespmem:v10+s10+$0x0], $0xffff;
	v10 =	vor.u32 v26, v1  }
0x2d2: {  	v2 =	vadd.f32 v3, v4;
	v3 =	vld.idx.msk [tilespmem:v11+s1+$0x0], $0xffff;
	v4 =	vmul.f32 v7, v13  }
0x2d3: {  	v7 =	vld.idx.msk [tilespmem:v11+s10+$0x0], $0xffff;
	v11 =	vor.u32 v39, v1  }
0x2d4: {  	v5 =	vmul.f32 v8, v5;
	v8 =	vld.idx.msk [tilespmem:v12+s10+$0x0], $0xffff;
	v2 =	vadd.f32 v4, v2  }
0x2d5: {  	v4 =	vld.idx.msk [tilespmem:v12+s1+$0x0], $0xffff;
	v12 =	vor.u32 v42, v1  }
0x2d6: {  	v6 =	vmul.f32 v9, v6;
	v9 =	vld.idx.msk [tilespmem:v10+s10+$0x0], $0xffff;
	v2 =	vadd.f32 v5, v2  }
0x2d7: {  	v5 =	vld.idx.msk [tilespmem:v10+s1+$0x0], $0xffff;
	v10 =	vor.u32 v43, v1  }
0x2d8: {  	v3 =	vmul.f32 v7, v3;
	v7 =	vld.idx.msk [tilespmem:v11+s10+$0x0], $0xffff;
	v2 =	vadd.f32 v6, v2  }
0x2d9: {  	v6 =	vld.idx.msk [tilespmem:v11+s1+$0x0], $0xffff;
	v11 =	vor.u32 v51, v1  }
0x2da: {  	v4 =	vmul.f32 v8, v4;
	v8 =	vld.idx.msk [tilespmem:v12+s10+$0x0], $0xffff;
	v2 =	vadd.f32 v3, v2  }
0x2db: {  	v3 =	vld.idx.msk [tilespmem:v12+s1+$0x0], $0xffff;
	v12 =	vor.u32 v52, v1  }
0x2dc: {  	v5 =	vmul.f32 v9, v5;
	v9 =	vld.idx.msk [tilespmem:v10+s10+$0x0], $0xffff;
	v2 =	vadd.f32 v4, v2  }
0x2dd: {  	v4 =	vld.idx.msk [tilespmem:v10+s1+$0x0], $0xffff;
	v10 =	vor.u32 v37, v1  }
0x2de: {  	v6 =	vmul.f32 v7, v6;
	v7 =	vld.idx.msk [tilespmem:v11+s10+$0x0], $0xffff;
	v2 =	vadd.f32 v5, v2  }
0x2df: {  	v5 =	vld.idx.msk [tilespmem:v11+s1+$0x0], $0xffff;
	v11 =	vor.u32 v38, v1  }
0x2e0: {  	v3 =	vmul.f32 v8, v3;
	v8 =	vld.idx.msk [tilespmem:v12+s10+$0x0], $0xffff;
	v2 =	vadd.f32 v6, v2  }
0x2e1: {  	v6 =	vld.idx.msk [tilespmem:v12+s1+$0x0], $0xffff;
	v12 =	vor.u32 v40, v1  }
0x2e2: {  	v4 =	vmul.f32 v9, v4;
	v9 =	vld.idx.msk [tilespmem:v10+s10+$0x0], $0xffff;
	v2 =	vadd.f32 v3, v2  }
0x2e3: {  	v3 =	vld.idx.msk [tilespmem:v10+s1+$0x0], $0xffff;
	v10 =	vor.u32 v41, v1  }
0x2e4: {  	v5 =	vmul.f32 v7, v5;
	v7 =	vld.idx.msk [tilespmem:v11+s10+$0x0], $0xffff;
	v2 =	vadd.f32 v4, v2  }
0x2e5: {  	v4 =	vld.idx.msk [tilespmem:v11+s1+$0x0], $0xffff;
	v11 =	vor.u32 v47, v1  }
0x2e6: {  	v6 =	vmul.f32 v8, v6;
	v8 =	vld.idx.msk [tilespmem:v12+s10+$0x0], $0xffff;
	v2 =	vadd.f32 v5, v2  }
0x2e7: {  	v5 =	vld.idx.msk [tilespmem:v12+s1+$0x0], $0xffff;
	v12 =	vor.u32 v48, v1  }
0x2e8: {  	v3 =	vmul.f32 v9, v3;
	v9 =	vld.idx.msk [tilespmem:v10+s10+$0x0], $0xffff;
	v2 =	vadd.f32 v6, v2  }
0x2e9: {  	v6 =	vld.idx.msk [tilespmem:v10+s1+$0x0], $0xffff;
	v10 =	vor.u32 v59, v1  }
0x2ea: {  	v4 =	vmul.f32 v7, v4;
	v7 =	vld.idx.msk [tilespmem:v11+s10+$0x0], $0xffff;
	v2 =	vadd.f32 v3, v2  }
0x2eb: {  	v3 =	vld.idx.msk [tilespmem:v11+s1+$0x0], $0xffff;
	v11 =	vor.u32 v61, v1  }
0x2ec: {  	v5 =	vmul.f32 v8, v5;
	v8 =	vld.idx.msk [tilespmem:v12+s10+$0x0], $0xffff;
	v2 =	vadd.f32 v4, v2  }
0x2ed: {  	v4 =	vld.idx.msk [tilespmem:v12+s1+$0x0], $0xffff;
	v12 =	vor.u32 v44, v1  }
0x2ee: {  	v6 =	vmul.f32 v9, v6;
	v9 =	vld.idx.msk [tilespmem:v10+s10+$0x0], $0xffff;
	v2 =	vadd.f32 v5, v2  }
0x2ef: {  	v5 =	vld.idx.msk [tilespmem:v10+s1+$0x0], $0xffff;
	v10 =	vor.u32 v45, v1  }
0x2f0: {  	v3 =	vmul.f32 v7, v3;
	v7 =	vld.idx.msk [tilespmem:v11+s10+$0x0], $0xffff;
	v2 =	vadd.f32 v6, v2  }
0x2f1: {  	v6 =	vld.idx.msk [tilespmem:v11+s1+$0x0], $0xffff;
	v11 =	vor.u32 v62, v1  }
0x2f2: {  	v4 =	vmul.f32 v8, v4;
	v8 =	vld.idx.msk [tilespmem:v12+s10+$0x0], $0xffff;
	v2 =	vadd.f32 v3, v2  }
0x2f3: {  	v3 =	vld.idx.msk [tilespmem:v12+s1+$0x0], $0xffff;
	v12 =	vor.u32 v50, v1  }
0x2f4: {  	v5 =	vmul.f32 v9, v5;
	v9 =	vld.idx.msk [tilespmem:v10+s10+$0x0], $0xffff;
	v2 =	vadd.f32 v4, v2  }
0x2f5: {  	v4 =	vld.idx.msk [tilespmem:v10+s1+$0x0], $0xffff;
	v10 =	vor.u32 v63, v1  }
0x2f6: {  	v6 =	vmul.f32 v7, v6;
	v7 =	vld.idx.msk [tilespmem:v11+s10+$0x0], $0xffff;
	v2 =	vadd.f32 v5, v2  }
0x2f7: {  	v5 =	vld.idx.msk [tilespmem:v11+s1+$0x0], $0xffff;
	v11 =	vor.u32 v46, v1  }
0x2f8: {  	v3 =	vmul.f32 v8, v3;
	v8 =	vld.idx.msk [tilespmem:v12+s10+$0x0], $0xffff;
	v2 =	vadd.f32 v6, v2  }
0x2f9: {  	v6 =	vld.idx.msk [tilespmem:v12+s1+$0x0], $0xffff;
	v12 =	vor.u32 v49, v1  }
0x2fa: {  	v4 =	vmul.f32 v9, v4;
	v9 =	vld.idx.msk [tilespmem:v10+s10+$0x0], $0xffff;
	v2 =	vadd.f32 v3, v2  }
0x2fb: {  	v3 =	vld.idx.msk [tilespmem:v10+s1+$0x0], $0xffff;
	v10 =	vor.u32 v60, v1  }
0x2fc: {  	v5 =	vmul.f32 v7, v5;
	v7 =	vld.idx.msk [tilespmem:v11+s10+$0x0], $0xffff;
	v2 =	vadd.f32 v4, v2  }
0x2fd: {  	v4 =	vld.idx.msk [tilespmem:v11+s1+$0x0], $0xffff;
	v11 =	vor.u32 v53, v1  }
0x2fe: {  	v6 =	vmul.f32 v8, v6;
	v8 =	vld.idx.msk [tilespmem:v12+s10+$0x0], $0xffff;
	v2 =	vadd.f32 v5, v2  }
0x2ff: {  	v5 =	vld.idx.msk [tilespmem:v12+s1+$0x0], $0xffff;
	v12 =	vor.u32 v54, v1  }
0x300: {  	v3 =	vmul.f32 v9, v3;
	v9 =	vld.idx.msk [tilespmem:v10+s10+$0x0], $0xffff;
	v2 =	vadd.f32 v6, v2  }
0x301: {  	v6 =	vld.idx.msk [tilespmem:v10+s1+$0x0], $0xffff;
	v10 =	vor.u32 v0, v1  }
0x302: {  	v4 =	vmul.f32 v7, v4;
	v7 =	vld.idx.msk [tilespmem:v11+s10+$0x0], $0xffff;
	v2 =	vadd.f32 v3, v2  }
0x303: {  	v3 =	vld.idx.msk [tilespmem:v11+s1+$0x0], $0xffff;
	v11 =	vor.u32 v55, v1  }
0x304: {  	v5 =	vmul.f32 v8, v5;
	v8 =	vld.idx.msk [tilespmem:v12+s10+$0x0], $0xffff;
	v2 =	vadd.f32 v4, v2  }
0x305: {  	v4 =	vld.idx.msk [tilespmem:v12+s1+$0x0], $0xffff;
	v12 =	vor.u32 v56, v1  }
0x306: {  	v6 =	vmul.f32 v9, v6;
	v9 =	vld.idx.msk [tilespmem:v10+s10+$0x0], $0xffff;
	v2 =	vadd.f32 v5, v2  }
0x307: {  	v5 =	vld.idx.msk [tilespmem:v10+s1+$0x0], $0xffff;
	v10 =	vor.u32 v57, v1  }
0x308: {  	v3 =	vmul.f32 v7, v3;
	v7 =	vld.idx.msk [tilespmem:v11+s10+$0x0], $0xffff;
	v2 =	vadd.f32 v6, v2  }
0x309: {  	v1 =	vor.u32 v58, v1;
	v6 =	vld.idx.msk [tilespmem:v11+s1+$0x0], $0xffff  }
0x30a: {  	v11 =	vld.idx.msk [tilespmem:v12+s1+$0x0], $0xffff;
	v2 =	vadd.f32 v3, v2;
	v3 =	vmul.f32 v8, v4  }
0x30b: {  	v4 =	vld.idx.msk [tilespmem:v12+s10+$0x0], $0xffff  }
0x30c: {  	v8 =	vld.idx.msk [tilespmem:v10+s1+$0x0], $0xffff;
	v2 =	vadd.f32 v3, v2;
	v3 =	vmul.f32 v9, v5  }
0x30d: {  	v5 =	vld.idx.msk [tilespmem:v10+s10+$0x0], $0xffff  }
0x30e: {  	v9 =	vld.idx.msk [tilespmem:v1+s1+$0x0], $0xffff;
	v2 =	vadd.f32 v3, v2;
	v3 =	vmul.f32 v7, v6  }
0x30f: {  	v1 =	vld.idx.msk [tilespmem:v1+s10+$0x0], $0xffff  }
0x310: {  	v2 =	vadd.f32 v3, v2;
	v3 =	vmul.f32 v4, v11;
	_ =	sdelay $0x1  }
0x311: {  	v2 =	vadd.f32 v3, v2;
	v3 =	vmul.f32 v5, v8;
	_ =	sdelay $0x1  }
0x312: {  	v1 =	vmul.f32 v1, v9;
	v2 =	vadd.f32 v3, v2;
	_ =	sdelay $0x1  }
0x313: {  	v1 =	vadd.f32 v1, v2  }
0x314: {  	s13 =	sadd.s32 $0x10, s13  }
0x315: {  	[tilespmem:s13+$0x0] =	vst v1;
	s13 =	simm.s32 $0x0  }
0x316: {  	[tilespmem:s13], [sflag:$0x1] =	stream.linear.gather [hbm4b:s5+s13], $0x8000, $0x38;
	[tilespmem:$0x10200] =	vst v63  }
0x317: {  	_ =	swait.ge [sflag:s9], $0x8000  }
0x318: {  	[sflag:s9] =	ssyncset.done $0x0  }
0x319: {  	v2 =	vld [tilespmem:$0x1FCD0];
	[sflag:s9] =	ssyncadd.s32 $0xFFFF8000  }
0x31a: {  	[tilespmem:s10], [sflag:$0x1] =	stream.linear.gather [hbm4b:s6+s13], $0x8000, $0x38;
	[tilespmem:$0x10200] =	vst v63  }
0x31b: {  	_ =	swait.ge [sflag:s9], $0x8000  }
0x31c: {  	v1 =	vmov s13;
	v3 =	vld [tilespmem:$0x1FCE0]  }
0x31d: {  	v1 =	vshll.u32 v1, $0x7  }
0x31e: {  	v4 =	vld [tilespmem:$0x1FCF0];
	v1 =	vor.u32 v2, v1;
	v2 =	vlaneseq.u32  }
0x31f: {  	v2 =	vor.u32 v2, v1;
	_ =	sdelay $0x1  }
0x320: {  	v6 =	vld [tilespmem:$0x1FD00];
	v3 =	vor.u32 v3, v1  }
0x321: {  	[sflag:s9] =	ssyncset.done $0x0;
	v8 =	vld [tilespmem:$0x1FD10]  }
0x322: {  	v10 =	vld [tilespmem:$0x1FD20];
	[sflag:s9] =	ssyncadd.s32 $0xFFFF8000;
	v4 =	vor.u32 v4, v1  }
0x323: {  	v5 =	vld.idx.msk [tilespmem:v2+s10+$0x0], $0xffff  }
0x324: {  	v2 =	vld.idx.msk [tilespmem:v2+s1+$0x0], $0xffff  }
0x325: {  	v6 =	vor.u32 v6, v1;
	v7 =	vld.idx.msk [tilespmem:v3+s1+$0x0], $0xffff  }
0x326: {  	v3 =	vld.idx.msk [tilespmem:v3+s10+$0x0], $0xffff  }
0x327: {  	v9 =	vld.idx.msk [tilespmem:v4+s1+$0x0], $0xffff  }
0x328: {  	v10 =	vor.u32 v10, v1;
	v4 =	vld.idx.msk [tilespmem:v4+s10+$0x0], $0xffff;
	_ =	sdelay $0x1  }
0x329: {  	v11 =	vld.idx.msk [tilespmem:v6+s1+$0x0], $0xffff;
	v2 =	vmul.f32 v5, v2  }
0x32a: {  	v8 =	vor.u32 v8, v1;
	v5 =	vld.idx.msk [tilespmem:v6+s10+$0x0], $0xffff  }
0x32b: {  	v6 =	vld [tilespmem:$0x1FD30];
	v2 =	vadd.f32 $0.0e+00, v2;
	v3 =	vmul.f32 v3, v7  }
0x32c: {  	v4 =	vmul.f32 v4, v9;
	v9 =	vld.idx.msk [tilespmem:v10+s10+$0x0], $0xffff  }
0x32d: {  	v2 =	vadd.f32 v3, v2;
	v3 =	vld.idx.msk [tilespmem:v10+s1+$0x0], $0xffff  }
0x32e: {  	v10 =	vld [tilespmem:$0x1FD50]  }
0x32f: {  	v12 =	vld.idx.msk [tilespmem:v8+s1+$0x0], $0xffff  }
0x330: {  	v7 =	vld.idx.msk [tilespmem:v8+s10+$0x0], $0xffff  }
0x331: {  	v6 =	vor.u32 v6, v1  }
0x332: {  	v8 =	vld [tilespmem:$0x1FD40]  }
0x333: {  	v10 =	vor.u32 v10, v1  }
0x334: {  	v5 =	vmul.f32 v5, v11;
	v11 =	vld [tilespmem:$0x1FD60];
	v2 =	vadd.f32 v4, v2  }
0x335: {  	v7 =	vmul.f32 v7, v12;
	v12 =	vld [tilespmem:$0x1FD70]  }
0x336: {  	v2 =	vadd.f32 v5, v2;
	v4 =	vld.idx.msk [tilespmem:v6+s1+$0x0], $0xffff  }
0x337: {  	v8 =	vor.u32 v8, v1;
	v6 =	vld.idx.msk [tilespmem:v6+s10+$0x0], $0xffff  }
0x338: {  	v2 =	vadd.f32 v7, v2;
	v7 =	vld.idx.msk [tilespmem:v10+s1+$0x0], $0xffff  }
0x339: {  	v11 =	vor.u32 v11, v1;
	v3 =	vmul.f32 v9, v3;
	v9 =	vld.idx.msk [tilespmem:v10+s10+$0x0], $0xffff  }
0x33a: {  	v10 =	vld [tilespmem:$0x1FD80];
	_ =	sdelay $0x1  }
0x33b: {  	v5 =	vld.idx.msk [tilespmem:v8+s1+$0x0], $0xffff;
	v12 =	vor.u32 v12, v1  }
0x33c: {  	v8 =	vld.idx.msk [tilespmem:v8+s10+$0x0], $0xffff  }
0x33d: {  	v2 =	vadd.f32 v3, v2;
	v3 =	vld.idx.msk [tilespmem:v11+s1+$0x0], $0xffff  }
0x33e: {  	v4 =	vmul.f32 v6, v4;
	v6 =	vld.idx.msk [tilespmem:v11+s10+$0x0], $0xffff;
	v10 =	vor.u32 v10, v1  }
0x33f: {  	v11 =	vld [tilespmem:$0x1FD90]  }
0x340: {  	v2 =	vadd.f32 v4, v2;
	v4 =	vld.idx.msk [tilespmem:v12+s1+$0x0], $0xffff  }
0x341: {  	v5 =	vmul.f32 v8, v5;
	v8 =	vld.idx.msk [tilespmem:v12+s10+$0x0], $0xffff  }
0x342: {  	v12 =	vld [tilespmem:$0x1FE90]  }
0x343: {  	v2 =	vadd.f32 v5, v2;
	v5 =	vld.idx.msk [tilespmem:v10+s1+$0x0], $0xffff  }
0x344: {  	v11 =	vor.u32 v11, v1;
	v7 =	vmul.f32 v9, v7;
	v9 =	vld.idx.msk [tilespmem:v10+s10+$0x0], $0xffff  }
0x345: {  	v10 =	vld [tilespmem:$0x1FEA0];
	_ =	sdelay $0x1  }
0x346: {  	v12 =	vor.u32 v12, v1;
	_ =	sdelay $0x1  }
0x347: {  	v2 =	vadd.f32 v7, v2;
	v7 =	vld.idx.msk [tilespmem:v11+s1+$0x0], $0xffff  }
0x348: {  	v3 =	vmul.f32 v6, v3;
	v6 =	vld.idx.msk [tilespmem:v11+s10+$0x0], $0xffff;
	v10 =	vor.u32 v10, v1  }
0x349: {  	v11 =	vld [tilespmem:$0x1FEB0]  }
0x34a: {  	v2 =	vadd.f32 v3, v2;
	v3 =	vld.idx.msk [tilespmem:v12+s1+$0x0], $0xffff  }
0x34b: {  	v4 =	vmul.f32 v8, v4;
	v8 =	vld.idx.msk [tilespmem:v12+s10+$0x0], $0xffff  }
0x34c: {  	v12 =	vld [tilespmem:$0x1FEC0]  }
0x34d: {  	v2 =	vadd.f32 v4, v2;
	v4 =	vld.idx.msk [tilespmem:v10+s1+$0x0], $0xffff  }
0x34e: {  	v11 =	vor.u32 v11, v1;
	v5 =	vmul.f32 v9, v5;
	v9 =	vld.idx.msk [tilespmem:v10+s10+$0x0], $0xffff  }
0x34f: {  	v10 =	vld [tilespmem:$0x1FED0];
	_ =	sdelay $0x1  }
0x350: {  	v12 =	vor.u32 v12, v1;
	_ =	sdelay $0x1  }
0x351: {  	v2 =	vadd.f32 v5, v2;
	v5 =	vld.idx.msk [tilespmem:v11+s1+$0x0], $0xffff  }
0x352: {  	v6 =	vmul.f32 v6, v7;
	v7 =	vld.idx.msk [tilespmem:v11+s10+$0x0], $0xffff;
	v10 =	vor.u32 v10, v1  }
0x353: {  	v11 =	vld [tilespmem:$0x1FEE0]  }
0x354: {  	v2 =	vadd.f32 v6, v2;
	v6 =	vld.idx.msk [tilespmem:v12+s1+$0x0], $0xffff  }
0x355: {  	v3 =	vmul.f32 v8, v3;
	v8 =	vld.idx.msk [tilespmem:v12+s10+$0x0], $0xffff  }
0x356: {  	v12 =	vld [tilespmem:$0x1FEF0]  }
0x357: {  	v2 =	vadd.f32 v3, v2;
	v3 =	vld.idx.msk [tilespmem:v10+s1+$0x0], $0xffff  }
0x358: {  	v11 =	vor.u32 v11, v1;
	v4 =	vmul.f32 v9, v4;
	v9 =	vld.idx.msk [tilespmem:v10+s10+$0x0], $0xffff  }
0x359: {  	v10 =	vld [tilespmem:$0x1FF00];
	_ =	sdelay $0x1  }
0x35a: {  	v12 =	vor.u32 v12, v1;
	_ =	sdelay $0x1  }
0x35b: {  	v2 =	vadd.f32 v4, v2;
	v4 =	vld.idx.msk [tilespmem:v11+s1+$0x0], $0xffff  }
0x35c: {  	v5 =	vmul.f32 v7, v5;
	v7 =	vld.idx.msk [tilespmem:v11+s10+$0x0], $0xffff;
	v10 =	vor.u32 v10, v1  }
0x35d: {  	v11 =	vld [tilespmem:$0x1FF10]  }
0x35e: {  	v2 =	vadd.f32 v5, v2;
	v5 =	vld.idx.msk [tilespmem:v12+s1+$0x0], $0xffff  }
0x35f: {  	v6 =	vmul.f32 v8, v6;
	v8 =	vld.idx.msk [tilespmem:v12+s10+$0x0], $0xffff  }
0x360: {  	v12 =	vld [tilespmem:$0x1FF20]  }
0x361: {  	v2 =	vadd.f32 v6, v2;
	v6 =	vld.idx.msk [tilespmem:v10+s1+$0x0], $0xffff  }
0x362: {  	v11 =	vor.u32 v11, v1;
	v3 =	vmul.f32 v9, v3;
	v9 =	vld.idx.msk [tilespmem:v10+s10+$0x0], $0xffff  }
0x363: {  	v10 =	vld [tilespmem:$0x1FF30];
	_ =	sdelay $0x1  }
0x364: {  	v12 =	vor.u32 v12, v1;
	_ =	sdelay $0x1  }
0x365: {  	v2 =	vadd.f32 v3, v2;
	v3 =	vld.idx.msk [tilespmem:v11+s1+$0x0], $0xffff  }
0x366: {  	v4 =	vmul.f32 v7, v4;
	v7 =	vld.idx.msk [tilespmem:v11+s10+$0x0], $0xffff;
	v10 =	vor.u32 v10, v1  }
0x367: {  	v11 =	vld [tilespmem:$0x1FF40]  }
0x368: {  	v2 =	vadd.f32 v4, v2;
	v4 =	vld.idx.msk [tilespmem:v12+s1+$0x0], $0xffff  }
0x369: {  	v5 =	vmul.f32 v8, v5;
	v8 =	vld.idx.msk [tilespmem:v12+s10+$0x0], $0xffff  }
0x36a: {  	v12 =	vld [tilespmem:$0x1FF50]  }
0x36b: {  	v2 =	vadd.f32 v5, v2;
	v5 =	vld.idx.msk [tilespmem:v10+s1+$0x0], $0xffff  }
0x36c: {  	v11 =	vor.u32 v11, v1;
	v6 =	vmul.f32 v9, v6;
	v9 =	vld.idx.msk [tilespmem:v10+s10+$0x0], $0xffff  }
0x36d: {  	v10 =	vld [tilespmem:$0x1FF60];
	_ =	sdelay $0x1  }
0x36e: {  	v12 =	vor.u32 v12, v1;
	_ =	sdelay $0x1  }
0x36f: {  	v2 =	vadd.f32 v6, v2;
	v6 =	vld.idx.msk [tilespmem:v11+s1+$0x0], $0xffff  }
0x370: {  	v3 =	vmul.f32 v7, v3;
	v7 =	vld.idx.msk [tilespmem:v11+s10+$0x0], $0xffff;
	v10 =	vor.u32 v10, v1  }
0x371: {  	v11 =	vld [tilespmem:$0x1FF70]  }
0x372: {  	v2 =	vadd.f32 v3, v2;
	v3 =	vld.idx.msk [tilespmem:v12+s1+$0x0], $0xffff  }
0x373: {  	v4 =	vmul.f32 v8, v4;
	v8 =	vld.idx.msk [tilespmem:v12+s10+$0x0], $0xffff  }
0x374: {  	v12 =	vld [tilespmem:$0x1FF80]  }
0x375: {  	v2 =	vadd.f32 v4, v2;
	v4 =	vld.idx.msk [tilespmem:v10+s1+$0x0], $0xffff  }
0x376: {  	v11 =	vor.u32 v11, v1;
	v5 =	vmul.f32 v9, v5;
	v9 =	vld.idx.msk [tilespmem:v10+s10+$0x0], $0xffff  }
0x377: {  	v10 =	vld [tilespmem:$0x1FF90];
	_ =	sdelay $0x1  }
0x378: {  	v12 =	vor.u32 v12, v1;
	_ =	sdelay $0x1  }
0x379: {  	v2 =	vadd.f32 v5, v2;
	v5 =	vld.idx.msk [tilespmem:v11+s1+$0x0], $0xffff  }
0x37a: {  	v6 =	vmul.f32 v7, v6;
	v7 =	vld.idx.msk [tilespmem:v11+s10+$0x0], $0xffff;
	v10 =	vor.u32 v10, v1  }
0x37b: {  	v11 =	vld [tilespmem:$0x1FFA0]  }
0x37c: {  	v2 =	vadd.f32 v6, v2;
	v6 =	vld.idx.msk [tilespmem:v12+s1+$0x0], $0xffff  }
0x37d: {  	v3 =	vmul.f32 v8, v3;
	v8 =	vld.idx.msk [tilespmem:v12+s10+$0x0], $0xffff  }
0x37e: {  	v12 =	vld [tilespmem:$0x1FFB0]  }
0x37f: {  	v2 =	vadd.f32 v3, v2;
	v3 =	vld.idx.msk [tilespmem:v10+s1+$0x0], $0xffff  }
0x380: {  	v11 =	vor.u32 v11, v1;
	v4 =	vmul.f32 v9, v4;
	v9 =	vld.idx.msk [tilespmem:v10+s10+$0x0], $0xffff  }
0x381: {  	v10 =	vld [tilespmem:$0x1FFC0];
	_ =	sdelay $0x1  }
0x382: {  	v12 =	vor.u32 v12, v1;
	_ =	sdelay $0x1  }
0x383: {  	v2 =	vadd.f32 v4, v2;
	v4 =	vld.idx.msk [tilespmem:v11+s1+$0x0], $0xffff  }
0x384: {  	v5 =	vmul.f32 v7, v5;
	v7 =	vld.idx.msk [tilespmem:v11+s10+$0x0], $0xffff;
	v10 =	vor.u32 v10, v1  }
0x385: {  	v11 =	vld [tilespmem:$0x1FFD0]  }
0x386: {  	v2 =	vadd.f32 v5, v2;
	v5 =	vld.idx.msk [tilespmem:v12+s1+$0x0], $0xffff  }
0x387: {  	v6 =	vmul.f32 v8, v6;
	v8 =	vld.idx.msk [tilespmem:v12+s10+$0x0], $0xffff  }
0x388: {  	v12 =	vld [tilespmem:$0x1FFE0]  }
0x389: {  	v2 =	vadd.f32 v6, v2;
	v6 =	vld.idx.msk [tilespmem:v10+s1+$0x0], $0xffff  }
0x38a: {  	v3 =	vmul.f32 v9, v3;
	v9 =	vld.idx.msk [tilespmem:v10+s10+$0x0], $0xffff  }
0x38b: {  	v10 =	vld [tilespmem:$0x1FFF0]  }
0x38c: {  	v11 =	vor.u32 v11, v1;
	_ =	sdelay $0x1  }
0x38d: {  	v12 =	vor.u32 v12, v1;
	_ =	sdelay $0x1  }
0x38e: {  	v10 =	vor.u32 v10, v1  }
0x38f: {  	v4 =	vmul.f32 v7, v4;
	v2 =	vadd.f32 v3, v2;
	v3 =	vld.idx.msk [tilespmem:v11+s1+$0x0], $0xffff  }
0x390: {  	v7 =	vld.idx.msk [tilespmem:v11+s10+$0x0], $0xffff;
	v11 =	vor.u32 v39, v1  }
0x391: {  	v5 =	vmul.f32 v8, v5;
	v2 =	vadd.f32 v4, v2;
	v4 =	vld.idx.msk [tilespmem:v12+s1+$0x0], $0xffff  }
0x392: {  	v8 =	vld.idx.msk [tilespmem:v12+s10+$0x0], $0xffff;
	v12 =	vor.u32 v42, v1  }
0x393: {  	v2 =	vadd.f32 v5, v2;
	v6 =	vmul.f32 v9, v6;
	v5 =	vld.idx.msk [tilespmem:v10+s1+$0x0], $0xffff  }
0x394: {  	v9 =	vld.idx.msk [tilespmem:v10+s10+$0x0], $0xffff;
	v10 =	vor.u32 v43, v1  }
0x395: {  	v3 =	vmul.f32 v7, v3;
	v7 =	vld.idx.msk [tilespmem:v11+s10+$0x0], $0xffff;
	v2 =	vadd.f32 v6, v2  }
0x396: {  	v6 =	vld.idx.msk [tilespmem:v11+s1+$0x0], $0xffff;
	v11 =	vor.u32 v51, v1  }
0x397: {  	v4 =	vmul.f32 v8, v4;
	v8 =	vld.idx.msk [tilespmem:v12+s10+$0x0], $0xffff;
	v2 =	vadd.f32 v3, v2  }
0x398: {  	v3 =	vld.idx.msk [tilespmem:v12+s1+$0x0], $0xffff;
	v12 =	vor.u32 v52, v1  }
0x399: {  	v2 =	vadd.f32 v4, v2;
	v4 =	vld.idx.msk [tilespmem:v10+s1+$0x0], $0xffff;
	v5 =	vmul.f32 v9, v5  }
0x39a: {  	v9 =	vld.idx.msk [tilespmem:v10+s10+$0x0], $0xffff;
	v10 =	vor.u32 v37, v1  }
0x39b: {  	v6 =	vmul.f32 v7, v6;
	v7 =	vld.idx.msk [tilespmem:v11+s10+$0x0], $0xffff;
	v2 =	vadd.f32 v5, v2  }
0x39c: {  	v5 =	vld.idx.msk [tilespmem:v11+s1+$0x0], $0xffff;
	v11 =	vor.u32 v38, v1  }
0x39d: {  	v3 =	vmul.f32 v8, v3;
	v8 =	vld.idx.msk [tilespmem:v12+s10+$0x0], $0xffff;
	v2 =	vadd.f32 v6, v2  }
0x39e: {  	v6 =	vld.idx.msk [tilespmem:v12+s1+$0x0], $0xffff;
	v12 =	vor.u32 v40, v1  }
0x39f: {  	v4 =	vmul.f32 v9, v4;
	v9 =	vld.idx.msk [tilespmem:v10+s10+$0x0], $0xffff;
	v2 =	vadd.f32 v3, v2  }
0x3a0: {  	v3 =	vld.idx.msk [tilespmem:v10+s1+$0x0], $0xffff;
	v10 =	vor.u32 v41, v1  }
0x3a1: {  	v5 =	vmul.f32 v7, v5;
	v7 =	vld.idx.msk [tilespmem:v11+s10+$0x0], $0xffff;
	v2 =	vadd.f32 v4, v2  }
0x3a2: {  	v4 =	vld.idx.msk [tilespmem:v11+s1+$0x0], $0xffff;
	v11 =	vor.u32 v47, v1  }
0x3a3: {  	v6 =	vmul.f32 v8, v6;
	v8 =	vld.idx.msk [tilespmem:v12+s10+$0x0], $0xffff;
	v2 =	vadd.f32 v5, v2  }
0x3a4: {  	v5 =	vld.idx.msk [tilespmem:v12+s1+$0x0], $0xffff;
	v12 =	vor.u32 v48, v1  }
0x3a5: {  	v3 =	vmul.f32 v9, v3;
	v9 =	vld.idx.msk [tilespmem:v10+s10+$0x0], $0xffff;
	v2 =	vadd.f32 v6, v2  }
0x3a6: {  	v6 =	vld.idx.msk [tilespmem:v10+s1+$0x0], $0xffff;
	v10 =	vor.u32 v59, v1  }
0x3a7: {  	v4 =	vmul.f32 v7, v4;
	v7 =	vld.idx.msk [tilespmem:v11+s10+$0x0], $0xffff;
	v2 =	vadd.f32 v3, v2  }
0x3a8: {  	v3 =	vld.idx.msk [tilespmem:v11+s1+$0x0], $0xffff;
	v11 =	vor.u32 v61, v1  }
0x3a9: {  	v5 =	vmul.f32 v8, v5;
	v8 =	vld.idx.msk [tilespmem:v12+s10+$0x0], $0xffff;
	v2 =	vadd.f32 v4, v2  }
0x3aa: {  	v4 =	vld.idx.msk [tilespmem:v12+s1+$0x0], $0xffff;
	v12 =	vor.u32 v44, v1  }
0x3ab: {  	v6 =	vmul.f32 v9, v6;
	v9 =	vld.idx.msk [tilespmem:v10+s10+$0x0], $0xffff;
	v2 =	vadd.f32 v5, v2  }
0x3ac: {  	v5 =	vld.idx.msk [tilespmem:v10+s1+$0x0], $0xffff;
	v10 =	vor.u32 v45, v1  }
0x3ad: {  	v3 =	vmul.f32 v7, v3;
	v7 =	vld.idx.msk [tilespmem:v11+s10+$0x0], $0xffff;
	v2 =	vadd.f32 v6, v2  }
0x3ae: {  	v6 =	vld.idx.msk [tilespmem:v11+s1+$0x0], $0xffff;
	v11 =	vor.u32 v62, v1  }
0x3af: {  	v4 =	vmul.f32 v8, v4;
	v8 =	vld.idx.msk [tilespmem:v12+s10+$0x0], $0xffff;
	v2 =	vadd.f32 v3, v2  }
0x3b0: {  	v3 =	vld.idx.msk [tilespmem:v12+s1+$0x0], $0xffff;
	v12 =	vor.u32 v50, v1  }
0x3b1: {  	v5 =	vmul.f32 v9, v5;
	v9 =	vld.idx.msk [tilespmem:v10+s10+$0x0], $0xffff;
	v2 =	vadd.f32 v4, v2  }
0x3b2: {  	v4 =	vld.idx.msk [tilespmem:v10+s1+$0x0], $0xffff;
	v10 =	vor.u32 v63, v1  }
0x3b3: {  	v6 =	vmul.f32 v7, v6;
	v7 =	vld.idx.msk [tilespmem:v11+s10+$0x0], $0xffff;
	v2 =	vadd.f32 v5, v2  }
0x3b4: {  	v5 =	vld.idx.msk [tilespmem:v11+s1+$0x0], $0xffff;
	v11 =	vor.u32 v46, v1  }
0x3b5: {  	v3 =	vmul.f32 v8, v3;
	v8 =	vld.idx.msk [tilespmem:v12+s10+$0x0], $0xffff;
	v2 =	vadd.f32 v6, v2  }
0x3b6: {  	v6 =	vld.idx.msk [tilespmem:v12+s1+$0x0], $0xffff;
	v12 =	vor.u32 v49, v1  }
0x3b7: {  	v4 =	vmul.f32 v9, v4;
	v9 =	vld.idx.msk [tilespmem:v10+s10+$0x0], $0xffff;
	v2 =	vadd.f32 v3, v2  }
0x3b8: {  	v3 =	vld.idx.msk [tilespmem:v10+s1+$0x0], $0xffff;
	v10 =	vor.u32 v60, v1  }
0x3b9: {  	v5 =	vmul.f32 v7, v5;
	v7 =	vld.idx.msk [tilespmem:v11+s10+$0x0], $0xffff;
	v2 =	vadd.f32 v4, v2  }
0x3ba: {  	v4 =	vld.idx.msk [tilespmem:v11+s1+$0x0], $0xffff;
	v11 =	vor.u32 v53, v1  }
0x3bb: {  	v6 =	vmul.f32 v8, v6;
	v8 =	vld.idx.msk [tilespmem:v12+s10+$0x0], $0xffff;
	v2 =	vadd.f32 v5, v2  }
0x3bc: {  	v5 =	vld.idx.msk [tilespmem:v12+s1+$0x0], $0xffff;
	v12 =	vor.u32 v54, v1  }
0x3bd: {  	v3 =	vmul.f32 v9, v3;
	v9 =	vld.idx.msk [tilespmem:v10+s10+$0x0], $0xffff;
	v2 =	vadd.f32 v6, v2  }
0x3be: {  	v6 =	vld.idx.msk [tilespmem:v10+s1+$0x0], $0xffff;
	v10 =	vor.u32 v0, v1  }
0x3bf: {  	v4 =	vmul.f32 v7, v4;
	v7 =	vld.idx.msk [tilespmem:v11+s10+$0x0], $0xffff;
	v2 =	vadd.f32 v3, v2  }
0x3c0: {  	v3 =	vld.idx.msk [tilespmem:v11+s1+$0x0], $0xffff;
	v11 =	vor.u32 v55, v1  }
0x3c1: {  	v5 =	vmul.f32 v8, v5;
	v8 =	vld.idx.msk [tilespmem:v12+s10+$0x0], $0xffff;
	v2 =	vadd.f32 v4, v2  }
0x3c2: {  	v4 =	vld.idx.msk [tilespmem:v12+s1+$0x0], $0xffff;
	v12 =	vor.u32 v56, v1  }
0x3c3: {  	v6 =	vmul.f32 v9, v6;
	v9 =	vld.idx.msk [tilespmem:v10+s10+$0x0], $0xffff;
	v2 =	vadd.f32 v5, v2  }
0x3c4: {  	v5 =	vld.idx.msk [tilespmem:v10+s1+$0x0], $0xffff;
	v10 =	vor.u32 v57, v1  }
0x3c5: {  	v3 =	vmul.f32 v7, v3;
	v7 =	vld.idx.msk [tilespmem:v11+s10+$0x0], $0xffff;
	v2 =	vadd.f32 v6, v2  }
0x3c6: {  	v6 =	vld.idx.msk [tilespmem:v11+s1+$0x0], $0xffff  }
0x3c7: {  	v2 =	vadd.f32 v3, v2;
	v3 =	vmul.f32 v8, v4;
	v4 =	vld.idx.msk [tilespmem:v12+s1+$0x0], $0xffff  }
0x3c8: {  	v8 =	vld.idx.msk [tilespmem:v12+s10+$0x0], $0xffff  }
0x3c9: {  	v1 =	vor.u32 v58, v1;
	v2 =	vadd.f32 v3, v2;
	v3 =	vmul.f32 v9, v5;
	v5 =	vld.idx.msk [tilespmem:v10+s1+$0x0], $0xffff  }
0x3ca: {  	v9 =	vld.idx.msk [tilespmem:v10+s10+$0x0], $0xffff  }
0x3cb: {  	v2 =	vadd.f32 v3, v2;
	v3 =	vmul.f32 v7, v6;
	_ =	sdelay $0x1  }
0x3cc: {  	s14 =	simm.s32 $0x10;
	v4 =	vmul.f32 v8, v4;
	v3 =	vadd.f32 v3, v2  }
0x3cd: {  	v6 =	vmov s14;
	v2 =	vld.idx.msk [tilespmem:v1+s1+$0x0], $0xffff  }
0x3ce: {  	s15 =	simm.s32 $0x20;
	v5 =	vmul.f32 v9, v5;
	v4 =	vadd.f32 v4, v3;
	v3 =	vld.idx.msk [tilespmem:v1+s10+$0x0], $0xffff;
	v1 =	vshll.u32 v6, $0x7  }
.LBB2_4:
0x3cf: {  	v6 =	vld [tilespmem:$0x1FCD0];
	_ =	sdelay $0x4  }
0x3d0: {  	v1 =	vor.u32 v6, v1;
	v6 =	vlaneseq.u32  }
0x3d1: {  	v4 =	vadd.f32 v5, v4;
	v2 =	vmul.f32 v3, v2;
	v6 =	vor.u32 v6, v1;
	_ =	sdelay $0x1  }
0x3d2: {  	v2 =	vadd.f32 v2, v4  }
0x3d3: {  	s16 =	sand.u32 $0xF0, s13  }
0x3d4: {  	v3 =	vld [tilespmem:$0x1FCE0];
	[tilespmem:s16+$0x10100] =	vst v2  }
0x3d5: {  	v2 =	vld.idx.msk [tilespmem:v6+s10+$0x0], $0xffff  }
0x3d6: {  	v5 =	vld.idx.msk [tilespmem:v6+s1+$0x0], $0xffff  }
0x3d7: {  	v6 =	vld [tilespmem:$0x1FD00];
	_ =	sdelay $0x2  }
0x3d8: {  	v3 =	vor.u32 v3, v1  }
0x3d9: {  	v4 =	vld [tilespmem:$0x1FCF0]  }
0x3da: {  	v6 =	vor.u32 v6, v1  }
0x3db: {  	v8 =	vld [tilespmem:$0x1FD10]  }
0x3dc: {  	v10 =	vld [tilespmem:$0x1FD20]  }
0x3dd: {  	v7 =	vld.idx.msk [tilespmem:v3+s1+$0x0], $0xffff  }
0x3de: {  	v4 =	vor.u32 v4, v1;
	v3 =	vld.idx.msk [tilespmem:v3+s10+$0x0], $0xffff  }
0x3df: {  	v11 =	vld.idx.msk [tilespmem:v6+s1+$0x0], $0xffff  }
0x3e0: {  	v8 =	vor.u32 v8, v1;
	v2 =	vmul.f32 v2, v5;
	v5 =	vld.idx.msk [tilespmem:v6+s10+$0x0], $0xffff  }
0x3e1: {  	v6 =	vld [tilespmem:$0x1FD30];
	_ =	sdelay $0x1  }
0x3e2: {  	v10 =	vor.u32 v10, v1;
	v9 =	vld.idx.msk [tilespmem:v4+s1+$0x0], $0xffff  }
0x3e3: {  	v4 =	vld.idx.msk [tilespmem:v4+s10+$0x0], $0xffff  }
0x3e4: {  	v12 =	vld.idx.msk [tilespmem:v8+s1+$0x0], $0xffff  }
0x3e5: {  	v3 =	vmul.f32 v3, v7;
	v7 =	vld.idx.msk [tilespmem:v8+s10+$0x0], $0xffff;
	v6 =	vor.u32 v6, v1  }
0x3e6: {  	v2 =	vadd.f32 $0.0e+00, v2;
	v8 =	vld [tilespmem:$0x1FD40]  }
0x3e7: {  	v13 =	vld.idx.msk [tilespmem:v10+s1+$0x0], $0xffff  }
0x3e8: {  	v2 =	vadd.f32 v3, v2;
	v3 =	vmul.f32 v4, v9;
	v4 =	vld.idx.msk [tilespmem:v10+s10+$0x0], $0xffff  }
0x3e9: {  	v9 =	vld [tilespmem:$0x1FD50]  }
0x3ea: {  	v10 =	vld.idx.msk [tilespmem:v6+s1+$0x0], $0xffff  }
0x3eb: {  	v2 =	vadd.f32 v3, v2;
	v8 =	vor.u32 v8, v1;
	v3 =	vmul.f32 v5, v11;
	v5 =	vld.idx.msk [tilespmem:v6+s10+$0x0], $0xffff  }
0x3ec: {  	v6 =	vld [tilespmem:$0x1FD60];
	_ =	sdelay $0x1  }
0x3ed: {  	v9 =	vor.u32 v9, v1;
	_ =	sdelay $0x1  }
0x3ee: {  	v11 =	vld.idx.msk [tilespmem:v8+s1+$0x0], $0xffff  }
0x3ef: {  	v2 =	vadd.f32 v3, v2;
	v3 =	vmul.f32 v7, v12;
	v7 =	vld.idx.msk [tilespmem:v8+s10+$0x0], $0xffff;
	v6 =	vor.u32 v6, v1  }
0x3f0: {  	v8 =	vld [tilespmem:$0x1FD70]  }
0x3f1: {  	v12 =	vld.idx.msk [tilespmem:v9+s1+$0x0], $0xffff  }
0x3f2: {  	v2 =	vadd.f32 v3, v2;
	v3 =	vmul.f32 v4, v13;
	v4 =	vld.idx.msk [tilespmem:v9+s10+$0x0], $0xffff  }
0x3f3: {  	v9 =	vld [tilespmem:$0x1FD80]  }
0x3f4: {  	v13 =	vld.idx.msk [tilespmem:v6+s1+$0x0], $0xffff  }
0x3f5: {  	v2 =	vadd.f32 v3, v2;
	v3 =	vmul.f32 v5, v10;
	v5 =	vld.idx.msk [tilespmem:v6+s10+$0x0], $0xffff  }
0x3f6: {  	v6 =	vld [tilespmem:$0x1FD90]  }
0x3f7: {  	v8 =	vor.u32 v8, v1;
	_ =	sdelay $0x1  }
0x3f8: {  	v9 =	vor.u32 v9, v1;
	_ =	sdelay $0x1  }
0x3f9: {  	v6 =	vor.u32 v6, v1  }
0x3fa: {  	v10 =	vld.idx.msk [tilespmem:v8+s1+$0x0], $0xffff;
	v2 =	vadd.f32 v3, v2;
	v3 =	vmul.f32 v7, v11  }
0x3fb: {  	v7 =	vld.idx.msk [tilespmem:v8+s10+$0x0], $0xffff;
	v8 =	vor.u32 v14, v1  }
0x3fc: {  	v11 =	vld.idx.msk [tilespmem:v9+s1+$0x0], $0xffff;
	v2 =	vadd.f32 v3, v2;
	v3 =	vmul.f32 v4, v12  }
0x3fd: {  	v4 =	vld.idx.msk [tilespmem:v9+s10+$0x0], $0xffff;
	v9 =	vor.u32 v27, v1  }
0x3fe: {  	v2 =	vadd.f32 v3, v2;
	v3 =	vmul.f32 v5, v13;
	v12 =	vld.idx.msk [tilespmem:v6+s1+$0x0], $0xffff  }
0x3ff: {  	v5 =	vld.idx.msk [tilespmem:v6+s10+$0x0], $0xffff;
	v6 =	vor.u32 v15, v1  }
0x400: {  	v13 =	vld.idx.msk [tilespmem:v8+s1+$0x0], $0xffff;
	v2 =	vadd.f32 v3, v2;
	v3 =	vmul.f32 v7, v10  }
0x401: {  	v7 =	vld.idx.msk [tilespmem:v8+s10+$0x0], $0xffff;
	v8 =	vor.u32 v28, v1  }
0x402: {  	v10 =	vld.idx.msk [tilespmem:v9+s1+$0x0], $0xffff;
	v2 =	vadd.f32 v3, v2;
	v3 =	vmul.f32 v4, v11  }
0x403: {  	v4 =	vld.idx.msk [tilespmem:v9+s10+$0x0], $0xffff;
	v9 =	vor.u32 v16, v1  }
0x404: {  	v2 =	vadd.f32 v3, v2;
	v11 =	vld.idx.msk [tilespmem:v6+s1+$0x0], $0xffff;
	v3 =	vmul.f32 v5, v12  }
0x405: {  	v5 =	vld.idx.msk [tilespmem:v6+s10+$0x0], $0xffff;
	v6 =	vor.u32 v29, v1  }
0x406: {  	v12 =	vld.idx.msk [tilespmem:v8+s1+$0x0], $0xffff;
	v2 =	vadd.f32 v3, v2;
	v3 =	vmul.f32 v7, v13  }
0x407: {  	v7 =	vld.idx.msk [tilespmem:v8+s10+$0x0], $0xffff;
	v8 =	vor.u32 v17, v1  }
0x408: {  	v13 =	vld.idx.msk [tilespmem:v9+s1+$0x0], $0xffff;
	v2 =	vadd.f32 v3, v2;
	v3 =	vmul.f32 v4, v10  }
0x409: {  	v4 =	vld.idx.msk [tilespmem:v9+s10+$0x0], $0xffff;
	v9 =	vor.u32 v30, v1  }
0x40a: {  	v10 =	vld.idx.msk [tilespmem:v6+s1+$0x0], $0xffff;
	v2 =	vadd.f32 v3, v2;
	v3 =	vmul.f32 v5, v11  }
0x40b: {  	v5 =	vld.idx.msk [tilespmem:v6+s10+$0x0], $0xffff;
	v6 =	vor.u32 v18, v1  }
0x40c: {  	v11 =	vld.idx.msk [tilespmem:v8+s1+$0x0], $0xffff;
	v2 =	vadd.f32 v3, v2;
	v3 =	vmul.f32 v7, v12  }
0x40d: {  	v7 =	vld.idx.msk [tilespmem:v8+s10+$0x0], $0xffff;
	v8 =	vor.u32 v31, v1  }
0x40e: {  	v12 =	vld.idx.msk [tilespmem:v9+s1+$0x0], $0xffff;
	v2 =	vadd.f32 v3, v2;
	v3 =	vmul.f32 v4, v13  }
0x40f: {  	v4 =	vld.idx.msk [tilespmem:v9+s10+$0x0], $0xffff;
	v9 =	vor.u32 v19, v1  }
0x410: {  	v13 =	vld.idx.msk [tilespmem:v6+s1+$0x0], $0xffff;
	v2 =	vadd.f32 v3, v2;
	v3 =	vmul.f32 v5, v10  }
0x411: {  	v5 =	vld.idx.msk [tilespmem:v6+s10+$0x0], $0xffff;
	v6 =	vor.u32 v32, v1  }
0x412: {  	v10 =	vld.idx.msk [tilespmem:v8+s1+$0x0], $0xffff;
	v2 =	vadd.f32 v3, v2;
	v3 =	vmul.f32 v7, v11  }
0x413: {  	v7 =	vld.idx.msk [tilespmem:v8+s10+$0x0], $0xffff;
	v8 =	vor.u32 v20, v1  }
0x414: {  	v11 =	vld.idx.msk [tilespmem:v9+s1+$0x0], $0xffff;
	v2 =	vadd.f32 v3, v2;
	v3 =	vmul.f32 v4, v12  }
0x415: {  	v4 =	vld.idx.msk [tilespmem:v9+s10+$0x0], $0xffff;
	v9 =	vor.u32 v33, v1  }
0x416: {  	v12 =	vld.idx.msk [tilespmem:v6+s1+$0x0], $0xffff;
	v2 =	vadd.f32 v3, v2;
	v3 =	vmul.f32 v5, v13  }
0x417: {  	v5 =	vld.idx.msk [tilespmem:v6+s10+$0x0], $0xffff;
	v6 =	vor.u32 v21, v1  }
0x418: {  	v13 =	vld.idx.msk [tilespmem:v8+s1+$0x0], $0xffff;
	v2 =	vadd.f32 v3, v2;
	v3 =	vmul.f32 v7, v10  }
0x419: {  	v7 =	vld.idx.msk [tilespmem:v8+s10+$0x0], $0xffff;
	v8 =	vor.u32 v34, v1  }
0x41a: {  	v10 =	vld.idx.msk [tilespmem:v9+s1+$0x0], $0xffff;
	v2 =	vadd.f32 v3, v2;
	v3 =	vmul.f32 v4, v11  }
0x41b: {  	v4 =	vld.idx.msk [tilespmem:v9+s10+$0x0], $0xffff;
	v9 =	vor.u32 v22, v1  }
0x41c: {  	v11 =	vld.idx.msk [tilespmem:v6+s1+$0x0], $0xffff;
	v2 =	vadd.f32 v3, v2;
	v3 =	vmul.f32 v5, v12  }
0x41d: {  	v5 =	vld.idx.msk [tilespmem:v6+s10+$0x0], $0xffff;
	v6 =	vor.u32 v23, v1  }
0x41e: {  	v12 =	vld.idx.msk [tilespmem:v8+s1+$0x0], $0xffff;
	v2 =	vadd.f32 v3, v2;
	v3 =	vmul.f32 v7, v13  }
0x41f: {  	v7 =	vld.idx.msk [tilespmem:v8+s10+$0x0], $0xffff;
	v8 =	vor.u32 v24, v1  }
0x420: {  	v13 =	vld.idx.msk [tilespmem:v9+s1+$0x0], $0xffff;
	v2 =	vadd.f32 v3, v2;
	v3 =	vmul.f32 v4, v10  }
0x421: {  	v4 =	vld.idx.msk [tilespmem:v9+s10+$0x0], $0xffff;
	v9 =	vor.u32 v35, v1  }
0x422: {  	v10 =	vld.idx.msk [tilespmem:v6+s1+$0x0], $0xffff;
	v2 =	vadd.f32 v3, v2;
	v3 =	vmul.f32 v5, v11  }
0x423: {  	v5 =	vld.idx.msk [tilespmem:v6+s10+$0x0], $0xffff;
	v6 =	vor.u32 v25, v1  }
0x424: {  	v11 =	vld.idx.msk [tilespmem:v8+s1+$0x0], $0xffff;
	v2 =	vadd.f32 v3, v2;
	v3 =	vmul.f32 v7, v12  }
0x425: {  	v7 =	vld.idx.msk [tilespmem:v8+s10+$0x0], $0xffff;
	v8 =	vor.u32 v36, v1  }
0x426: {  	v12 =	vld.idx.msk [tilespmem:v9+s1+$0x0], $0xffff;
	v2 =	vadd.f32 v3, v2;
	v3 =	vmul.f32 v4, v13  }
0x427: {  	v4 =	vld.idx.msk [tilespmem:v9+s10+$0x0], $0xffff;
	v9 =	vor.u32 v26, v1  }
0x428: {  	v13 =	vld.idx.msk [tilespmem:v6+s1+$0x0], $0xffff;
	v2 =	vadd.f32 v3, v2;
	v3 =	vmul.f32 v5, v10  }
0x429: {  	v5 =	vld.idx.msk [tilespmem:v6+s10+$0x0], $0xffff;
	v6 =	vor.u32 v39, v1  }
0x42a: {  	v10 =	vld.idx.msk [tilespmem:v8+s1+$0x0], $0xffff;
	v2 =	vadd.f32 v3, v2;
	v3 =	vmul.f32 v7, v11  }
0x42b: {  	v7 =	vld.idx.msk [tilespmem:v8+s10+$0x0], $0xffff;
	v8 =	vor.u32 v42, v1  }
0x42c: {  	v11 =	vld.idx.msk [tilespmem:v9+s1+$0x0], $0xffff;
	v2 =	vadd.f32 v3, v2;
	v3 =	vmul.f32 v4, v12  }
0x42d: {  	v4 =	vld.idx.msk [tilespmem:v9+s10+$0x0], $0xffff;
	v9 =	vor.u32 v43, v1  }
0x42e: {  	v12 =	vld.idx.msk [tilespmem:v6+s1+$0x0], $0xffff;
	v2 =	vadd.f32 v3, v2;
	v3 =	vmul.f32 v5, v13  }
0x42f: {  	v5 =	vld.idx.msk [tilespmem:v6+s10+$0x0], $0xffff;
	v6 =	vor.u32 v51, v1  }
0x430: {  	v13 =	vld.idx.msk [tilespmem:v8+s1+$0x0], $0xffff;
	v2 =	vadd.f32 v3, v2;
	v3 =	vmul.f32 v7, v10  }
0x431: {  	v7 =	vld.idx.msk [tilespmem:v8+s10+$0x0], $0xffff;
	v8 =	vor.u32 v52, v1  }
0x432: {  	v10 =	vld.idx.msk [tilespmem:v9+s1+$0x0], $0xffff;
	v2 =	vadd.f32 v3, v2;
	v3 =	vmul.f32 v4, v11  }
0x433: {  	v4 =	vld.idx.msk [tilespmem:v9+s10+$0x0], $0xffff;
	v9 =	vor.u32 v37, v1  }
0x434: {  	v11 =	vld.idx.msk [tilespmem:v6+s1+$0x0], $0xffff;
	v2 =	vadd.f32 v3, v2;
	v3 =	vmul.f32 v5, v12  }
0x435: {  	v5 =	vld.idx.msk [tilespmem:v6+s10+$0x0], $0xffff;
	v6 =	vor.u32 v38, v1  }
0x436: {  	v12 =	vld.idx.msk [tilespmem:v8+s1+$0x0], $0xffff;
	v2 =	vadd.f32 v3, v2;
	v3 =	vmul.f32 v7, v13  }
0x437: {  	v7 =	vld.idx.msk [tilespmem:v8+s10+$0x0], $0xffff;
	v8 =	vor.u32 v40, v1  }
0x438: {  	v13 =	vld.idx.msk [tilespmem:v9+s1+$0x0], $0xffff;
	v2 =	vadd.f32 v3, v2;
	v3 =	vmul.f32 v4, v10  }
0x439: {  	v4 =	vld.idx.msk [tilespmem:v9+s10+$0x0], $0xffff;
	v9 =	vor.u32 v41, v1  }
0x43a: {  	v10 =	vld.idx.msk [tilespmem:v6+s1+$0x0], $0xffff;
	v2 =	vadd.f32 v3, v2;
	v3 =	vmul.f32 v5, v11  }
0x43b: {  	v5 =	vld.idx.msk [tilespmem:v6+s10+$0x0], $0xffff;
	v6 =	vor.u32 v47, v1  }
0x43c: {  	v11 =	vld.idx.msk [tilespmem:v8+s1+$0x0], $0xffff;
	v2 =	vadd.f32 v3, v2;
	v3 =	vmul.f32 v7, v12  }
0x43d: {  	v7 =	vld.idx.msk [tilespmem:v8+s10+$0x0], $0xffff;
	v8 =	vor.u32 v48, v1  }
0x43e: {  	v12 =	vld.idx.msk [tilespmem:v9+s1+$0x0], $0xffff;
	v2 =	vadd.f32 v3, v2;
	v3 =	vmul.f32 v4, v13  }
0x43f: {  	v4 =	vld.idx.msk [tilespmem:v9+s10+$0x0], $0xffff;
	v9 =	vor.u32 v59, v1  }
0x440: {  	v13 =	vld.idx.msk [tilespmem:v6+s1+$0x0], $0xffff;
	v2 =	vadd.f32 v3, v2;
	v3 =	vmul.f32 v5, v10  }
0x441: {  	v5 =	vld.idx.msk [tilespmem:v6+s10+$0x0], $0xffff;
	v6 =	vor.u32 v61, v1  }
0x442: {  	v10 =	vld.idx.msk [tilespmem:v8+s1+$0x0], $0xffff;
	v2 =	vadd.f32 v3, v2;
	v3 =	vmul.f32 v7, v11  }
0x443: {  	v7 =	vld.idx.msk [tilespmem:v8+s10+$0x0], $0xffff;
	v8 =	vor.u32 v44, v1  }
0x444: {  	v11 =	vld.idx.msk [tilespmem:v9+s1+$0x0], $0xffff;
	v2 =	vadd.f32 v3, v2;
	v3 =	vmul.f32 v4, v12  }
0x445: {  	v4 =	vld.idx.msk [tilespmem:v9+s10+$0x0], $0xffff;
	v9 =	vor.u32 v45, v1  }
0x446: {  	v12 =	vld.idx.msk [tilespmem:v6+s1+$0x0], $0xffff;
	v2 =	vadd.f32 v3, v2;
	v3 =	vmul.f32 v5, v13  }
0x447: {  	v5 =	vld.idx.msk [tilespmem:v6+s10+$0x0], $0xffff;
	v6 =	vor.u32 v62, v1  }
0x448: {  	v13 =	vld.idx.msk [tilespmem:v8+s1+$0x0], $0xffff;
	v2 =	vadd.f32 v3, v2;
	v3 =	vmul.f32 v7, v10  }
0x449: {  	v7 =	vld.idx.msk [tilespmem:v8+s10+$0x0], $0xffff;
	v8 =	vor.u32 v50, v1  }
0x44a: {  	v10 =	vld.idx.msk [tilespmem:v9+s1+$0x0], $0xffff;
	v2 =	vadd.f32 v3, v2;
	v3 =	vmul.f32 v4, v11  }
0x44b: {  	v4 =	vld.idx.msk [tilespmem:v9+s10+$0x0], $0xffff;
	v9 =	vor.u32 v63, v1  }
0x44c: {  	v11 =	vld.idx.msk [tilespmem:v6+s1+$0x0], $0xffff;
	v2 =	vadd.f32 v3, v2;
	v3 =	vmul.f32 v5, v12  }
0x44d: {  	v5 =	vld.idx.msk [tilespmem:v6+s10+$0x0], $0xffff;
	v6 =	vor.u32 v46, v1  }
0x44e: {  	v12 =	vld.idx.msk [tilespmem:v8+s1+$0x0], $0xffff;
	v2 =	vadd.f32 v3, v2;
	v3 =	vmul.f32 v7, v13  }
0x44f: {  	v7 =	vld.idx.msk [tilespmem:v8+s10+$0x0], $0xffff;
	v8 =	vor.u32 v49, v1  }
0x450: {  	v13 =	vld.idx.msk [tilespmem:v9+s1+$0x0], $0xffff;
	v2 =	vadd.f32 v3, v2;
	v3 =	vmul.f32 v4, v10  }
0x451: {  	v4 =	vld.idx.msk [tilespmem:v9+s10+$0x0], $0xffff;
	v9 =	vor.u32 v60, v1  }
0x452: {  	v10 =	vld.idx.msk [tilespmem:v6+s1+$0x0], $0xffff;
	v2 =	vadd.f32 v3, v2;
	v3 =	vmul.f32 v5, v11  }
0x453: {  	v5 =	vld.idx.msk [tilespmem:v6+s10+$0x0], $0xffff;
	v6 =	vor.u32 v53, v1  }
0x454: {  	v11 =	vld.idx.msk [tilespmem:v8+s1+$0x0], $0xffff;
	v2 =	vadd.f32 v3, v2;
	v3 =	vmul.f32 v7, v12  }
0x455: {  	v7 =	vld.idx.msk [tilespmem:v8+s10+$0x0], $0xffff;
	v8 =	vor.u32 v54, v1  }
0x456: {  	v12 =	vld.idx.msk [tilespmem:v9+s1+$0x0], $0xffff;
	v2 =	vadd.f32 v3, v2;
	v3 =	vmul.f32 v4, v13  }
0x457: {  	v4 =	vld.idx.msk [tilespmem:v9+s10+$0x0], $0xffff;
	v9 =	vor.u32 v0, v1  }
0x458: {  	v13 =	vld.idx.msk [tilespmem:v6+s1+$0x0], $0xffff;
	v2 =	vadd.f32 v3, v2;
	v3 =	vmul.f32 v5, v10  }
0x459: {  	v5 =	vld.idx.msk [tilespmem:v6+s10+$0x0], $0xffff;
	v6 =	vor.u32 v55, v1  }
0x45a: {  	v10 =	vld.idx.msk [tilespmem:v8+s1+$0x0], $0xffff;
	v2 =	vadd.f32 v3, v2;
	v3 =	vmul.f32 v7, v11  }
0x45b: {  	v7 =	vld.idx.msk [tilespmem:v8+s10+$0x0], $0xffff;
	v8 =	vor.u32 v56, v1  }
0x45c: {  	v11 =	vld.idx.msk [tilespmem:v9+s1+$0x0], $0xffff;
	v2 =	vadd.f32 v3, v2;
	v3 =	vmul.f32 v4, v12  }
0x45d: {  	v4 =	vld.idx.msk [tilespmem:v9+s10+$0x0], $0xffff;
	v9 =	vor.u32 v57, v1  }
0x45e: {  	v12 =	vld.idx.msk [tilespmem:v6+s1+$0x0], $0xffff;
	v2 =	vadd.f32 v3, v2;
	v3 =	vmul.f32 v5, v13  }
0x45f: {  	v5 =	vld.idx.msk [tilespmem:v6+s10+$0x0], $0xffff  }
0x460: {  	v6 =	vld.idx.msk [tilespmem:v8+s1+$0x0], $0xffff;
	v2 =	vadd.f32 v3, v2;
	v3 =	vmul.f32 v7, v10  }
0x461: {  	v1 =	vor.u32 v58, v1;
	v7 =	vld.idx.msk [tilespmem:v8+s10+$0x0], $0xffff  }
0x462: {  	v8 =	vld.idx.msk [tilespmem:v9+s1+$0x0], $0xffff;
	v4 =	vmul.f32 v4, v11;
	v3 =	vadd.f32 v3, v2  }
0x463: {  	p0 =	sne.s32 s15, $0xF0;
	v9 =	vld.idx.msk [tilespmem:v9+s10+$0x0], $0xffff  }
.Ltmp1:
0x464: {  	v5 =	vmul.f32 v5, v12;
	v4 =	vadd.f32 v4, v3;
	(pc) =	sbr.rel @p0 .LBB2_4-.Ltmp1, $4  }
0x465: {  	_ = 	snop  }
0x466: {  	v2 =	vld.idx.msk [tilespmem:v1+s1+$0x0], $0xffff;
	v4 =	vadd.f32 v5, v4;
	v5 =	vmul.f32 v7, v6  }
0x467: {  	v3 =	vld.idx.msk [tilespmem:v1+s10+$0x0], $0xffff;
	v1 =	vmov s15  }
0x468: {  	s13 =	smov.u32 s14;
	s14 =	smov.u32 s15;
	s15 =	sadd.s32 $0x10, s15;
	v1 =	vshll.u32 v1, $0x7;
	v4 =	vadd.f32 v5, v4;
	v5 =	vmul.f32 v9, v8  }
0x469: {  	v6 =	vld [tilespmem:$0x1FCD0];
	_ =	sdelay $0x2  }
0x46a: {  	v9 =	vld [tilespmem:$0x1FCE0];
	_ =	sdelay $0x1  }
0x46b: {  	v11 =	vlaneseq.u32;
	v10 =	vld [tilespmem:$0x1FCF0];
	v1 =	vor.u32 v6, v1  }
0x46c: {  	v4 =	vadd.f32 v5, v4;
	v2 =	vmul.f32 v3, v2;
	v6 =	vor.u32 v11, v1  }
0x46d: {  	v8 =	vld [tilespmem:$0x1FD10]  }
0x46e: {  	v2 =	vadd.f32 v2, v4;
	v3 =	vor.u32 v9, v1;
	v11 =	vld [tilespmem:$0x1FD00]  }
0x46f: {  	s13 =	sand.u32 $0xF0, s13  }
0x470: {  	v4 =	vor.u32 v10, v1;
	v10 =	vld [tilespmem:$0x1FD20];
	[tilespmem:s13+$0x10100] =	vst v2  }
0x471: {  	v2 =	vld.idx.msk [tilespmem:v6+s10+$0x0], $0xffff  }
0x472: {  	v8 =	vor.u32 v8, v1;
	v5 =	vld.idx.msk [tilespmem:v6+s1+$0x0], $0xffff  }
0x473: {  	v6 =	vor.u32 v11, v1;
	v7 =	vld.idx.msk [tilespmem:v3+s1+$0x0], $0xffff  }
0x474: {  	v3 =	vld.idx.msk [tilespmem:v3+s10+$0x0], $0xffff  }
0x475: {  	v9 =	vld.idx.msk [tilespmem:v4+s1+$0x0], $0xffff  }
0x476: {  	v4 =	vld.idx.msk [tilespmem:v4+s10+$0x0], $0xffff  }
0x477: {  	v12 =	vld.idx.msk [tilespmem:v8+s1+$0x0], $0xffff  }
0x478: {  	v10 =	vor.u32 v10, v1;
	v11 =	vld.idx.msk [tilespmem:v6+s1+$0x0], $0xffff  }
0x479: {  	v2 =	vmul.f32 v2, v5;
	v5 =	vld.idx.msk [tilespmem:v6+s10+$0x0], $0xffff  }
0x47a: {  	v6 =	vld [tilespmem:$0x1FD30]  }
0x47b: {  	v3 =	vmul.f32 v3, v7;
	v7 =	vld.idx.msk [tilespmem:v8+s10+$0x0], $0xffff  }
0x47c: {  	v8 =	vld [tilespmem:$0x1FD40];
	v2 =	vadd.f32 $0.0e+00, v2  }
0x47d: {  	v4 =	vmul.f32 v4, v9;
	v9 =	vld.idx.msk [tilespmem:v10+s10+$0x0], $0xffff  }
0x47e: {  	v2 =	vadd.f32 v3, v2;
	v3 =	vld.idx.msk [tilespmem:v10+s1+$0x0], $0xffff  }
0x47f: {  	v10 =	vld [tilespmem:$0x1FD50];
	_ =	sdelay $0x1  }
0x480: {  	v6 =	vor.u32 v6, v1  }
0x481: {  	v5 =	vmul.f32 v5, v11;
	v11 =	vld [tilespmem:$0x1FD60]  }
0x482: {  	v8 =	vor.u32 v8, v1  }
0x483: {  	v10 =	vor.u32 v10, v1  }
0x484: {  	v7 =	vmul.f32 v7, v12;
	v12 =	vld [tilespmem:$0x1FD70];
	v2 =	vadd.f32 v4, v2  }
0x485: {  	v4 =	vld.idx.msk [tilespmem:v6+s1+$0x0], $0xffff  }
0x486: {  	v2 =	vadd.f32 v5, v2;
	v6 =	vld.idx.msk [tilespmem:v6+s10+$0x0], $0xffff;
	v11 =	vor.u32 v11, v1  }
0x487: {  	v5 =	vld.idx.msk [tilespmem:v8+s1+$0x0], $0xffff  }
0x488: {  	v2 =	vadd.f32 v7, v2;
	v7 =	vld.idx.msk [tilespmem:v10+s1+$0x0], $0xffff  }
0x489: {  	v3 =	vmul.f32 v9, v3;
	v9 =	vld.idx.msk [tilespmem:v10+s10+$0x0], $0xffff  }
0x48a: {  	v10 =	vld [tilespmem:$0x1FD80]  }
0x48b: {  	v2 =	vadd.f32 v3, v2;
	v3 =	vld.idx.msk [tilespmem:v11+s1+$0x0], $0xffff  }
0x48c: {  	v4 =	vmul.f32 v6, v4;
	v6 =	vld.idx.msk [tilespmem:v11+s10+$0x0], $0xffff  }
0x48d: {  	v11 =	vld [tilespmem:$0x1FD90]  }
0x48e: {  	v8 =	vld.idx.msk [tilespmem:v8+s10+$0x0], $0xffff;
	v12 =	vor.u32 v12, v1;
	_ =	sdelay $0x1  }
0x48f: {  	v10 =	vor.u32 v10, v1;
	_ =	sdelay $0x1  }
0x490: {  	v11 =	vor.u32 v11, v1  }
0x491: {  	v5 =	vmul.f32 v8, v5;
	v8 =	vld.idx.msk [tilespmem:v12+s10+$0x0], $0xffff;
	v2 =	vadd.f32 v4, v2  }
0x492: {  	v4 =	vld.idx.msk [tilespmem:v12+s1+$0x0], $0xffff;
	v12 =	vor.u32 v14, v1  }
0x493: {  	v2 =	vadd.f32 v5, v2;
	v7 =	vmul.f32 v9, v7;
	v5 =	vld.idx.msk [tilespmem:v10+s1+$0x0], $0xffff  }
0x494: {  	v9 =	vld.idx.msk [tilespmem:v10+s10+$0x0], $0xffff;
	v10 =	vor.u32 v27, v1  }
0x495: {  	v3 =	vmul.f32 v6, v3;
	v2 =	vadd.f32 v7, v2;
	v7 =	vld.idx.msk [tilespmem:v11+s1+$0x0], $0xffff  }
0x496: {  	v6 =	vld.idx.msk [tilespmem:v11+s10+$0x0], $0xffff;
	v11 =	vor.u32 v15, v1  }
0x497: {  	v4 =	vmul.f32 v8, v4;
	v8 =	vld.idx.msk [tilespmem:v12+s10+$0x0], $0xffff;
	v2 =	vadd.f32 v3, v2  }
0x498: {  	v3 =	vld.idx.msk [tilespmem:v12+s1+$0x0], $0xffff;
	v12 =	vor.u32 v28, v1  }
0x499: {  	v2 =	vadd.f32 v4, v2;
	v4 =	vld.idx.msk [tilespmem:v10+s1+$0x0], $0xffff;
	v5 =	vmul.f32 v9, v5  }
0x49a: {  	v9 =	vld.idx.msk [tilespmem:v10+s10+$0x0], $0xffff;
	v10 =	vor.u32 v16, v1  }
0x49b: {  	v6 =	vmul.f32 v6, v7;
	v7 =	vld.idx.msk [tilespmem:v11+s10+$0x0], $0xffff;
	v2 =	vadd.f32 v5, v2  }
0x49c: {  	v5 =	vld.idx.msk [tilespmem:v11+s1+$0x0], $0xffff;
	v11 =	vor.u32 v29, v1  }
0x49d: {  	v3 =	vmul.f32 v8, v3;
	v8 =	vld.idx.msk [tilespmem:v12+s10+$0x0], $0xffff;
	v2 =	vadd.f32 v6, v2  }
0x49e: {  	v6 =	vld.idx.msk [tilespmem:v12+s1+$0x0], $0xffff;
	v12 =	vor.u32 v17, v1  }
0x49f: {  	v4 =	vmul.f32 v9, v4;
	v9 =	vld.idx.msk [tilespmem:v10+s10+$0x0], $0xffff;
	v2 =	vadd.f32 v3, v2  }
0x4a0: {  	v3 =	vld.idx.msk [tilespmem:v10+s1+$0x0], $0xffff;
	v10 =	vor.u32 v30, v1  }
0x4a1: {  	v5 =	vmul.f32 v7, v5;
	v7 =	vld.idx.msk [tilespmem:v11+s10+$0x0], $0xffff;
	v2 =	vadd.f32 v4, v2  }
0x4a2: {  	v4 =	vld.idx.msk [tilespmem:v11+s1+$0x0], $0xffff;
	v11 =	vor.u32 v18, v1  }
0x4a3: {  	v6 =	vmul.f32 v8, v6;
	v8 =	vld.idx.msk [tilespmem:v12+s10+$0x0], $0xffff;
	v2 =	vadd.f32 v5, v2  }
0x4a4: {  	v5 =	vld.idx.msk [tilespmem:v12+s1+$0x0], $0xffff;
	v12 =	vor.u32 v31, v1  }
0x4a5: {  	v3 =	vmul.f32 v9, v3;
	v9 =	vld.idx.msk [tilespmem:v10+s10+$0x0], $0xffff;
	v2 =	vadd.f32 v6, v2  }
0x4a6: {  	v6 =	vld.idx.msk [tilespmem:v10+s1+$0x0], $0xffff;
	v10 =	vor.u32 v19, v1  }
0x4a7: {  	v4 =	vmul.f32 v7, v4;
	v7 =	vld.idx.msk [tilespmem:v11+s10+$0x0], $0xffff;
	v2 =	vadd.f32 v3, v2  }
0x4a8: {  	v3 =	vld.idx.msk [tilespmem:v11+s1+$0x0], $0xffff;
	v11 =	vor.u32 v32, v1  }
0x4a9: {  	v5 =	vmul.f32 v8, v5;
	v8 =	vld.idx.msk [tilespmem:v12+s10+$0x0], $0xffff;
	v2 =	vadd.f32 v4, v2  }
0x4aa: {  	v4 =	vld.idx.msk [tilespmem:v12+s1+$0x0], $0xffff;
	v12 =	vor.u32 v20, v1  }
0x4ab: {  	v6 =	vmul.f32 v9, v6;
	v9 =	vld.idx.msk [tilespmem:v10+s10+$0x0], $0xffff;
	v2 =	vadd.f32 v5, v2  }
0x4ac: {  	v5 =	vld.idx.msk [tilespmem:v10+s1+$0x0], $0xffff;
	v10 =	vor.u32 v33, v1  }
0x4ad: {  	v3 =	vmul.f32 v7, v3;
	v7 =	vld.idx.msk [tilespmem:v11+s10+$0x0], $0xffff;
	v2 =	vadd.f32 v6, v2  }
0x4ae: {  	v6 =	vld.idx.msk [tilespmem:v11+s1+$0x0], $0xffff;
	v11 =	vor.u32 v21, v1  }
0x4af: {  	v4 =	vmul.f32 v8, v4;
	v8 =	vld.idx.msk [tilespmem:v12+s10+$0x0], $0xffff;
	v2 =	vadd.f32 v3, v2  }
0x4b0: {  	v3 =	vld.idx.msk [tilespmem:v12+s1+$0x0], $0xffff;
	v12 =	vor.u32 v34, v1  }
0x4b1: {  	v5 =	vmul.f32 v9, v5;
	v9 =	vld.idx.msk [tilespmem:v10+s10+$0x0], $0xffff;
	v2 =	vadd.f32 v4, v2  }
0x4b2: {  	v4 =	vld.idx.msk [tilespmem:v10+s1+$0x0], $0xffff;
	v10 =	vor.u32 v22, v1  }
0x4b3: {  	v6 =	vmul.f32 v7, v6;
	v7 =	vld.idx.msk [tilespmem:v11+s10+$0x0], $0xffff;
	v2 =	vadd.f32 v5, v2  }
0x4b4: {  	v5 =	vld.idx.msk [tilespmem:v11+s1+$0x0], $0xffff;
	v11 =	vor.u32 v23, v1  }
0x4b5: {  	v3 =	vmul.f32 v8, v3;
	v8 =	vld.idx.msk [tilespmem:v12+s10+$0x0], $0xffff;
	v2 =	vadd.f32 v6, v2  }
0x4b6: {  	v6 =	vld.idx.msk [tilespmem:v12+s1+$0x0], $0xffff;
	v12 =	vor.u32 v24, v1  }
0x4b7: {  	v4 =	vmul.f32 v9, v4;
	v9 =	vld.idx.msk [tilespmem:v10+s10+$0x0], $0xffff;
	v2 =	vadd.f32 v3, v2  }
0x4b8: {  	v3 =	vld.idx.msk [tilespmem:v10+s1+$0x0], $0xffff;
	v10 =	vor.u32 v35, v1  }
0x4b9: {  	v5 =	vmul.f32 v7, v5;
	v7 =	vld.idx.msk [tilespmem:v11+s10+$0x0], $0xffff;
	v2 =	vadd.f32 v4, v2  }
0x4ba: {  	v4 =	vld.idx.msk [tilespmem:v11+s1+$0x0], $0xffff;
	v11 =	vor.u32 v25, v1  }
0x4bb: {  	v6 =	vmul.f32 v8, v6;
	v8 =	vld.idx.msk [tilespmem:v12+s10+$0x0], $0xffff;
	v2 =	vadd.f32 v5, v2  }
0x4bc: {  	v5 =	vld.idx.msk [tilespmem:v12+s1+$0x0], $0xffff;
	v12 =	vor.u32 v36, v1  }
0x4bd: {  	v3 =	vmul.f32 v9, v3;
	v9 =	vld.idx.msk [tilespmem:v10+s10+$0x0], $0xffff;
	v2 =	vadd.f32 v6, v2  }
0x4be: {  	v6 =	vld.idx.msk [tilespmem:v10+s1+$0x0], $0xffff;
	v10 =	vor.u32 v26, v1  }
0x4bf: {  	v4 =	vmul.f32 v7, v4;
	v7 =	vld.idx.msk [tilespmem:v11+s10+$0x0], $0xffff;
	v2 =	vadd.f32 v3, v2  }
0x4c0: {  	v3 =	vld.idx.msk [tilespmem:v11+s1+$0x0], $0xffff;
	v11 =	vor.u32 v39, v1  }
0x4c1: {  	v5 =	vmul.f32 v8, v5;
	v8 =	vld.idx.msk [tilespmem:v12+s10+$0x0], $0xffff;
	v2 =	vadd.f32 v4, v2  }
0x4c2: {  	v4 =	vld.idx.msk [tilespmem:v12+s1+$0x0], $0xffff;
	v12 =	vor.u32 v42, v1  }
0x4c3: {  	v6 =	vmul.f32 v9, v6;
	v9 =	vld.idx.msk [tilespmem:v10+s10+$0x0], $0xffff;
	v2 =	vadd.f32 v5, v2  }
0x4c4: {  	v5 =	vld.idx.msk [tilespmem:v10+s1+$0x0], $0xffff;
	v10 =	vor.u32 v43, v1  }
0x4c5: {  	v3 =	vmul.f32 v7, v3;
	v7 =	vld.idx.msk [tilespmem:v11+s10+$0x0], $0xffff;
	v2 =	vadd.f32 v6, v2  }
0x4c6: {  	v6 =	vld.idx.msk [tilespmem:v11+s1+$0x0], $0xffff;
	v11 =	vor.u32 v51, v1  }
0x4c7: {  	v4 =	vmul.f32 v8, v4;
	v8 =	vld.idx.msk [tilespmem:v12+s10+$0x0], $0xffff;
	v2 =	vadd.f32 v3, v2  }
0x4c8: {  	v3 =	vld.idx.msk [tilespmem:v12+s1+$0x0], $0xffff;
	v12 =	vor.u32 v52, v1  }
0x4c9: {  	v5 =	vmul.f32 v9, v5;
	v9 =	vld.idx.msk [tilespmem:v10+s10+$0x0], $0xffff;
	v2 =	vadd.f32 v4, v2  }
0x4ca: {  	v4 =	vld.idx.msk [tilespmem:v10+s1+$0x0], $0xffff;
	v10 =	vor.u32 v37, v1  }
0x4cb: {  	v6 =	vmul.f32 v7, v6;
	v7 =	vld.idx.msk [tilespmem:v11+s10+$0x0], $0xffff;
	v2 =	vadd.f32 v5, v2  }
0x4cc: {  	v5 =	vld.idx.msk [tilespmem:v11+s1+$0x0], $0xffff;
	v11 =	vor.u32 v38, v1  }
0x4cd: {  	v3 =	vmul.f32 v8, v3;
	v8 =	vld.idx.msk [tilespmem:v12+s10+$0x0], $0xffff;
	v2 =	vadd.f32 v6, v2  }
0x4ce: {  	v6 =	vld.idx.msk [tilespmem:v12+s1+$0x0], $0xffff;
	v12 =	vor.u32 v40, v1  }
0x4cf: {  	v4 =	vmul.f32 v9, v4;
	v9 =	vld.idx.msk [tilespmem:v10+s10+$0x0], $0xffff;
	v2 =	vadd.f32 v3, v2  }
0x4d0: {  	v3 =	vld.idx.msk [tilespmem:v10+s1+$0x0], $0xffff;
	v10 =	vor.u32 v41, v1  }
0x4d1: {  	v5 =	vmul.f32 v7, v5;
	v7 =	vld.idx.msk [tilespmem:v11+s10+$0x0], $0xffff;
	v2 =	vadd.f32 v4, v2  }
0x4d2: {  	v4 =	vld.idx.msk [tilespmem:v11+s1+$0x0], $0xffff;
	v11 =	vor.u32 v47, v1  }
0x4d3: {  	v6 =	vmul.f32 v8, v6;
	v8 =	vld.idx.msk [tilespmem:v12+s10+$0x0], $0xffff;
	v2 =	vadd.f32 v5, v2  }
0x4d4: {  	v5 =	vld.idx.msk [tilespmem:v12+s1+$0x0], $0xffff;
	v12 =	vor.u32 v48, v1  }
0x4d5: {  	v3 =	vmul.f32 v9, v3;
	v9 =	vld.idx.msk [tilespmem:v10+s10+$0x0], $0xffff;
	v2 =	vadd.f32 v6, v2  }
0x4d6: {  	v6 =	vld.idx.msk [tilespmem:v10+s1+$0x0], $0xffff;
	v10 =	vor.u32 v59, v1  }
0x4d7: {  	v4 =	vmul.f32 v7, v4;
	v7 =	vld.idx.msk [tilespmem:v11+s10+$0x0], $0xffff;
	v2 =	vadd.f32 v3, v2  }
0x4d8: {  	v3 =	vld.idx.msk [tilespmem:v11+s1+$0x0], $0xffff;
	v11 =	vor.u32 v61, v1  }
0x4d9: {  	v5 =	vmul.f32 v8, v5;
	v8 =	vld.idx.msk [tilespmem:v12+s10+$0x0], $0xffff;
	v2 =	vadd.f32 v4, v2  }
0x4da: {  	v4 =	vld.idx.msk [tilespmem:v12+s1+$0x0], $0xffff;
	v12 =	vor.u32 v44, v1  }
0x4db: {  	v6 =	vmul.f32 v9, v6;
	v9 =	vld.idx.msk [tilespmem:v10+s10+$0x0], $0xffff;
	v2 =	vadd.f32 v5, v2  }
0x4dc: {  	v5 =	vld.idx.msk [tilespmem:v10+s1+$0x0], $0xffff;
	v10 =	vor.u32 v45, v1  }
0x4dd: {  	v3 =	vmul.f32 v7, v3;
	v7 =	vld.idx.msk [tilespmem:v11+s10+$0x0], $0xffff;
	v2 =	vadd.f32 v6, v2  }
0x4de: {  	v6 =	vld.idx.msk [tilespmem:v11+s1+$0x0], $0xffff;
	v11 =	vor.u32 v62, v1  }
0x4df: {  	v4 =	vmul.f32 v8, v4;
	v8 =	vld.idx.msk [tilespmem:v12+s10+$0x0], $0xffff;
	v2 =	vadd.f32 v3, v2  }
0x4e0: {  	v3 =	vld.idx.msk [tilespmem:v12+s1+$0x0], $0xffff;
	v12 =	vor.u32 v50, v1  }
0x4e1: {  	v62 =	vld.idx.msk [tilespmem:v10+s10+$0x0], $0xffff;
	v2 =	vadd.f32 v4, v2;
	v4 =	vmul.f32 v9, v5  }
0x4e2: {  	v5 =	vld.idx.msk [tilespmem:v10+s1+$0x0], $0xffff;
	v10 =	vor.u32 v63, v1  }
0x4e3: {  	v63 =	vmul.f32 v7, v6;
	v6 =	vld.idx.msk [tilespmem:v11+s1+$0x0], $0xffff;
	v2 =	vadd.f32 v4, v2  }
0x4e4: {  	v7 =	vld.idx.msk [tilespmem:v11+s10+$0x0], $0xffff;
	v11 =	vor.u32 v46, v1  }
0x4e5: {  	v3 =	vmul.f32 v8, v3;
	v4 =	vld.idx.msk [tilespmem:v12+s1+$0x0], $0xffff;
	v2 =	vadd.f32 v63, v2  }
0x4e6: {  	v8 =	vld.idx.msk [tilespmem:v12+s10+$0x0], $0xffff;
	v12 =	vor.u32 v49, v1  }
0x4e7: {  	v62 =	vmul.f32 v62, v5;
	v5 =	vld.idx.msk [tilespmem:v10+s1+$0x0], $0xffff;
	v2 =	vadd.f32 v3, v2  }
0x4e8: {  	v46 =	vor.u32 v60, v1;
	v63 =	vld.idx.msk [tilespmem:v10+s10+$0x0], $0xffff  }
0x4e9: {  	v3 =	vld.idx.msk [tilespmem:v11+s1+$0x0], $0xffff;
	v6 =	vmul.f32 v7, v6;
	v2 =	vadd.f32 v62, v2  }
0x4ea: {  	v60 =	vor.u32 v53, v1;
	v49 =	vld.idx.msk [tilespmem:v11+s10+$0x0], $0xffff  }
0x4eb: {  	v4 =	vmul.f32 v8, v4;
	v62 =	vld.idx.msk [tilespmem:v12+s10+$0x0], $0xffff;
	v2 =	vadd.f32 v6, v2  }
0x4ec: {  	v6 =	vld.idx.msk [tilespmem:v12+s1+$0x0], $0xffff;
	v12 =	vor.u32 v54, v1  }
0x4ed: {  	v63 =	vmul.f32 v63, v5;
	v5 =	vld.idx.msk [tilespmem:v46+s1+$0x0], $0xffff;
	v2 =	vadd.f32 v4, v2  }
0x4ee: {  	v0 =	vor.u32 v0, v1;
	v46 =	vld.idx.msk [tilespmem:v46+s10+$0x0], $0xffff  }
0x4ef: {  	v3 =	vmul.f32 v49, v3;
	v49 =	vld.idx.msk [tilespmem:v60+s10+$0x0], $0xffff;
	v2 =	vadd.f32 v63, v2  }
0x4f0: {  	v4 =	vld.idx.msk [tilespmem:v60+s1+$0x0], $0xffff;
	v60 =	vor.u32 v55, v1  }
0x4f1: {  	v6 =	vmul.f32 v62, v6;
	v62 =	vld.idx.msk [tilespmem:v12+s10+$0x0], $0xffff;
	v2 =	vadd.f32 v3, v2  }
0x4f2: {  	v63 =	vor.u32 v56, v1;
	v3 =	vld.idx.msk [tilespmem:v12+s1+$0x0], $0xffff  }
0x4f3: {  	v5 =	vmul.f32 v46, v5;
	v2 =	vadd.f32 v6, v2;
	v6 =	vld.idx.msk [tilespmem:v0+s1+$0x0], $0xffff  }
0x4f4: {  	v46 =	vor.u32 v57, v1;
	v0 =	vld.idx.msk [tilespmem:v0+s10+$0x0], $0xffff  }
0x4f5: {  	v4 =	vmul.f32 v49, v4;
	v49 =	vld.idx.msk [tilespmem:v60+s1+$0x0], $0xffff;
	v2 =	vadd.f32 v5, v2  }
0x4f6: {  	v1 =	vor.u32 v58, v1;
	v60 =	vld.idx.msk [tilespmem:v60+s10+$0x0], $0xffff  }
0x4f7: {  	v3 =	vmul.f32 v62, v3;
	v62 =	vld.idx.msk [tilespmem:v63+s1+$0x0], $0xffff;
	v2 =	vadd.f32 v4, v2  }
0x4f8: {  	v63 =	vld.idx.msk [tilespmem:v63+s10+$0x0], $0xffff  }
0x4f9: {  	v11 =	vld.idx.msk [tilespmem:v46+s1+$0x0], $0xffff;
	v0 =	vmul.f32 v0, v6;
	v2 =	vadd.f32 v3, v2  }
0x4fa: {  	v46 =	vld.idx.msk [tilespmem:v46+s10+$0x0], $0xffff  }
0x4fb: {  	v49 =	vmul.f32 v60, v49;
	v60 =	vld.idx.msk [tilespmem:v1+s1+$0x0], $0xffff;
	v0 =	vadd.f32 v0, v2  }
0x4fc: {  	v1 =	vld.idx.msk [tilespmem:v1+s10+$0x0], $0xffff  }
0x4fd: {  	v62 =	vmul.f32 v63, v62;
	v0 =	vadd.f32 v49, v0;
	_ =	sdelay $0x1  }
0x4fe: {  	v63 =	vmul.f32 v46, v11;
	v0 =	vadd.f32 v62, v0;
	_ =	sdelay $0x1  }
0x4ff: {  	v1 =	vmul.f32 v1, v60;
	v0 =	vadd.f32 v63, v0;
	_ =	sdelay $0x1  }
0x500: {  	s12 =	sadd.s32 $0x1, s12;
	v0 =	vadd.f32 v1, v0  }
0x501: {  	s31 =	sand.u32 $0xF0, s14;
	p0 =	sne.s32 s12, s8  }
.Ltmp2:
0x502: {  	[tilespmem:s31+$0x10100] =	vst v0;
	(pc) =	sbr.rel @p0 .LBB2_1-.Ltmp2, $4  }
0x503: {  	[hbm4b:s7+s1] =	stream.linear.scatter [tilespmem:s11], [sflag:$0x1], $0x200, $0x38;
	[tilespmem:$0x10200] =	vst v63  }
0x504: {  	_ =	swait.ge [sflag:s9], $0x200  }
0x505: {  	[sflag:s9] =	ssyncset.done $0x0  }
0x506: {  	[sflag:s9] =	ssyncadd.s32 $0xFFFFFE00  }
0x507: {  	_ =	sfence.sel $0x180000  }
0x508: {  	[bflag:$0x0] =	sbarrier.arrive $0xFFFF  }
0x509: {  	p0 =	sne.s32 s2, $0x0;
	_ =	strace $0x90000047  }
0x50a: {  	s0 =	sadd.s32 @!p0 $0x100000, s0;
	[bflag:$0x2] =	sbarrier.arrive $0xFFFF  }
0x50b: {  	[sflag:s0] =	ssyncadd.tile.s32 @!p0 $0x1;
	_ =	shalt  }
.Lfunc_end2:
_tile_overlayer_lowered:
.L_overlay_start_2:
0x50c: {  	(tag) =	ssettag $0x2  }
0x50d: {  	s0 =	rddreg [dreg:$0x0];
	s2 =	stileid.u32  }
0x50e: {  	s1 =	rddreg [dreg:$0x1];
	p0 =	sne.s32 s2, $0x0  }
0x50f: {  	s3 =	rddreg [dreg:$0x2];
	[bflag:$0x3] =	sbarrier.arrive $0xFFFF;
	s2 =	simm.s32 @!p0 $0x1C01  }
0x510: {  	[timem:s3], [sflag:s2] =	dma.local @!p0 [hbm:s0], s1  }
0x511: {  	s0 =	simm.s32 @!p0 $0x1  }
0x512: {  	_ =	swait.ge @!p0 [sflag:s0], s1  }
0x513: {  	s1 =	ssub.s32 @!p0 $0x0, s1;
	[sflag:s0] =	ssyncset.done @!p0 $0x0  }
0x514: {  	[sflag:s0] =	ssyncadd.s32 @!p0 s1  }
0x515: {  	[bflag:$0x3] =	sbarrier.arrive $0xFFFF  }
0x516: {  	_ =	shalt  }

</sc_bundles>
